<compile_context>
chip_gen: v7x
topology: tpu7x:2x2x1
jax: 0.10.2.dev20260603
libtpu: 0.0.44.dev20260713+nightly
codegen_flags: <defaults>
</compile_context>

<pallas_src>
import functools

import jax
import jax.numpy as jnp
from jax import lax
from jax.experimental import pallas as pl
from jax.experimental.pallas import tpu as pltpu
from jax.experimental.pallas import tpu_sc as plsc

B = 16384
D = 32
NC = 2
NS = 16
L = 16
NW = NC * NS
CHUNK = B // NW
PACK = 8
NGRP = CHUNK // L
NBUF = 2

_mesh = plsc.VectorSubcoreMesh(core_axis_name="c", subcore_axis_name="s")


@functools.partial(
    pl.kernel,
    mesh=_mesh,
    out_type=jax.ShapeDtypeStruct((B,), jnp.float32),
    compiler_params=pltpu.CompilerParams(needs_layout_passes=False),
    scratch_types=[
        pltpu.VMEM((CHUNK,), jnp.int32),
        pltpu.VMEM((CHUNK,), jnp.int32),
        pltpu.VMEM((NBUF, L * PACK, D), jnp.float32),
        pltpu.VMEM((NBUF, L * PACK, D), jnp.float32),
        pltpu.VMEM((CHUNK,), jnp.float32),
        pltpu.SemaphoreType.DMA,
    ],
)
def _gmf(uidx_hbm, iidx_hbm, utab_hbm, itab_hbm, out_hbm,
         uidx_v, iidx_v, uslab_v, islab_v, out_v, sem):
    wid = lax.axis_index("s") * NC + lax.axis_index("c")
    base = wid * CHUNK

    pltpu.sync_copy(uidx_hbm.at[pl.ds(base, CHUNK)], uidx_v)
    pltpu.sync_copy(iidx_hbm.at[pl.ds(base, CHUNK)], iidx_v)

    lanes = lax.iota(jnp.int32, L)

    def fire(g, slot):
        uvec = uidx_v[pl.ds(g * L, L)]
        ivec = iidx_v[pl.ds(g * L, L)]
        ubase = uvec & ~(PACK - 1)
        ibase = ivec & ~(PACK - 1)
        for l in range(L):
            bu = pl.multiple_of(ubase[l], PACK)
            bi = pl.multiple_of(ibase[l], PACK)
            pltpu.async_copy(utab_hbm.at[pl.ds(bu, PACK), :],
                             uslab_v.at[slot, pl.ds(l * PACK, PACK), :], sem)
            pltpu.async_copy(itab_hbm.at[pl.ds(bi, PACK), :],
                             islab_v.at[slot, pl.ds(l * PACK, PACK), :], sem)

    def drain_compute(g, slot):
        pltpu.make_async_copy(utab_hbm.at[pl.ds(0, L * PACK), :],
                              uslab_v.at[slot], sem).wait()
        pltpu.make_async_copy(itab_hbm.at[pl.ds(0, L * PACK), :],
                              islab_v.at[slot], sem).wait()
        mu_vec = uidx_v[pl.ds(g * L, L)] & (PACK - 1)
        mi_vec = iidx_v[pl.ds(g * L, L)] & (PACK - 1)
        acc = jnp.zeros((L,), jnp.float32)
        for l in range(L):
            ru = l * PACK + mu_vec[l]
            ri = l * PACK + mi_vec[l]
            u0 = uslab_v[slot, ru, pl.ds(0, L)]
            u1 = uslab_v[slot, ru, pl.ds(L, L)]
            i0 = islab_v[slot, ri, pl.ds(0, L)]
            i1 = islab_v[slot, ri, pl.ds(L, L)]
            s = jnp.sum(u0 * i0 + u1 * i1)
            acc = jnp.where(lanes == l, s, acc)
        out_v[pl.ds(g * L, L)] = acc

    for p in range(NBUF):
        fire(jnp.int32(p), p)

    def body(g, carry):
        slot = lax.rem(g, NBUF)
        drain_compute(g, slot)
        nxt = g + NBUF

        @pl.when(nxt < NGRP)
        def _():
            fire(nxt, slot)

        return carry

    lax.fori_loop(0, NGRP, body, 0)

    pltpu.sync_copy(out_v, out_hbm.at[pl.ds(base, CHUNK)])


def kernel(user_input, item_input, user_table, item_table):
    return _gmf(user_input.astype(jnp.int32), item_input.astype(jnp.int32),
                user_table, item_table)

# --- scband reference (transcript-rebuilt; emitter-appended) ---
"""Pipeline reference for scband-gmf-90658169684242 (READ-ONLY COPY).

The authoritative reference and input builder live on the scoring server;
editing this copy changes nothing except your own understanding.
"""

import jax, jax.numpy as jnp
import numpy as np

N_USERS = 1000000
N_ITEMS = 1000000
EMBED_DIM = 32
BATCH = 16384


def setup_inputs(seed: int = 0) -> dict:
    key = jax.random.key(seed)
    k1, k2, k3, k4 = jax.random.split(key, 4)
    user_input = jax.random.randint(k1, (BATCH,), 0, N_USERS, dtype=jnp.int64 if jax.config.jax_enable_x64 else jnp.int32)
    item_input = jax.random.randint(k2, (BATCH,), 0, N_ITEMS, dtype=jnp.int64 if jax.config.jax_enable_x64 else jnp.int32)
    user_table = jax.random.normal(k3, (N_USERS, EMBED_DIM), dtype=jnp.float32)
    item_table = jax.random.normal(k4, (N_ITEMS, EMBED_DIM), dtype=jnp.float32)
    return {
        "user_input": user_input,
        "item_input": item_input,
        "user_table": user_table,
        "item_table": item_table,
    }


def reference(user_input, item_input, user_table, item_table):
    # GMF forward: embedding lookups -> elementwise product -> sum over embed dim
    user_embedded = jnp.take(user_table, user_input, axis=0)  # [B, D]
    item_embedded = jnp.take(item_table, item_input, axis=0)  # [B, D]
    element_product = (user_embedded * item_embedded).sum(axis=1)  # [B]
    # bias=False, sigmoid=False in this configuration; dropout not applied in forward
    return jnp.squeeze(element_product)

if __name__ == "__main__":
    import jax
    _d = setup_inputs()
    print(jax.jit(kernel)(*tuple(_d.values())))

</pallas_src>

<mosaic_0001>
#map = affine_map<(d0, d1) -> (0)>
#map1 = affine_map<(d0, d1) -> (0, 0)>
module attributes {stable_mosaic.version = 14 : i64} {
  func.func @_gmf(%arg0: i32, %arg1: i32, %arg2: memref<16384xi32, #tpu.memory_space<hbm>>, %arg3: memref<16384xi32, #tpu.memory_space<hbm>>, %arg4: memref<1000000x32xf32, #tpu.memory_space<hbm>>, %arg5: memref<1000000x32xf32, #tpu.memory_space<hbm>>, %arg6: memref<16384xf32, #tpu.memory_space<hbm>>, %arg7: memref<512xi32, #tpu.memory_space<vmem>>, %arg8: memref<512xi32, #tpu.memory_space<vmem>>, %arg9: memref<2x128x32xf32, #tpu.memory_space<vmem>>, %arg10: memref<2x128x32xf32, #tpu.memory_space<vmem>>, %arg11: memref<512xf32, #tpu.memory_space<vmem>>, %arg12: memref<!tpu.dma_semaphore, #tpu.memory_space<semaphore_mem>>) attributes {dimension_semantics = [#tpu.dimension_semantics<core_parallel>, #tpu.dimension_semantics<subcore_parallel>], iteration_bounds = array<i64: 2, 16>, scalar_prefetch = 0 : i64, scratch_operands = 6 : i64, tpu.core_type = #tpu.core_type<sc_vector_subcore>, window_params = [{transform_indices = #map}, {transform_indices = #map}, {transform_indices = #map1}, {transform_indices = #map1}, {transform_indices = #map}]} {
    %mul3A = arith.constant 2 : i32
    %mul3A_0 = arith.muli %arg1, %mul3A : i32
    %add3A = arith.addi %mul3A_0, %arg0 : i32
    %mul3A_1 = arith.constant 512 : i32
    %mul3A_2 = arith.muli %add3A, %mul3A_1 : i32
    "tpu.region"() ({
      %run_scoped3A = tpu.sem_alloc : memref<!tpu.dma_semaphore, #tpu.memory_space<semaphore_mem>>
      %dma_start3A_1058 = tpu.memref_slice %arg2[%mul3A_2] : memref<16384xi32, #tpu.memory_space<hbm>> -> memref<512xi32, #tpu.memory_space<hbm>>
      %dma_start3A_1059 = tpu.memref_slice %arg2[%mul3A_2] : memref<16384xi32, #tpu.memory_space<hbm>> -> memref<512xi32, #tpu.memory_space<hbm>>
      tpu.enqueue_dma source(%dma_start3A_1059 : memref<512xi32, #tpu.memory_space<hbm>>) target(%arg7 : memref<512xi32, #tpu.memory_space<vmem>>) target_semaphore(%run_scoped3A : memref<!tpu.dma_semaphore, #tpu.memory_space<semaphore_mem>>)
      %dma_wait3A = tpu.memref_slice %arg2[%mul3A_2] : memref<16384xi32, #tpu.memory_space<hbm>> -> memref<512xi32, #tpu.memory_space<hbm>>
      %dma_wait3A_1060 = tpu.memref_slice %arg2[%mul3A_2] : memref<16384xi32, #tpu.memory_space<hbm>> -> memref<512xi32, #tpu.memory_space<hbm>>
      tpu.wait_dma2 semaphore(%run_scoped3A : memref<!tpu.dma_semaphore, #tpu.memory_space<semaphore_mem>>) src(%dma_wait3A_1060 : memref<512xi32, #tpu.memory_space<hbm>>) dst(%arg7 : memref<512xi32, #tpu.memory_space<vmem>>)
      tpu.yield
    }) : () -> ()
    "tpu.region"() ({
      %run_scoped3A = tpu.sem_alloc : memref<!tpu.dma_semaphore, #tpu.memory_space<semaphore_mem>>
      %dma_start3A_1058 = tpu.memref_slice %arg3[%mul3A_2] : memref<16384xi32, #tpu.memory_space<hbm>> -> memref<512xi32, #tpu.memory_space<hbm>>
      %dma_start3A_1059 = tpu.memref_slice %arg3[%mul3A_2] : memref<16384xi32, #tpu.memory_space<hbm>> -> memref<512xi32, #tpu.memory_space<hbm>>
      tpu.enqueue_dma source(%dma_start3A_1059 : memref<512xi32, #tpu.memory_space<hbm>>) target(%arg8 : memref<512xi32, #tpu.memory_space<vmem>>) target_semaphore(%run_scoped3A : memref<!tpu.dma_semaphore, #tpu.memory_space<semaphore_mem>>)
      %dma_wait3A = tpu.memref_slice %arg3[%mul3A_2] : memref<16384xi32, #tpu.memory_space<hbm>> -> memref<512xi32, #tpu.memory_space<hbm>>
      %dma_wait3A_1060 = tpu.memref_slice %arg3[%mul3A_2] : memref<16384xi32, #tpu.memory_space<hbm>> -> memref<512xi32, #tpu.memory_space<hbm>>
      tpu.wait_dma2 semaphore(%run_scoped3A : memref<!tpu.dma_semaphore, #tpu.memory_space<semaphore_mem>>) src(%dma_wait3A_1060 : memref<512xi32, #tpu.memory_space<hbm>>) dst(%arg8 : memref<512xi32, #tpu.memory_space<vmem>>)
      tpu.yield
    }) : () -> ()
    %iota3A = tpu.iota {dimensions = array<i32: 0>} : vector<16xi32>
    %mul3A_3 = arith.constant 0 : i32
    %mul3A_4 = arith.constant 16 : i32
    %mul3A_5 = arith.muli %mul3A_3, %mul3A_4 : i32
    %get3A = arith.index_cast %mul3A_5 : i32 to index
    %get3A_6 = tpu.vector_load %arg7[%get3A] {strides = array<i32>} : memref<512xi32, #tpu.memory_space<vmem>>, vector<16xi32>,
    %mul3A_7 = arith.constant 0 : i32
    %mul3A_8 = arith.constant 16 : i32
    %mul3A_9 = arith.muli %mul3A_7, %mul3A_8 : i32
    %get3A_10 = arith.index_cast %mul3A_9 : i32 to index
    %get3A_11 = tpu.vector_load %arg8[%get3A_10] {strides = array<i32>} : memref<512xi32, #tpu.memory_space<vmem>>, vector<16xi32>,
    %and3A = arith.constant -8 : i32
    %and3A_12 = vector.broadcast %and3A : i32 to vector<16xi32>
    %and3A_13 = arith.andi %get3A_6, %and3A_12 : vector<16xi32>
    %and3A_14 = arith.constant -8 : i32
    %and3A_15 = vector.broadcast %and3A_14 : i32 to vector<16xi32>
    %and3A_16 = arith.andi %get3A_11, %and3A_15 : vector<16xi32>
    %slice3A = vector.extract_strided_slice %and3A_13 {offsets = [0], sizes = [1], strides = [1]} : vector<16xi32> to vector<1xi32>
    %squeeze3A = vector.extract %slice3A[0] : i32 from vector<1xi32>
    %multiple_of3A = tpu.assume_multiple %squeeze3A, 8 : i32
    %slice3A_17 = vector.extract_strided_slice %and3A_16 {offsets = [0], sizes = [1], strides = [1]} : vector<16xi32> to vector<1xi32>
    %squeeze3A_18 = vector.extract %slice3A_17[0] : i32 from vector<1xi32>
    %multiple_of3A_19 = tpu.assume_multiple %squeeze3A_18, 8 : i32
    %dma_start3A = arith.constant 0 : i32
    %dma_start3A_20 = arith.constant 0 : i32
    %dma_start3A_21 = arith.constant 0 : i32
    %dma_start3A_22 = tpu.memref_slice %arg9[%dma_start3A, %dma_start3A_20, %dma_start3A_21] : memref<2x128x32xf32, #tpu.memory_space<vmem>> -> memref<1x8x32xf32, #tpu.memory_space<vmem>>
    %dma_start3A_23 = tpu.memref_squeeze %dma_start3A_22 : memref<1x8x32xf32, #tpu.memory_space<vmem>> -> memref<8x32xf32, #tpu.memory_space<vmem>>
    %dma_start3A_24 = arith.constant 0 : i32
    %dma_start3A_25 = tpu.memref_slice %arg4[%multiple_of3A, %dma_start3A_24] : memref<1000000x32xf32, #tpu.memory_space<hbm>> -> memref<8x32xf32, #tpu.memory_space<hbm>>
    %dma_start3A_26 = arith.constant 0 : i32
    %dma_start3A_27 = arith.constant 0 : i32
    %dma_start3A_28 = tpu.memref_slice %arg9[%dma_start3A, %dma_start3A_26, %dma_start3A_27] : memref<2x128x32xf32, #tpu.memory_space<vmem>> -> memref<1x8x32xf32, #tpu.memory_space<vmem>>
    %dma_start3A_29 = tpu.memref_squeeze %dma_start3A_28 : memref<1x8x32xf32, #tpu.memory_space<vmem>> -> memref<8x32xf32, #tpu.memory_space<vmem>>
    %dma_start3A_30 = arith.constant 0 : i32
    %dma_start3A_31 = tpu.memref_slice %arg4[%multiple_of3A, %dma_start3A_30] : memref<1000000x32xf32, #tpu.memory_space<hbm>> -> memref<8x32xf32, #tpu.memory_space<hbm>>
    tpu.enqueue_dma source(%dma_start3A_31 : memref<8x32xf32, #tpu.memory_space<hbm>>) target(%dma_start3A_29 : memref<8x32xf32, #tpu.memory_space<vmem>>) target_semaphore(%arg12 : memref<!tpu.dma_semaphore, #tpu.memory_space<semaphore_mem>>)
    %dma_start3A_32 = arith.constant 0 : i32
    %dma_start3A_33 = arith.constant 0 : i32
    %dma_start3A_34 = arith.constant 0 : i32
    %dma_start3A_35 = tpu.memref_slice %arg10[%dma_start3A_32, %dma_start3A_33, %dma_start3A_34] : memref<2x128x32xf32, #tpu.memory_space<vmem>> -> memref<1x8x32xf32, #tpu.memory_space<vmem>>
    %dma_start3A_36 = tpu.memref_squeeze %dma_start3A_35 : memref<1x8x32xf32, #tpu.memory_space<vmem>> -> memref<8x32xf32, #tpu.memory_space<vmem>>
    %dma_start3A_37 = arith.constant 0 : i32
    %dma_start3A_38 = tpu.memref_slice %arg5[%multiple_of3A_19, %dma_start3A_37] : memref<1000000x32xf32, #tpu.memory_space<hbm>> -> memref<8x32xf32, #tpu.memory_space<hbm>>
    %dma_start3A_39 = arith.constant 0 : i32
    %dma_start3A_40 = arith.constant 0 : i32
    %dma_start3A_41 = tpu.memref_slice %arg10[%dma_start3A_32, %dma_start3A_39, %dma_start3A_40] : memref<2x128x32xf32, #tpu.memory_space<vmem>> -> memref<1x8x32xf32, #tpu.memory_space<vmem>>
    %dma_start3A_42 = tpu.memref_squeeze %dma_start3A_41 : memref<1x8x32xf32, #tpu.memory_space<vmem>> -> memref<8x32xf32, #tpu.memory_space<vmem>>
    %dma_start3A_43 = arith.constant 0 : i32
    %dma_start3A_44 = tpu.memref_slice %arg5[%multiple_of3A_19, %dma_start3A_43] : memref<1000000x32xf32, #tpu.memory_space<hbm>> -> memref<8x32xf32, #tpu.memory_space<hbm>>
    tpu.enqueue_dma source(%dma_start3A_44 : memref<8x32xf32, #tpu.memory_space<hbm>>) target(%dma_start3A_42 : memref<8x32xf32, #tpu.memory_space<vmem>>) target_semaphore(%arg12 : memref<!tpu.dma_semaphore, #tpu.memory_space<semaphore_mem>>)
    %slice3A_45 = vector.extract_strided_slice %and3A_13 {offsets = [1], sizes = [1], strides = [1]} : vector<16xi32> to vector<1xi32>
    %squeeze3A_46 = vector.extract %slice3A_45[0] : i32 from vector<1xi32>
    %multiple_of3A_47 = tpu.assume_multiple %squeeze3A_46, 8 : i32
    %slice3A_48 = vector.extract_strided_slice %and3A_16 {offsets = [1], sizes = [1], strides = [1]} : vector<16xi32> to vector<1xi32>
    %squeeze3A_49 = vector.extract %slice3A_48[0] : i32 from vector<1xi32>
    %multiple_of3A_50 = tpu.assume_multiple %squeeze3A_49, 8 : i32
    %dma_start3A_51 = arith.constant 0 : i32
    %dma_start3A_52 = arith.constant 8 : i32
    %dma_start3A_53 = arith.constant 0 : i32
    %dma_start3A_54 = tpu.memref_slice %arg9[%dma_start3A_51, %dma_start3A_52, %dma_start3A_53] : memref<2x128x32xf32, #tpu.memory_space<vmem>> -> memref<1x8x32xf32, #tpu.memory_space<vmem>>
    %dma_start3A_55 = tpu.memref_squeeze %dma_start3A_54 : memref<1x8x32xf32, #tpu.memory_space<vmem>> -> memref<8x32xf32, #tpu.memory_space<vmem>>
    %dma_start3A_56 = arith.constant 0 : i32
    %dma_start3A_57 = tpu.memref_slice %arg4[%multiple_of3A_47, %dma_start3A_56] : memref<1000000x32xf32, #tpu.memory_space<hbm>> -> memref<8x32xf32, #tpu.memory_space<hbm>>
    %dma_start3A_58 = arith.constant 8 : i32
    %dma_start3A_59 = arith.constant 0 : i32
    %dma_start3A_60 = tpu.memref_slice %arg9[%dma_start3A_51, %dma_start3A_58, %dma_start3A_59] : memref<2x128x32xf32, #tpu.memory_space<vmem>> -> memref<1x8x32xf32, #tpu.memory_space<vmem>>
    %dma_start3A_61 = tpu.memref_squeeze %dma_start3A_60 : memref<1x8x32xf32, #tpu.memory_space<vmem>> -> memref<8x32xf32, #tpu.memory_space<vmem>>
    %dma_start3A_62 = arith.constant 0 : i32
    %dma_start3A_63 = tpu.memref_slice %arg4[%multiple_of3A_47, %dma_start3A_62] : memref<1000000x32xf32, #tpu.memory_space<hbm>> -> memref<8x32xf32, #tpu.memory_space<hbm>>
    tpu.enqueue_dma source(%dma_start3A_63 : memref<8x32xf32, #tpu.memory_space<hbm>>) target(%dma_start3A_61 : memref<8x32xf32, #tpu.memory_space<vmem>>) target_semaphore(%arg12 : memref<!tpu.dma_semaphore, #tpu.memory_space<semaphore_mem>>)
    %dma_start3A_64 = arith.constant 0 : i32
    %dma_start3A_65 = arith.constant 8 : i32
    %dma_start3A_66 = arith.constant 0 : i32
    %dma_start3A_67 = tpu.memref_slice %arg10[%dma_start3A_64, %dma_start3A_65, %dma_start3A_66] : memref<2x128x32xf32, #tpu.memory_space<vmem>> -> memref<1x8x32xf32, #tpu.memory_space<vmem>>
    %dma_start3A_68 = tpu.memref_squeeze %dma_start3A_67 : memref<1x8x32xf32, #tpu.memory_space<vmem>> -> memref<8x32xf32, #tpu.memory_space<vmem>>
    %dma_start3A_69 = arith.constant 0 : i32
    %dma_start3A_70 = tpu.memref_slice %arg5[%multiple_of3A_50, %dma_start3A_69] : memref<1000000x32xf32, #tpu.memory_space<hbm>> -> memref<8x32xf32, #tpu.memory_space<hbm>>
    %dma_start3A_71 = arith.constant 8 : i32
    %dma_start3A_72 = arith.constant 0 : i32
    %dma_start3A_73 = tpu.memref_slice %arg10[%dma_start3A_64, %dma_start3A_71, %dma_start3A_72] : memref<2x128x32xf32, #tpu.memory_space<vmem>> -> memref<1x8x32xf32, #tpu.memory_space<vmem>>
    %dma_start3A_74 = tpu.memref_squeeze %dma_start3A_73 : memref<1x8x32xf32, #tpu.memory_space<vmem>> -> memref<8x32xf32, #tpu.memory_space<vmem>>
    %dma_start3A_75 = arith.constant 0 : i32
    %dma_start3A_76 = tpu.memref_slice %arg5[%multiple_of3A_50, %dma_start3A_75] : memref<1000000x32xf32, #tpu.memory_space<hbm>> -> memref<8x32xf32, #tpu.memory_space<hbm>>
    tpu.enqueue_dma source(%dma_start3A_76 : memref<8x32xf32, #tpu.memory_space<hbm>>) target(%dma_start3A_74 : memref<8x32xf32, #tpu.memory_space<vmem>>) target_semaphore(%arg12 : memref<!tpu.dma_semaphore, #tpu.memory_space<semaphore_mem>>)
    %slice3A_77 = vector.extract_strided_slice %and3A_13 {offsets = [2], sizes = [1], strides = [1]} : vector<16xi32> to vector<1xi32>
    %squeeze3A_78 = vector.extract %slice3A_77[0] : i32 from vector<1xi32>
    %multiple_of3A_79 = tpu.assume_multiple %squeeze3A_78, 8 : i32
    %slice3A_80 = vector.extract_strided_slice %and3A_16 {offsets = [2], sizes = [1], strides = [1]} : vector<16xi32> to vector<1xi32>
    %squeeze3A_81 = vector.extract %slice3A_80[0] : i32 from vector<1xi32>
    %multiple_of3A_82 = tpu.assume_multiple %squeeze3A_81, 8 : i32
    %dma_start3A_83 = arith.constant 0 : i32
    %dma_start3A_84 = arith.constant 16 : i32
    %dma_start3A_85 = arith.constant 0 : i32
    %dma_start3A_86 = tpu.memref_slice %arg9[%dma_start3A_83, %dma_start3A_84, %dma_start3A_85] : memref<2x128x32xf32, #tpu.memory_space<vmem>> -> memref<1x8x32xf32, #tpu.memory_space<vmem>>
    %dma_start3A_87 = tpu.memref_squeeze %dma_start3A_86 : memref<1x8x32xf32, #tpu.memory_space<vmem>> -> memref<8x32xf32, #tpu.memory_space<vmem>>
    %dma_start3A_88 = arith.constant 0 : i32
    %dma_start3A_89 = tpu.memref_slice %arg4[%multiple_of3A_79, %dma_start3A_88] : memref<1000000x32xf32, #tpu.memory_space<hbm>> -> memref<8x32xf32, #tpu.memory_space<hbm>>
    %dma_start3A_90 = arith.constant 16 : i32
    %dma_start3A_91 = arith.constant 0 : i32
    %dma_start3A_92 = tpu.memref_slice %arg9[%dma_start3A_83, %dma_start3A_90, %dma_start3A_91] : memref<2x128x32xf32, #tpu.memory_space<vmem>> -> memref<1x8x32xf32, #tpu.memory_space<vmem>>
    %dma_start3A_93 = tpu.memref_squeeze %dma_start3A_92 : memref<1x8x32xf32, #tpu.memory_space<vmem>> -> memref<8x32xf32, #tpu.memory_space<vmem>>
    %dma_start3A_94 = arith.constant 0 : i32
    %dma_start3A_95 = tpu.memref_slice %arg4[%multiple_of3A_79, %dma_start3A_94] : memref<1000000x32xf32, #tpu.memory_space<hbm>> -> memref<8x32xf32, #tpu.memory_space<hbm>>
    tpu.enqueue_dma source(%dma_start3A_95 : memref<8x32xf32, #tpu.memory_space<hbm>>) target(%dma_start3A_93 : memref<8x32xf32, #tpu.memory_space<vmem>>) target_semaphore(%arg12 : memref<!tpu.dma_semaphore, #tpu.memory_space<semaphore_mem>>)
    %dma_start3A_96 = arith.constant 0 : i32
    %dma_start3A_97 = arith.constant 16 : i32
    %dma_start3A_98 = arith.constant 0 : i32
    %dma_start3A_99 = tpu.memref_slice %arg10[%dma_start3A_96, %dma_start3A_97, %dma_start3A_98] : memref<2x128x32xf32, #tpu.memory_space<vmem>> -> memref<1x8x32xf32, #tpu.memory_space<vmem>>
    %dma_start3A_100 = tpu.memref_squeeze %dma_start3A_99 : memref<1x8x32xf32, #tpu.memory_space<vmem>> -> memref<8x32xf32, #tpu.memory_space<vmem>>
    %dma_start3A_101 = arith.constant 0 : i32
    %dma_start3A_102 = tpu.memref_slice %arg5[%multiple_of3A_82, %dma_start3A_101] : memref<1000000x32xf32, #tpu.memory_space<hbm>> -> memref<8x32xf32, #tpu.memory_space<hbm>>
    %dma_start3A_103 = arith.constant 16 : i32
    %dma_start3A_104 = arith.constant 0 : i32
    %dma_start3A_105 = tpu.memref_slice %arg10[%dma_start3A_96, %dma_start3A_103, %dma_start3A_104] : memref<2x128x32xf32, #tpu.memory_space<vmem>> -> memref<1x8x32xf32, #tpu.memory_space<vmem>>
    %dma_start3A_106 = tpu.memref_squeeze %dma_start3A_105 : memref<1x8x32xf32, #tpu.memory_space<vmem>> -> memref<8x32xf32, #tpu.memory_space<vmem>>
    %dma_start3A_107 = arith.constant 0 : i32
    %dma_start3A_108 = tpu.memref_slice %arg5[%multiple_of3A_82, %dma_start3A_107] : memref<1000000x32xf32, #tpu.memory_space<hbm>> -> memref<8x32xf32, #tpu.memory_space<hbm>>
    tpu.enqueue_dma source(%dma_start3A_108 : memref<8x32xf32, #tpu.memory_space<hbm>>) target(%dma_start3A_106 : memref<8x32xf32, #tpu.memory_space<vmem>>) target_semaphore(%arg12 : memref<!tpu.dma_semaphore, #tpu.memory_space<semaphore_mem>>)
    %slice3A_109 = vector.extract_strided_slice %and3A_13 {offsets = [3], sizes = [1], strides = [1]} : vector<16xi32> to vector<1xi32>
    %squeeze3A_110 = vector.extract %slice3A_109[0] : i32 from vector<1xi32>
    %multiple_of3A_111 = tpu.assume_multiple %squeeze3A_110, 8 : i32
    %slice3A_112 = vector.extract_strided_slice %and3A_16 {offsets = [3], sizes = [1], strides = [1]} : vector<16xi32> to vector<1xi32>
    %squeeze3A_113 = vector.extract %slice3A_112[0] : i32 from vector<1xi32>
    %multiple_of3A_114 = tpu.assume_multiple %squeeze3A_113, 8 : i32
    %dma_start3A_115 = arith.constant 0 : i32
    %dma_start3A_116 = arith.constant 24 : i32
    %dma_start3A_117 = arith.constant 0 : i32
    %dma_start3A_118 = tpu.memref_slice %arg9[%dma_start3A_115, %dma_start3A_116, %dma_start3A_117] : memref<2x128x32xf32, #tpu.memory_space<vmem>> -> memref<1x8x32xf32, #tpu.memory_space<vmem>>
    %dma_start3A_119 = tpu.memref_squeeze %dma_start3A_118 : memref<1x8x32xf32, #tpu.memory_space<vmem>> -> memref<8x32xf32, #tpu.memory_space<vmem>>
    %dma_start3A_120 = arith.constant 0 : i32
    %dma_start3A_121 = tpu.memref_slice %arg4[%multiple_of3A_111, %dma_start3A_120] : memref<1000000x32xf32, #tpu.memory_space<hbm>> -> memref<8x32xf32, #tpu.memory_space<hbm>>
    %dma_start3A_122 = arith.constant 24 : i32
    %dma_start3A_123 = arith.constant 0 : i32
    %dma_start3A_124 = tpu.memref_slice %arg9[%dma_start3A_115, %dma_start3A_122, %dma_start3A_123] : memref<2x128x32xf32, #tpu.memory_space<vmem>> -> memref<1x8x32xf32, #tpu.memory_space<vmem>>
    %dma_start3A_125 = tpu.memref_squeeze %dma_start3A_124 : memref<1x8x32xf32, #tpu.memory_space<vmem>> -> memref<8x32xf32, #tpu.memory_space<vmem>>
    %dma_start3A_126 = arith.constant 0 : i32
    %dma_start3A_127 = tpu.memref_slice %arg4[%multiple_of3A_111, %dma_start3A_126] : memref<1000000x32xf32, #tpu.memory_space<hbm>> -> memref<8x32xf32, #tpu.memory_space<hbm>>
    tpu.enqueue_dma source(%dma_start3A_127 : memref<8x32xf32, #tpu.memory_space<hbm>>) target(%dma_start3A_125 : memref<8x32xf32, #tpu.memory_space<vmem>>) target_semaphore(%arg12 : memref<!tpu.dma_semaphore, #tpu.memory_space<semaphore_mem>>)
    %dma_start3A_128 = arith.constant 0 : i32
    %dma_start3A_129 = arith.constant 24 : i32
    %dma_start3A_130 = arith.constant 0 : i32
    %dma_start3A_131 = tpu.memref_slice %arg10[%dma_start3A_128, %dma_start3A_129, %dma_start3A_130] : memref<2x128x32xf32, #tpu.memory_space<vmem>> -> memref<1x8x32xf32, #tpu.memory_space<vmem>>
    %dma_start3A_132 = tpu.memref_squeeze %dma_start3A_131 : memref<1x8x32xf32, #tpu.memory_space<vmem>> -> memref<8x32xf32, #tpu.memory_space<vmem>>
    %dma_start3A_133 = arith.constant 0 : i32
    %dma_start3A_134 = tpu.memref_slice %arg5[%multiple_of3A_114, %dma_start3A_133] : memref<1000000x32xf32, #tpu.memory_space<hbm>> -> memref<8x32xf32, #tpu.memory_space<hbm>>
    %dma_start3A_135 = arith.constant 24 : i32
    %dma_start3A_136 = arith.constant 0 : i32
    %dma_start3A_137 = tpu.memref_slice %arg10[%dma_start3A_128, %dma_start3A_135, %dma_start3A_136] : memref<2x128x32xf32, #tpu.memory_space<vmem>> -> memref<1x8x32xf32, #tpu.memory_space<vmem>>
    %dma_start3A_138 = tpu.memref_squeeze %dma_start3A_137 : memref<1x8x32xf32, #tpu.memory_space<vmem>> -> memref<8x32xf32, #tpu.memory_space<vmem>>
    %dma_start3A_139 = arith.constant 0 : i32
    %dma_start3A_140 = tpu.memref_slice %arg5[%multiple_of3A_114, %dma_start3A_139] : memref<1000000x32xf32, #tpu.memory_space<hbm>> -> memref<8x32xf32, #tpu.memory_space<hbm>>
    tpu.enqueue_dma source(%dma_start3A_140 : memref<8x32xf32, #tpu.memory_space<hbm>>) target(%dma_start3A_138 : memref<8x32xf32, #tpu.memory_space<vmem>>) target_semaphore(%arg12 : memref<!tpu.dma_semaphore, #tpu.memory_space<semaphore_mem>>)
    %slice3A_141 = vector.extract_strided_slice %and3A_13 {offsets = [4], sizes = [1], strides = [1]} : vector<16xi32> to vector<1xi32>
    %squeeze3A_142 = vector.extract %slice3A_141[0] : i32 from vector<1xi32>
    %multiple_of3A_143 = tpu.assume_multiple %squeeze3A_142, 8 : i32
    %slice3A_144 = vector.extract_strided_slice %and3A_16 {offsets = [4], sizes = [1], strides = [1]} : vector<16xi32> to vector<1xi32>
    %squeeze3A_145 = vector.extract %slice3A_144[0] : i32 from vector<1xi32>
    %multiple_of3A_146 = tpu.assume_multiple %squeeze3A_145, 8 : i32
    %dma_start3A_147 = arith.constant 0 : i32
    %dma_start3A_148 = arith.constant 32 : i32
    %dma_start3A_149 = arith.constant 0 : i32
    %dma_start3A_150 = tpu.memref_slice %arg9[%dma_start3A_147, %dma_start3A_148, %dma_start3A_149] : memref<2x128x32xf32, #tpu.memory_space<vmem>> -> memref<1x8x32xf32, #tpu.memory_space<vmem>>
    %dma_start3A_151 = tpu.memref_squeeze %dma_start3A_150 : memref<1x8x32xf32, #tpu.memory_space<vmem>> -> memref<8x32xf32, #tpu.memory_space<vmem>>
    %dma_start3A_152 = arith.constant 0 : i32
    %dma_start3A_153 = tpu.memref_slice %arg4[%multiple_of3A_143, %dma_start3A_152] : memref<1000000x32xf32, #tpu.memory_space<hbm>> -> memref<8x32xf32, #tpu.memory_space<hbm>>
    %dma_start3A_154 = arith.constant 32 : i32
    %dma_start3A_155 = arith.constant 0 : i32
    %dma_start3A_156 = tpu.memref_slice %arg9[%dma_start3A_147, %dma_start3A_154, %dma_start3A_155] : memref<2x128x32xf32, #tpu.memory_space<vmem>> -> memref<1x8x32xf32, #tpu.memory_space<vmem>>
    %dma_start3A_157 = tpu.memref_squeeze %dma_start3A_156 : memref<1x8x32xf32, #tpu.memory_space<vmem>> -> memref<8x32xf32, #tpu.memory_space<vmem>>
    %dma_start3A_158 = arith.constant 0 : i32
    %dma_start3A_159 = tpu.memref_slice %arg4[%multiple_of3A_143, %dma_start3A_158] : memref<1000000x32xf32, #tpu.memory_space<hbm>> -> memref<8x32xf32, #tpu.memory_space<hbm>>
    tpu.enqueue_dma source(%dma_start3A_159 : memref<8x32xf32, #tpu.memory_space<hbm>>) target(%dma_start3A_157 : memref<8x32xf32, #tpu.memory_space<vmem>>) target_semaphore(%arg12 : memref<!tpu.dma_semaphore, #tpu.memory_space<semaphore_mem>>)
    %dma_start3A_160 = arith.constant 0 : i32
    %dma_start3A_161 = arith.constant 32 : i32
    %dma_start3A_162 = arith.constant 0 : i32
    %dma_start3A_163 = tpu.memref_slice %arg10[%dma_start3A_160, %dma_start3A_161, %dma_start3A_162] : memref<2x128x32xf32, #tpu.memory_space<vmem>> -> memref<1x8x32xf32, #tpu.memory_space<vmem>>
    %dma_start3A_164 = tpu.memref_squeeze %dma_start3A_163 : memref<1x8x32xf32, #tpu.memory_space<vmem>> -> memref<8x32xf32, #tpu.memory_space<vmem>>
    %dma_start3A_165 = arith.constant 0 : i32
    %dma_start3A_166 = tpu.memref_slice %arg5[%multiple_of3A_146, %dma_start3A_165] : memref<1000000x32xf32, #tpu.memory_space<hbm>> -> memref<8x32xf32, #tpu.memory_space<hbm>>
    %dma_start3A_167 = arith.constant 32 : i32
    %dma_start3A_168 = arith.constant 0 : i32
    %dma_start3A_169 = tpu.memref_slice %arg10[%dma_start3A_160, %dma_start3A_167, %dma_start3A_168] : memref<2x128x32xf32, #tpu.memory_space<vmem>> -> memref<1x8x32xf32, #tpu.memory_space<vmem>>
    %dma_start3A_170 = tpu.memref_squeeze %dma_start3A_169 : memref<1x8x32xf32, #tpu.memory_space<vmem>> -> memref<8x32xf32, #tpu.memory_space<vmem>>
    %dma_start3A_171 = arith.constant 0 : i32
    %dma_start3A_172 = tpu.memref_slice %arg5[%multiple_of3A_146, %dma_start3A_171] : memref<1000000x32xf32, #tpu.memory_space<hbm>> -> memref<8x32xf32, #tpu.memory_space<hbm>>
    tpu.enqueue_dma source(%dma_start3A_172 : memref<8x32xf32, #tpu.memory_space<hbm>>) target(%dma_start3A_170 : memref<8x32xf32, #tpu.memory_space<vmem>>) target_semaphore(%arg12 : memref<!tpu.dma_semaphore, #tpu.memory_space<semaphore_mem>>)
    %slice3A_173 = vector.extract_strided_slice %and3A_13 {offsets = [5], sizes = [1], strides = [1]} : vector<16xi32> to vector<1xi32>
    %squeeze3A_174 = vector.extract %slice3A_173[0] : i32 from vector<1xi32>
    %multiple_of3A_175 = tpu.assume_multiple %squeeze3A_174, 8 : i32
    %slice3A_176 = vector.extract_strided_slice %and3A_16 {offsets = [5], sizes = [1], strides = [1]} : vector<16xi32> to vector<1xi32>
    %squeeze3A_177 = vector.extract %slice3A_176[0] : i32 from vector<1xi32>
    %multiple_of3A_178 = tpu.assume_multiple %squeeze3A_177, 8 : i32
    %dma_start3A_179 = arith.constant 0 : i32
    %dma_start3A_180 = arith.constant 40 : i32
    %dma_start3A_181 = arith.constant 0 : i32
    %dma_start3A_182 = tpu.memref_slice %arg9[%dma_start3A_179, %dma_start3A_180, %dma_start3A_181] : memref<2x128x32xf32, #tpu.memory_space<vmem>> -> memref<1x8x32xf32, #tpu.memory_space<vmem>>
    %dma_start3A_183 = tpu.memref_squeeze %dma_start3A_182 : memref<1x8x32xf32, #tpu.memory_space<vmem>> -> memref<8x32xf32, #tpu.memory_space<vmem>>
    %dma_start3A_184 = arith.constant 0 : i32
    %dma_start3A_185 = tpu.memref_slice %arg4[%multiple_of3A_175, %dma_start3A_184] : memref<1000000x32xf32, #tpu.memory_space<hbm>> -> memref<8x32xf32, #tpu.memory_space<hbm>>
    %dma_start3A_186 = arith.constant 40 : i32
    %dma_start3A_187 = arith.constant 0 : i32
    %dma_start3A_188 = tpu.memref_slice %arg9[%dma_start3A_179, %dma_start3A_186, %dma_start3A_187] : memref<2x128x32xf32, #tpu.memory_space<vmem>> -> memref<1x8x32xf32, #tpu.memory_space<vmem>>
    %dma_start3A_189 = tpu.memref_squeeze %dma_start3A_188 : memref<1x8x32xf32, #tpu.memory_space<vmem>> -> memref<8x32xf32, #tpu.memory_space<vmem>>
    %dma_start3A_190 = arith.constant 0 : i32
    %dma_start3A_191 = tpu.memref_slice %arg4[%multiple_of3A_175, %dma_start3A_190] : memref<1000000x32xf32, #tpu.memory_space<hbm>> -> memref<8x32xf32, #tpu.memory_space<hbm>>
    tpu.enqueue_dma source(%dma_start3A_191 : memref<8x32xf32, #tpu.memory_space<hbm>>) target(%dma_start3A_189 : memref<8x32xf32, #tpu.memory_space<vmem>>) target_semaphore(%arg12 : memref<!tpu.dma_semaphore, #tpu.memory_space<semaphore_mem>>)
    %dma_start3A_192 = arith.constant 0 : i32
    %dma_start3A_193 = arith.constant 40 : i32
    %dma_start3A_194 = arith.constant 0 : i32
    %dma_start3A_195 = tpu.memref_slice %arg10[%dma_start3A_192, %dma_start3A_193, %dma_start3A_194] : memref<2x128x32xf32, #tpu.memory_space<vmem>> -> memref<1x8x32xf32, #tpu.memory_space<vmem>>
    %dma_start3A_196 = tpu.memref_squeeze %dma_start3A_195 : memref<1x8x32xf32, #tpu.memory_space<vmem>> -> memref<8x32xf32, #tpu.memory_space<vmem>>
    %dma_start3A_197 = arith.constant 0 : i32
    %dma_start3A_198 = tpu.memref_slice %arg5[%multiple_of3A_178, %dma_start3A_197] : memref<1000000x32xf32, #tpu.memory_space<hbm>> -> memref<8x32xf32, #tpu.memory_space<hbm>>
    %dma_start3A_199 = arith.constant 40 : i32
    %dma_start3A_200 = arith.constant 0 : i32
    %dma_start3A_201 = tpu.memref_slice %arg10[%dma_start3A_192, %dma_start3A_199, %dma_start3A_200] : memref<2x128x32xf32, #tpu.memory_space<vmem>> -> memref<1x8x32xf32, #tpu.memory_space<vmem>>
    %dma_start3A_202 = tpu.memref_squeeze %dma_start3A_201 : memref<1x8x32xf32, #tpu.memory_space<vmem>> -> memref<8x32xf32, #tpu.memory_space<vmem>>
    %dma_start3A_203 = arith.constant 0 : i32
    %dma_start3A_204 = tpu.memref_slice %arg5[%multiple_of3A_178, %dma_start3A_203] : memref<1000000x32xf32, #tpu.memory_space<hbm>> -> memref<8x32xf32, #tpu.memory_space<hbm>>
    tpu.enqueue_dma source(%dma_start3A_204 : memref<8x32xf32, #tpu.memory_space<hbm>>) target(%dma_start3A_202 : memref<8x32xf32, #tpu.memory_space<vmem>>) target_semaphore(%arg12 : memref<!tpu.dma_semaphore, #tpu.memory_space<semaphore_mem>>)
    %slice3A_205 = vector.extract_strided_slice %and3A_13 {offsets = [6], sizes = [1], strides = [1]} : vector<16xi32> to vector<1xi32>
    %squeeze3A_206 = vector.extract %slice3A_205[0] : i32 from vector<1xi32>
    %multiple_of3A_207 = tpu.assume_multiple %squeeze3A_206, 8 : i32
    %slice3A_208 = vector.extract_strided_slice %and3A_16 {offsets = [6], sizes = [1], strides = [1]} : vector<16xi32> to vector<1xi32>
    %squeeze3A_209 = vector.extract %slice3A_208[0] : i32 from vector<1xi32>
    %multiple_of3A_210 = tpu.assume_multiple %squeeze3A_209, 8 : i32
    %dma_start3A_211 = arith.constant 0 : i32
    %dma_start3A_212 = arith.constant 48 : i32
    %dma_start3A_213 = arith.constant 0 : i32
    %dma_start3A_214 = tpu.memref_slice %arg9[%dma_start3A_211, %dma_start3A_212, %dma_start3A_213] : memref<2x128x32xf32, #tpu.memory_space<vmem>> -> memref<1x8x32xf32, #tpu.memory_space<vmem>>
    %dma_start3A_215 = tpu.memref_squeeze %dma_start3A_214 : memref<1x8x32xf32, #tpu.memory_space<vmem>> -> memref<8x32xf32, #tpu.memory_space<vmem>>
    %dma_start3A_216 = arith.constant 0 : i32
    %dma_start3A_217 = tpu.memref_slice %arg4[%multiple_of3A_207, %dma_start3A_216] : memref<1000000x32xf32, #tpu.memory_space<hbm>> -> memref<8x32xf32, #tpu.memory_space<hbm>>
    %dma_start3A_218 = arith.constant 48 : i32
    %dma_start3A_219 = arith.constant 0 : i32
    %dma_start3A_220 = tpu.memref_slice %arg9[%dma_start3A_211, %dma_start3A_218, %dma_start3A_219] : memref<2x128x32xf32, #tpu.memory_space<vmem>> -> memref<1x8x32xf32, #tpu.memory_space<vmem>>
    %dma_start3A_221 = tpu.memref_squeeze %dma_start3A_220 : memref<1x8x32xf32, #tpu.memory_space<vmem>> -> memref<8x32xf32, #tpu.memory_space<vmem>>
    %dma_start3A_222 = arith.constant 0 : i32
    %dma_start3A_223 = tpu.memref_slice %arg4[%multiple_of3A_207, %dma_start3A_222] : memref<1000000x32xf32, #tpu.memory_space<hbm>> -> memref<8x32xf32, #tpu.memory_space<hbm>>
    tpu.enqueue_dma source(%dma_start3A_223 : memref<8x32xf32, #tpu.memory_space<hbm>>) target(%dma_start3A_221 : memref<8x32xf32, #tpu.memory_space<vmem>>) target_semaphore(%arg12 : memref<!tpu.dma_semaphore, #tpu.memory_space<semaphore_mem>>)
    %dma_start3A_224 = arith.constant 0 : i32
    %dma_start3A_225 = arith.constant 48 : i32
    %dma_start3A_226 = arith.constant 0 : i32
    %dma_start3A_227 = tpu.memref_slice %arg10[%dma_start3A_224, %dma_start3A_225, %dma_start3A_226] : memref<2x128x32xf32, #tpu.memory_space<vmem>> -> memref<1x8x32xf32, #tpu.memory_space<vmem>>
    %dma_start3A_228 = tpu.memref_squeeze %dma_start3A_227 : memref<1x8x32xf32, #tpu.memory_space<vmem>> -> memref<8x32xf32, #tpu.memory_space<vmem>>
    %dma_start3A_229 = arith.constant 0 : i32
    %dma_start3A_230 = tpu.memref_slice %arg5[%multiple_of3A_210, %dma_start3A_229] : memref<1000000x32xf32, #tpu.memory_space<hbm>> -> memref<8x32xf32, #tpu.memory_space<hbm>>
    %dma_start3A_231 = arith.constant 48 : i32
    %dma_start3A_232 = arith.constant 0 : i32
    %dma_start3A_233 = tpu.memref_slice %arg10[%dma_start3A_224, %dma_start3A_231, %dma_start3A_232] : memref<2x128x32xf32, #tpu.memory_space<vmem>> -> memref<1x8x32xf32, #tpu.memory_space<vmem>>
    %dma_start3A_234 = tpu.memref_squeeze %dma_start3A_233 : memref<1x8x32xf32, #tpu.memory_space<vmem>> -> memref<8x32xf32, #tpu.memory_space<vmem>>
    %dma_start3A_235 = arith.constant 0 : i32
    %dma_start3A_236 = tpu.memref_slice %arg5[%multiple_of3A_210, %dma_start3A_235] : memref<1000000x32xf32, #tpu.memory_space<hbm>> -> memref<8x32xf32, #tpu.memory_space<hbm>>
    tpu.enqueue_dma source(%dma_start3A_236 : memref<8x32xf32, #tpu.memory_space<hbm>>) target(%dma_start3A_234 : memref<8x32xf32, #tpu.memory_space<vmem>>) target_semaphore(%arg12 : memref<!tpu.dma_semaphore, #tpu.memory_space<semaphore_mem>>)
    %slice3A_237 = vector.extract_strided_slice %and3A_13 {offsets = [7], sizes = [1], strides = [1]} : vector<16xi32> to vector<1xi32>
    %squeeze3A_238 = vector.extract %slice3A_237[0] : i32 from vector<1xi32>
    %multiple_of3A_239 = tpu.assume_multiple %squeeze3A_238, 8 : i32
    %slice3A_240 = vector.extract_strided_slice %and3A_16 {offsets = [7], sizes = [1], strides = [1]} : vector<16xi32> to vector<1xi32>
    %squeeze3A_241 = vector.extract %slice3A_240[0] : i32 from vector<1xi32>
    %multiple_of3A_242 = tpu.assume_multiple %squeeze3A_241, 8 : i32
    %dma_start3A_243 = arith.constant 0 : i32
    %dma_start3A_244 = arith.constant 56 : i32
    %dma_start3A_245 = arith.constant 0 : i32
    %dma_start3A_246 = tpu.memref_slice %arg9[%dma_start3A_243, %dma_start3A_244, %dma_start3A_245] : memref<2x128x32xf32, #tpu.memory_space<vmem>> -> memref<1x8x32xf32, #tpu.memory_space<vmem>>
    %dma_start3A_247 = tpu.memref_squeeze %dma_start3A_246 : memref<1x8x32xf32, #tpu.memory_space<vmem>> -> memref<8x32xf32, #tpu.memory_space<vmem>>
    %dma_start3A_248 = arith.constant 0 : i32
    %dma_start3A_249 = tpu.memref_slice %arg4[%multiple_of3A_239, %dma_start3A_248] : memref<1000000x32xf32, #tpu.memory_space<hbm>> -> memref<8x32xf32, #tpu.memory_space<hbm>>
    %dma_start3A_250 = arith.constant 56 : i32
    %dma_start3A_251 = arith.constant 0 : i32
    %dma_start3A_252 = tpu.memref_slice %arg9[%dma_start3A_243, %dma_start3A_250, %dma_start3A_251] : memref<2x128x32xf32, #tpu.memory_space<vmem>> -> memref<1x8x32xf32, #tpu.memory_space<vmem>>
    %dma_start3A_253 = tpu.memref_squeeze %dma_start3A_252 : memref<1x8x32xf32, #tpu.memory_space<vmem>> -> memref<8x32xf32, #tpu.memory_space<vmem>>
    %dma_start3A_254 = arith.constant 0 : i32
    %dma_start3A_255 = tpu.memref_slice %arg4[%multiple_of3A_239, %dma_start3A_254] : memref<1000000x32xf32, #tpu.memory_space<hbm>> -> memref<8x32xf32, #tpu.memory_space<hbm>>
    tpu.enqueue_dma source(%dma_start3A_255 : memref<8x32xf32, #tpu.memory_space<hbm>>) target(%dma_start3A_253 : memref<8x32xf32, #tpu.memory_space<vmem>>) target_semaphore(%arg12 : memref<!tpu.dma_semaphore, #tpu.memory_space<semaphore_mem>>)
    %dma_start3A_256 = arith.constant 0 : i32
    %dma_start3A_257 = arith.constant 56 : i32
    %dma_start3A_258 = arith.constant 0 : i32
    %dma_start3A_259 = tpu.memref_slice %arg10[%dma_start3A_256, %dma_start3A_257, %dma_start3A_258] : memref<2x128x32xf32, #tpu.memory_space<vmem>> -> memref<1x8x32xf32, #tpu.memory_space<vmem>>
    %dma_start3A_260 = tpu.memref_squeeze %dma_start3A_259 : memref<1x8x32xf32, #tpu.memory_space<vmem>> -> memref<8x32xf32, #tpu.memory_space<vmem>>
    %dma_start3A_261 = arith.constant 0 : i32
    %dma_start3A_262 = tpu.memref_slice %arg5[%multiple_of3A_242, %dma_start3A_261] : memref<1000000x32xf32, #tpu.memory_space<hbm>> -> memref<8x32xf32, #tpu.memory_space<hbm>>
    %dma_start3A_263 = arith.constant 56 : i32
    %dma_start3A_264 = arith.constant 0 : i32
    %dma_start3A_265 = tpu.memref_slice %arg10[%dma_start3A_256, %dma_start3A_263, %dma_start3A_264] : memref<2x128x32xf32, #tpu.memory_space<vmem>> -> memref<1x8x32xf32, #tpu.memory_space<vmem>>
    %dma_start3A_266 = tpu.memref_squeeze %dma_start3A_265 : memref<1x8x32xf32, #tpu.memory_space<vmem>> -> memref<8x32xf32, #tpu.memory_space<vmem>>
    %dma_start3A_267 = arith.constant 0 : i32
    %dma_start3A_268 = tpu.memref_slice %arg5[%multiple_of3A_242, %dma_start3A_267] : memref<1000000x32xf32, #tpu.memory_space<hbm>> -> memref<8x32xf32, #tpu.memory_space<hbm>>
    tpu.enqueue_dma source(%dma_start3A_268 : memref<8x32xf32, #tpu.memory_space<hbm>>) target(%dma_start3A_266 : memref<8x32xf32, #tpu.memory_space<vmem>>) target_semaphore(%arg12 : memref<!tpu.dma_semaphore, #tpu.memory_space<semaphore_mem>>)
    %slice3A_269 = vector.extract_strided_slice %and3A_13 {offsets = [8], sizes = [1], strides = [1]} : vector<16xi32> to vector<1xi32>
    %squeeze3A_270 = vector.extract %slice3A_269[0] : i32 from vector<1xi32>
    %multiple_of3A_271 = tpu.assume_multiple %squeeze3A_270, 8 : i32
    %slice3A_272 = vector.extract_strided_slice %and3A_16 {offsets = [8], sizes = [1], strides = [1]} : vector<16xi32> to vector<1xi32>
    %squeeze3A_273 = vector.extract %slice3A_272[0] : i32 from vector<1xi32>
    %multiple_of3A_274 = tpu.assume_multiple %squeeze3A_273, 8 : i32
    %dma_start3A_275 = arith.constant 0 : i32
    %dma_start3A_276 = arith.constant 64 : i32
    %dma_start3A_277 = arith.constant 0 : i32
    %dma_start3A_278 = tpu.memref_slice %arg9[%dma_start3A_275, %dma_start3A_276, %dma_start3A_277] : memref<2x128x32xf32, #tpu.memory_space<vmem>> -> memref<1x8x32xf32, #tpu.memory_space<vmem>>
    %dma_start3A_279 = tpu.memref_squeeze %dma_start3A_278 : memref<1x8x32xf32, #tpu.memory_space<vmem>> -> memref<8x32xf32, #tpu.memory_space<vmem>>
    %dma_start3A_280 = arith.constant 0 : i32
    %dma_start3A_281 = tpu.memref_slice %arg4[%multiple_of3A_271, %dma_start3A_280] : memref<1000000x32xf32, #tpu.memory_space<hbm>> -> memref<8x32xf32, #tpu.memory_space<hbm>>
    %dma_start3A_282 = arith.constant 64 : i32
    %dma_start3A_283 = arith.constant 0 : i32
    %dma_start3A_284 = tpu.memref_slice %arg9[%dma_start3A_275, %dma_start3A_282, %dma_start3A_283] : memref<2x128x32xf32, #tpu.memory_space<vmem>> -> memref<1x8x32xf32, #tpu.memory_space<vmem>>
    %dma_start3A_285 = tpu.memref_squeeze %dma_start3A_284 : memref<1x8x32xf32, #tpu.memory_space<vmem>> -> memref<8x32xf32, #tpu.memory_space<vmem>>
    %dma_start3A_286 = arith.constant 0 : i32
    %dma_start3A_287 = tpu.memref_slice %arg4[%multiple_of3A_271, %dma_start3A_286] : memref<1000000x32xf32, #tpu.memory_space<hbm>> -> memref<8x32xf32, #tpu.memory_space<hbm>>
    tpu.enqueue_dma source(%dma_start3A_287 : memref<8x32xf32, #tpu.memory_space<hbm>>) target(%dma_start3A_285 : memref<8x32xf32, #tpu.memory_space<vmem>>) target_semaphore(%arg12 : memref<!tpu.dma_semaphore, #tpu.memory_space<semaphore_mem>>)
    %dma_start3A_288 = arith.constant 0 : i32
    %dma_start3A_289 = arith.constant 64 : i32
    %dma_start3A_290 = arith.constant 0 : i32
    %dma_start3A_291 = tpu.memref_slice %arg10[%dma_start3A_288, %dma_start3A_289, %dma_start3A_290] : memref<2x128x32xf32, #tpu.memory_space<vmem>> -> memref<1x8x32xf32, #tpu.memory_space<vmem>>
    %dma_start3A_292 = tpu.memref_squeeze %dma_start3A_291 : memref<1x8x32xf32, #tpu.memory_space<vmem>> -> memref<8x32xf32, #tpu.memory_space<vmem>>
    %dma_start3A_293 = arith.constant 0 : i32
    %dma_start3A_294 = tpu.memref_slice %arg5[%multiple_of3A_274, %dma_start3A_293] : memref<1000000x32xf32, #tpu.memory_space<hbm>> -> memref<8x32xf32, #tpu.memory_space<hbm>>
    %dma_start3A_295 = arith.constant 64 : i32
    %dma_start3A_296 = arith.constant 0 : i32
    %dma_start3A_297 = tpu.memref_slice %arg10[%dma_start3A_288, %dma_start3A_295, %dma_start3A_296] : memref<2x128x32xf32, #tpu.memory_space<vmem>> -> memref<1x8x32xf32, #tpu.memory_space<vmem>>
    %dma_start3A_298 = tpu.memref_squeeze %dma_start3A_297 : memref<1x8x32xf32, #tpu.memory_space<vmem>> -> memref<8x32xf32, #tpu.memory_space<vmem>>
    %dma_start3A_299 = arith.constant 0 : i32
    %dma_start3A_300 = tpu.memref_slice %arg5[%multiple_of3A_274, %dma_start3A_299] : memref<1000000x32xf32, #tpu.memory_space<hbm>> -> memref<8x32xf32, #tpu.memory_space<hbm>>
    tpu.enqueue_dma source(%dma_start3A_300 : memref<8x32xf32, #tpu.memory_space<hbm>>) target(%dma_start3A_298 : memref<8x32xf32, #tpu.memory_space<vmem>>) target_semaphore(%arg12 : memref<!tpu.dma_semaphore, #tpu.memory_space<semaphore_mem>>)
    %slice3A_301 = vector.extract_strided_slice %and3A_13 {offsets = [9], sizes = [1], strides = [1]} : vector<16xi32> to vector<1xi32>
    %squeeze3A_302 = vector.extract %slice3A_301[0] : i32 from vector<1xi32>
    %multiple_of3A_303 = tpu.assume_multiple %squeeze3A_302, 8 : i32
    %slice3A_304 = vector.extract_strided_slice %and3A_16 {offsets = [9], sizes = [1], strides = [1]} : vector<16xi32> to vector<1xi32>
    %squeeze3A_305 = vector.extract %slice3A_304[0] : i32 from vector<1xi32>
    %multiple_of3A_306 = tpu.assume_multiple %squeeze3A_305, 8 : i32
    %dma_start3A_307 = arith.constant 0 : i32
    %dma_start3A_308 = arith.constant 72 : i32
    %dma_start3A_309 = arith.constant 0 : i32
    %dma_start3A_310 = tpu.memref_slice %arg9[%dma_start3A_307, %dma_start3A_308, %dma_start3A_309] : memref<2x128x32xf32, #tpu.memory_space<vmem>> -> memref<1x8x32xf32, #tpu.memory_space<vmem>>
    %dma_start3A_311 = tpu.memref_squeeze %dma_start3A_310 : memref<1x8x32xf32, #tpu.memory_space<vmem>> -> memref<8x32xf32, #tpu.memory_space<vmem>>
    %dma_start3A_312 = arith.constant 0 : i32
    %dma_start3A_313 = tpu.memref_slice %arg4[%multiple_of3A_303, %dma_start3A_312] : memref<1000000x32xf32, #tpu.memory_space<hbm>> -> memref<8x32xf32, #tpu.memory_space<hbm>>
    %dma_start3A_314 = arith.constant 72 : i32
    %dma_start3A_315 = arith.constant 0 : i32
    %dma_start3A_316 = tpu.memref_slice %arg9[%dma_start3A_307, %dma_start3A_314, %dma_start3A_315] : memref<2x128x32xf32, #tpu.memory_space<vmem>> -> memref<1x8x32xf32, #tpu.memory_space<vmem>>
    %dma_start3A_317 = tpu.memref_squeeze %dma_start3A_316 : memref<1x8x32xf32, #tpu.memory_space<vmem>> -> memref<8x32xf32, #tpu.memory_space<vmem>>
    %dma_start3A_318 = arith.constant 0 : i32
    %dma_start3A_319 = tpu.memref_slice %arg4[%multiple_of3A_303, %dma_start3A_318] : memref<1000000x32xf32, #tpu.memory_space<hbm>> -> memref<8x32xf32, #tpu.memory_space<hbm>>
    tpu.enqueue_dma source(%dma_start3A_319 : memref<8x32xf32, #tpu.memory_space<hbm>>) target(%dma_start3A_317 : memref<8x32xf32, #tpu.memory_space<vmem>>) target_semaphore(%arg12 : memref<!tpu.dma_semaphore, #tpu.memory_space<semaphore_mem>>)
    %dma_start3A_320 = arith.constant 0 : i32
    %dma_start3A_321 = arith.constant 72 : i32
    %dma_start3A_322 = arith.constant 0 : i32
    %dma_start3A_323 = tpu.memref_slice %arg10[%dma_start3A_320, %dma_start3A_321, %dma_start3A_322] : memref<2x128x32xf32, #tpu.memory_space<vmem>> -> memref<1x8x32xf32, #tpu.memory_space<vmem>>
    %dma_start3A_324 = tpu.memref_squeeze %dma_start3A_323 : memref<1x8x32xf32, #tpu.memory_space<vmem>> -> memref<8x32xf32, #tpu.memory_space<vmem>>
    %dma_start3A_325 = arith.constant 0 : i32
    %dma_start3A_326 = tpu.memref_slice %arg5[%multiple_of3A_306, %dma_start3A_325] : memref<1000000x32xf32, #tpu.memory_space<hbm>> -> memref<8x32xf32, #tpu.memory_space<hbm>>
    %dma_start3A_327 = arith.constant 72 : i32
    %dma_start3A_328 = arith.constant 0 : i32
    %dma_start3A_329 = tpu.memref_slice %arg10[%dma_start3A_320, %dma_start3A_327, %dma_start3A_328] : memref<2x128x32xf32, #tpu.memory_space<vmem>> -> memref<1x8x32xf32, #tpu.memory_space<vmem>>
    %dma_start3A_330 = tpu.memref_squeeze %dma_start3A_329 : memref<1x8x32xf32, #tpu.memory_space<vmem>> -> memref<8x32xf32, #tpu.memory_space<vmem>>
    %dma_start3A_331 = arith.constant 0 : i32
    %dma_start3A_332 = tpu.memref_slice %arg5[%multiple_of3A_306, %dma_start3A_331] : memref<1000000x32xf32, #tpu.memory_space<hbm>> -> memref<8x32xf32, #tpu.memory_space<hbm>>
    tpu.enqueue_dma source(%dma_start3A_332 : memref<8x32xf32, #tpu.memory_space<hbm>>) target(%dma_start3A_330 : memref<8x32xf32, #tpu.memory_space<vmem>>) target_semaphore(%arg12 : memref<!tpu.dma_semaphore, #tpu.memory_space<semaphore_mem>>)
    %slice3A_333 = vector.extract_strided_slice %and3A_13 {offsets = [10], sizes = [1], strides = [1]} : vector<16xi32> to vector<1xi32>
    %squeeze3A_334 = vector.extract %slice3A_333[0] : i32 from vector<1xi32>
    %multiple_of3A_335 = tpu.assume_multiple %squeeze3A_334, 8 : i32
    %slice3A_336 = vector.extract_strided_slice %and3A_16 {offsets = [10], sizes = [1], strides = [1]} : vector<16xi32> to vector<1xi32>
    %squeeze3A_337 = vector.extract %slice3A_336[0] : i32 from vector<1xi32>
    %multiple_of3A_338 = tpu.assume_multiple %squeeze3A_337, 8 : i32
    %dma_start3A_339 = arith.constant 0 : i32
    %dma_start3A_340 = arith.constant 80 : i32
    %dma_start3A_341 = arith.constant 0 : i32
    %dma_start3A_342 = tpu.memref_slice %arg9[%dma_start3A_339, %dma_start3A_340, %dma_start3A_341] : memref<2x128x32xf32, #tpu.memory_space<vmem>> -> memref<1x8x32xf32, #tpu.memory_space<vmem>>
    %dma_start3A_343 = tpu.memref_squeeze %dma_start3A_342 : memref<1x8x32xf32, #tpu.memory_space<vmem>> -> memref<8x32xf32, #tpu.memory_space<vmem>>
    %dma_start3A_344 = arith.constant 0 : i32
    %dma_start3A_345 = tpu.memref_slice %arg4[%multiple_of3A_335, %dma_start3A_344] : memref<1000000x32xf32, #tpu.memory_space<hbm>> -> memref<8x32xf32, #tpu.memory_space<hbm>>
    %dma_start3A_346 = arith.constant 80 : i32
    %dma_start3A_347 = arith.constant 0 : i32
    %dma_start3A_348 = tpu.memref_slice %arg9[%dma_start3A_339, %dma_start3A_346, %dma_start3A_347] : memref<2x128x32xf32, #tpu.memory_space<vmem>> -> memref<1x8x32xf32, #tpu.memory_space<vmem>>
    %dma_start3A_349 = tpu.memref_squeeze %dma_start3A_348 : memref<1x8x32xf32, #tpu.memory_space<vmem>> -> memref<8x32xf32, #tpu.memory_space<vmem>>
    %dma_start3A_350 = arith.constant 0 : i32
    %dma_start3A_351 = tpu.memref_slice %arg4[%multiple_of3A_335, %dma_start3A_350] : memref<1000000x32xf32, #tpu.memory_space<hbm>> -> memref<8x32xf32, #tpu.memory_space<hbm>>
    tpu.enqueue_dma source(%dma_start3A_351 : memref<8x32xf32, #tpu.memory_space<hbm>>) target(%dma_start3A_349 : memref<8x32xf32, #tpu.memory_space<vmem>>) target_semaphore(%arg12 : memref<!tpu.dma_semaphore, #tpu.memory_space<semaphore_mem>>)
    %dma_start3A_352 = arith.constant 0 : i32
    %dma_start3A_353 = arith.constant 80 : i32
    %dma_start3A_354 = arith.constant 0 : i32
    %dma_start3A_355 = tpu.memref_slice %arg10[%dma_start3A_352, %dma_start3A_353, %dma_start3A_354] : memref<2x128x32xf32, #tpu.memory_space<vmem>> -> memref<1x8x32xf32, #tpu.memory_space<vmem>>
    %dma_start3A_356 = tpu.memref_squeeze %dma_start3A_355 : memref<1x8x32xf32, #tpu.memory_space<vmem>> -> memref<8x32xf32, #tpu.memory_space<vmem>>
    %dma_start3A_357 = arith.constant 0 : i32
    %dma_start3A_358 = tpu.memref_slice %arg5[%multiple_of3A_338, %dma_start3A_357] : memref<1000000x32xf32, #tpu.memory_space<hbm>> -> memref<8x32xf32, #tpu.memory_space<hbm>>
    %dma_start3A_359 = arith.constant 80 : i32
    %dma_start3A_360 = arith.constant 0 : i32
    %dma_start3A_361 = tpu.memref_slice %arg10[%dma_start3A_352, %dma_start3A_359, %dma_start3A_360] : memref<2x128x32xf32, #tpu.memory_space<vmem>> -> memref<1x8x32xf32, #tpu.memory_space<vmem>>
    %dma_start3A_362 = tpu.memref_squeeze %dma_start3A_361 : memref<1x8x32xf32, #tpu.memory_space<vmem>> -> memref<8x32xf32, #tpu.memory_space<vmem>>
    %dma_start3A_363 = arith.constant 0 : i32
    %dma_start3A_364 = tpu.memref_slice %arg5[%multiple_of3A_338, %dma_start3A_363] : memref<1000000x32xf32, #tpu.memory_space<hbm>> -> memref<8x32xf32, #tpu.memory_space<hbm>>
    tpu.enqueue_dma source(%dma_start3A_364 : memref<8x32xf32, #tpu.memory_space<hbm>>) target(%dma_start3A_362 : memref<8x32xf32, #tpu.memory_space<vmem>>) target_semaphore(%arg12 : memref<!tpu.dma_semaphore, #tpu.memory_space<semaphore_mem>>)
    %slice3A_365 = vector.extract_strided_slice %and3A_13 {offsets = [11], sizes = [1], strides = [1]} : vector<16xi32> to vector<1xi32>
    %squeeze3A_366 = vector.extract %slice3A_365[0] : i32 from vector<1xi32>
    %multiple_of3A_367 = tpu.assume_multiple %squeeze3A_366, 8 : i32
    %slice3A_368 = vector.extract_strided_slice %and3A_16 {offsets = [11], sizes = [1], strides = [1]} : vector<16xi32> to vector<1xi32>
    %squeeze3A_369 = vector.extract %slice3A_368[0] : i32 from vector<1xi32>
    %multiple_of3A_370 = tpu.assume_multiple %squeeze3A_369, 8 : i32
    %dma_start3A_371 = arith.constant 0 : i32
    %dma_start3A_372 = arith.constant 88 : i32
    %dma_start3A_373 = arith.constant 0 : i32
    %dma_start3A_374 = tpu.memref_slice %arg9[%dma_start3A_371, %dma_start3A_372, %dma_start3A_373] : memref<2x128x32xf32, #tpu.memory_space<vmem>> -> memref<1x8x32xf32, #tpu.memory_space<vmem>>
    %dma_start3A_375 = tpu.memref_squeeze %dma_start3A_374 : memref<1x8x32xf32, #tpu.memory_space<vmem>> -> memref<8x32xf32, #tpu.memory_space<vmem>>
    %dma_start3A_376 = arith.constant 0 : i32
    %dma_start3A_377 = tpu.memref_slice %arg4[%multiple_of3A_367, %dma_start3A_376] : memref<1000000x32xf32, #tpu.memory_space<hbm>> -> memref<8x32xf32, #tpu.memory_space<hbm>>
    %dma_start3A_378 = arith.constant 88 : i32
    %dma_start3A_379 = arith.constant 0 : i32
    %dma_start3A_380 = tpu.memref_slice %arg9[%dma_start3A_371, %dma_start3A_378, %dma_start3A_379] : memref<2x128x32xf32, #tpu.memory_space<vmem>> -> memref<1x8x32xf32, #tpu.memory_space<vmem>>
    %dma_start3A_381 = tpu.memref_squeeze %dma_start3A_380 : memref<1x8x32xf32, #tpu.memory_space<vmem>> -> memref<8x32xf32, #tpu.memory_space<vmem>>
    %dma_start3A_382 = arith.constant 0 : i32
    %dma_start3A_383 = tpu.memref_slice %arg4[%multiple_of3A_367, %dma_start3A_382] : memref<1000000x32xf32, #tpu.memory_space<hbm>> -> memref<8x32xf32, #tpu.memory_space<hbm>>
    tpu.enqueue_dma source(%dma_start3A_383 : memref<8x32xf32, #tpu.memory_space<hbm>>) target(%dma_start3A_381 : memref<8x32xf32, #tpu.memory_space<vmem>>) target_semaphore(%arg12 : memref<!tpu.dma_semaphore, #tpu.memory_space<semaphore_mem>>)
    %dma_start3A_384 = arith.constant 0 : i32
    %dma_start3A_385 = arith.constant 88 : i32
    %dma_start3A_386 = arith.constant 0 : i32
    %dma_start3A_387 = tpu.memref_slice %arg10[%dma_start3A_384, %dma_start3A_385, %dma_start3A_386] : memref<2x128x32xf32, #tpu.memory_space<vmem>> -> memref<1x8x32xf32, #tpu.memory_space<vmem>>
    %dma_start3A_388 = tpu.memref_squeeze %dma_start3A_387 : memref<1x8x32xf32, #tpu.memory_space<vmem>> -> memref<8x32xf32, #tpu.memory_space<vmem>>
    %dma_start3A_389 = arith.constant 0 : i32
    %dma_start3A_390 = tpu.memref_slice %arg5[%multiple_of3A_370, %dma_start3A_389] : memref<1000000x32xf32, #tpu.memory_space<hbm>> -> memref<8x32xf32, #tpu.memory_space<hbm>>
    %dma_start3A_391 = arith.constant 88 : i32
    %dma_start3A_392 = arith.constant 0 : i32
    %dma_start3A_393 = tpu.memref_slice %arg10[%dma_start3A_384, %dma_start3A_391, %dma_start3A_392] : memref<2x128x32xf32, #tpu.memory_space<vmem>> -> memref<1x8x32xf32, #tpu.memory_space<vmem>>
    %dma_start3A_394 = tpu.memref_squeeze %dma_start3A_393 : memref<1x8x32xf32, #tpu.memory_space<vmem>> -> memref<8x32xf32, #tpu.memory_space<vmem>>
    %dma_start3A_395 = arith.constant 0 : i32
    %dma_start3A_396 = tpu.memref_slice %arg5[%multiple_of3A_370, %dma_start3A_395] : memref<1000000x32xf32, #tpu.memory_space<hbm>> -> memref<8x32xf32, #tpu.memory_space<hbm>>
    tpu.enqueue_dma source(%dma_start3A_396 : memref<8x32xf32, #tpu.memory_space<hbm>>) target(%dma_start3A_394 : memref<8x32xf32, #tpu.memory_space<vmem>>) target_semaphore(%arg12 : memref<!tpu.dma_semaphore, #tpu.memory_space<semaphore_mem>>)
    %slice3A_397 = vector.extract_strided_slice %and3A_13 {offsets = [12], sizes = [1], strides = [1]} : vector<16xi32> to vector<1xi32>
    %squeeze3A_398 = vector.extract %slice3A_397[0] : i32 from vector<1xi32>
    %multiple_of3A_399 = tpu.assume_multiple %squeeze3A_398, 8 : i32
    %slice3A_400 = vector.extract_strided_slice %and3A_16 {offsets = [12], sizes = [1], strides = [1]} : vector<16xi32> to vector<1xi32>
    %squeeze3A_401 = vector.extract %slice3A_400[0] : i32 from vector<1xi32>
    %multiple_of3A_402 = tpu.assume_multiple %squeeze3A_401, 8 : i32
    %dma_start3A_403 = arith.constant 0 : i32
    %dma_start3A_404 = arith.constant 96 : i32
    %dma_start3A_405 = arith.constant 0 : i32
    %dma_start3A_406 = tpu.memref_slice %arg9[%dma_start3A_403, %dma_start3A_404, %dma_start3A_405] : memref<2x128x32xf32, #tpu.memory_space<vmem>> -> memref<1x8x32xf32, #tpu.memory_space<vmem>>
    %dma_start3A_407 = tpu.memref_squeeze %dma_start3A_406 : memref<1x8x32xf32, #tpu.memory_space<vmem>> -> memref<8x32xf32, #tpu.memory_space<vmem>>
    %dma_start3A_408 = arith.constant 0 : i32
    %dma_start3A_409 = tpu.memref_slice %arg4[%multiple_of3A_399, %dma_start3A_408] : memref<1000000x32xf32, #tpu.memory_space<hbm>> -> memref<8x32xf32, #tpu.memory_space<hbm>>
    %dma_start3A_410 = arith.constant 96 : i32
    %dma_start3A_411 = arith.constant 0 : i32
    %dma_start3A_412 = tpu.memref_slice %arg9[%dma_start3A_403, %dma_start3A_410, %dma_start3A_411] : memref<2x128x32xf32, #tpu.memory_space<vmem>> -> memref<1x8x32xf32, #tpu.memory_space<vmem>>
    %dma_start3A_413 = tpu.memref_squeeze %dma_start3A_412 : memref<1x8x32xf32, #tpu.memory_space<vmem>> -> memref<8x32xf32, #tpu.memory_space<vmem>>
    %dma_start3A_414 = arith.constant 0 : i32
    %dma_start3A_415 = tpu.memref_slice %arg4[%multiple_of3A_399, %dma_start3A_414] : memref<1000000x32xf32, #tpu.memory_space<hbm>> -> memref<8x32xf32, #tpu.memory_space<hbm>>
    tpu.enqueue_dma source(%dma_start3A_415 : memref<8x32xf32, #tpu.memory_space<hbm>>) target(%dma_start3A_413 : memref<8x32xf32, #tpu.memory_space<vmem>>) target_semaphore(%arg12 : memref<!tpu.dma_semaphore, #tpu.memory_space<semaphore_mem>>)
    %dma_start3A_416 = arith.constant 0 : i32
    %dma_start3A_417 = arith.constant 96 : i32
    %dma_start3A_418 = arith.constant 0 : i32
    %dma_start3A_419 = tpu.memref_slice %arg10[%dma_start3A_416, %dma_start3A_417, %dma_start3A_418] : memref<2x128x32xf32, #tpu.memory_space<vmem>> -> memref<1x8x32xf32, #tpu.memory_space<vmem>>
    %dma_start3A_420 = tpu.memref_squeeze %dma_start3A_419 : memref<1x8x32xf32, #tpu.memory_space<vmem>> -> memref<8x32xf32, #tpu.memory_space<vmem>>
    %dma_start3A_421 = arith.constant 0 : i32
    %dma_start3A_422 = tpu.memref_slice %arg5[%multiple_of3A_402, %dma_start3A_421] : memref<1000000x32xf32, #tpu.memory_space<hbm>> -> memref<8x32xf32, #tpu.memory_space<hbm>>
    %dma_start3A_423 = arith.constant 96 : i32
    %dma_start3A_424 = arith.constant 0 : i32
    %dma_start3A_425 = tpu.memref_slice %arg10[%dma_start3A_416, %dma_start3A_423, %dma_start3A_424] : memref<2x128x32xf32, #tpu.memory_space<vmem>> -> memref<1x8x32xf32, #tpu.memory_space<vmem>>
    %dma_start3A_426 = tpu.memref_squeeze %dma_start3A_425 : memref<1x8x32xf32, #tpu.memory_space<vmem>> -> memref<8x32xf32, #tpu.memory_space<vmem>>
    %dma_start3A_427 = arith.constant 0 : i32
    %dma_start3A_428 = tpu.memref_slice %arg5[%multiple_of3A_402, %dma_start3A_427] : memref<1000000x32xf32, #tpu.memory_space<hbm>> -> memref<8x32xf32, #tpu.memory_space<hbm>>
    tpu.enqueue_dma source(%dma_start3A_428 : memref<8x32xf32, #tpu.memory_space<hbm>>) target(%dma_start3A_426 : memref<8x32xf32, #tpu.memory_space<vmem>>) target_semaphore(%arg12 : memref<!tpu.dma_semaphore, #tpu.memory_space<semaphore_mem>>)
    %slice3A_429 = vector.extract_strided_slice %and3A_13 {offsets = [13], sizes = [1], strides = [1]} : vector<16xi32> to vector<1xi32>
    %squeeze3A_430 = vector.extract %slice3A_429[0] : i32 from vector<1xi32>
    %multiple_of3A_431 = tpu.assume_multiple %squeeze3A_430, 8 : i32
    %slice3A_432 = vector.extract_strided_slice %and3A_16 {offsets = [13], sizes = [1], strides = [1]} : vector<16xi32> to vector<1xi32>
    %squeeze3A_433 = vector.extract %slice3A_432[0] : i32 from vector<1xi32>
    %multiple_of3A_434 = tpu.assume_multiple %squeeze3A_433, 8 : i32
    %dma_start3A_435 = arith.constant 0 : i32
    %dma_start3A_436 = arith.constant 104 : i32
    %dma_start3A_437 = arith.constant 0 : i32
    %dma_start3A_438 = tpu.memref_slice %arg9[%dma_start3A_435, %dma_start3A_436, %dma_start3A_437] : memref<2x128x32xf32, #tpu.memory_space<vmem>> -> memref<1x8x32xf32, #tpu.memory_space<vmem>>
    %dma_start3A_439 = tpu.memref_squeeze %dma_start3A_438 : memref<1x8x32xf32, #tpu.memory_space<vmem>> -> memref<8x32xf32, #tpu.memory_space<vmem>>
    %dma_start3A_440 = arith.constant 0 : i32
    %dma_start3A_441 = tpu.memref_slice %arg4[%multiple_of3A_431, %dma_start3A_440] : memref<1000000x32xf32, #tpu.memory_space<hbm>> -> memref<8x32xf32, #tpu.memory_space<hbm>>
    %dma_start3A_442 = arith.constant 104 : i32
    %dma_start3A_443 = arith.constant 0 : i32
    %dma_start3A_444 = tpu.memref_slice %arg9[%dma_start3A_435, %dma_start3A_442, %dma_start3A_443] : memref<2x128x32xf32, #tpu.memory_space<vmem>> -> memref<1x8x32xf32, #tpu.memory_space<vmem>>
    %dma_start3A_445 = tpu.memref_squeeze %dma_start3A_444 : memref<1x8x32xf32, #tpu.memory_space<vmem>> -> memref<8x32xf32, #tpu.memory_space<vmem>>
    %dma_start3A_446 = arith.constant 0 : i32
    %dma_start3A_447 = tpu.memref_slice %arg4[%multiple_of3A_431, %dma_start3A_446] : memref<1000000x32xf32, #tpu.memory_space<hbm>> -> memref<8x32xf32, #tpu.memory_space<hbm>>
    tpu.enqueue_dma source(%dma_start3A_447 : memref<8x32xf32, #tpu.memory_space<hbm>>) target(%dma_start3A_445 : memref<8x32xf32, #tpu.memory_space<vmem>>) target_semaphore(%arg12 : memref<!tpu.dma_semaphore, #tpu.memory_space<semaphore_mem>>)
    %dma_start3A_448 = arith.constant 0 : i32
    %dma_start3A_449 = arith.constant 104 : i32
    %dma_start3A_450 = arith.constant 0 : i32
    %dma_start3A_451 = tpu.memref_slice %arg10[%dma_start3A_448, %dma_start3A_449, %dma_start3A_450] : memref<2x128x32xf32, #tpu.memory_space<vmem>> -> memref<1x8x32xf32, #tpu.memory_space<vmem>>
    %dma_start3A_452 = tpu.memref_squeeze %dma_start3A_451 : memref<1x8x32xf32, #tpu.memory_space<vmem>> -> memref<8x32xf32, #tpu.memory_space<vmem>>
    %dma_start3A_453 = arith.constant 0 : i32
    %dma_start3A_454 = tpu.memref_slice %arg5[%multiple_of3A_434, %dma_start3A_453] : memref<1000000x32xf32, #tpu.memory_space<hbm>> -> memref<8x32xf32, #tpu.memory_space<hbm>>
    %dma_start3A_455 = arith.constant 104 : i32
    %dma_start3A_456 = arith.constant 0 : i32
    %dma_start3A_457 = tpu.memref_slice %arg10[%dma_start3A_448, %dma_start3A_455, %dma_start3A_456] : memref<2x128x32xf32, #tpu.memory_space<vmem>> -> memref<1x8x32xf32, #tpu.memory_space<vmem>>
    %dma_start3A_458 = tpu.memref_squeeze %dma_start3A_457 : memref<1x8x32xf32, #tpu.memory_space<vmem>> -> memref<8x32xf32, #tpu.memory_space<vmem>>
    %dma_start3A_459 = arith.constant 0 : i32
    %dma_start3A_460 = tpu.memref_slice %arg5[%multiple_of3A_434, %dma_start3A_459] : memref<1000000x32xf32, #tpu.memory_space<hbm>> -> memref<8x32xf32, #tpu.memory_space<hbm>>
    tpu.enqueue_dma source(%dma_start3A_460 : memref<8x32xf32, #tpu.memory_space<hbm>>) target(%dma_start3A_458 : memref<8x32xf32, #tpu.memory_space<vmem>>) target_semaphore(%arg12 : memref<!tpu.dma_semaphore, #tpu.memory_space<semaphore_mem>>)
    %slice3A_461 = vector.extract_strided_slice %and3A_13 {offsets = [14], sizes = [1], strides = [1]} : vector<16xi32> to vector<1xi32>
    %squeeze3A_462 = vector.extract %slice3A_461[0] : i32 from vector<1xi32>
    %multiple_of3A_463 = tpu.assume_multiple %squeeze3A_462, 8 : i32
    %slice3A_464 = vector.extract_strided_slice %and3A_16 {offsets = [14], sizes = [1], strides = [1]} : vector<16xi32> to vector<1xi32>
    %squeeze3A_465 = vector.extract %slice3A_464[0] : i32 from vector<1xi32>
    %multiple_of3A_466 = tpu.assume_multiple %squeeze3A_465, 8 : i32
    %dma_start3A_467 = arith.constant 0 : i32
    %dma_start3A_468 = arith.constant 112 : i32
    %dma_start3A_469 = arith.constant 0 : i32
    %dma_start3A_470 = tpu.memref_slice %arg9[%dma_start3A_467, %dma_start3A_468, %dma_start3A_469] : memref<2x128x32xf32, #tpu.memory_space<vmem>> -> memref<1x8x32xf32, #tpu.memory_space<vmem>>
    %dma_start3A_471 = tpu.memref_squeeze %dma_start3A_470 : memref<1x8x32xf32, #tpu.memory_space<vmem>> -> memref<8x32xf32, #tpu.memory_space<vmem>>
    %dma_start3A_472 = arith.constant 0 : i32
    %dma_start3A_473 = tpu.memref_slice %arg4[%multiple_of3A_463, %dma_start3A_472] : memref<1000000x32xf32, #tpu.memory_space<hbm>> -> memref<8x32xf32, #tpu.memory_space<hbm>>
    %dma_start3A_474 = arith.constant 112 : i32
    %dma_start3A_475 = arith.constant 0 : i32
    %dma_start3A_476 = tpu.memref_slice %arg9[%dma_start3A_467, %dma_start3A_474, %dma_start3A_475] : memref<2x128x32xf32, #tpu.memory_space<vmem>> -> memref<1x8x32xf32, #tpu.memory_space<vmem>>
    %dma_start3A_477 = tpu.memref_squeeze %dma_start3A_476 : memref<1x8x32xf32, #tpu.memory_space<vmem>> -> memref<8x32xf32, #tpu.memory_space<vmem>>
    %dma_start3A_478 = arith.constant 0 : i32
    %dma_start3A_479 = tpu.memref_slice %arg4[%multiple_of3A_463, %dma_start3A_478] : memref<1000000x32xf32, #tpu.memory_space<hbm>> -> memref<8x32xf32, #tpu.memory_space<hbm>>
    tpu.enqueue_dma source(%dma_start3A_479 : memref<8x32xf32, #tpu.memory_space<hbm>>) target(%dma_start3A_477 : memref<8x32xf32, #tpu.memory_space<vmem>>) target_semaphore(%arg12 : memref<!tpu.dma_semaphore, #tpu.memory_space<semaphore_mem>>)
    %dma_start3A_480 = arith.constant 0 : i32
    %dma_start3A_481 = arith.constant 112 : i32
    %dma_start3A_482 = arith.constant 0 : i32
    %dma_start3A_483 = tpu.memref_slice %arg10[%dma_start3A_480, %dma_start3A_481, %dma_start3A_482] : memref<2x128x32xf32, #tpu.memory_space<vmem>> -> memref<1x8x32xf32, #tpu.memory_space<vmem>>
    %dma_start3A_484 = tpu.memref_squeeze %dma_start3A_483 : memref<1x8x32xf32, #tpu.memory_space<vmem>> -> memref<8x32xf32, #tpu.memory_space<vmem>>
    %dma_start3A_485 = arith.constant 0 : i32
    %dma_start3A_486 = tpu.memref_slice %arg5[%multiple_of3A_466, %dma_start3A_485] : memref<1000000x32xf32, #tpu.memory_space<hbm>> -> memref<8x32xf32, #tpu.memory_space<hbm>>
    %dma_start3A_487 = arith.constant 112 : i32
    %dma_start3A_488 = arith.constant 0 : i32
    %dma_start3A_489 = tpu.memref_slice %arg10[%dma_start3A_480, %dma_start3A_487, %dma_start3A_488] : memref<2x128x32xf32, #tpu.memory_space<vmem>> -> memref<1x8x32xf32, #tpu.memory_space<vmem>>
    %dma_start3A_490 = tpu.memref_squeeze %dma_start3A_489 : memref<1x8x32xf32, #tpu.memory_space<vmem>> -> memref<8x32xf32, #tpu.memory_space<vmem>>
    %dma_start3A_491 = arith.constant 0 : i32
    %dma_start3A_492 = tpu.memref_slice %arg5[%multiple_of3A_466, %dma_start3A_491] : memref<1000000x32xf32, #tpu.memory_space<hbm>> -> memref<8x32xf32, #tpu.memory_space<hbm>>
    tpu.enqueue_dma source(%dma_start3A_492 : memref<8x32xf32, #tpu.memory_space<hbm>>) target(%dma_start3A_490 : memref<8x32xf32, #tpu.memory_space<vmem>>) target_semaphore(%arg12 : memref<!tpu.dma_semaphore, #tpu.memory_space<semaphore_mem>>)
    %slice3A_493 = vector.extract_strided_slice %and3A_13 {offsets = [15], sizes = [1], strides = [1]} : vector<16xi32> to vector<1xi32>
    %squeeze3A_494 = vector.extract %slice3A_493[0] : i32 from vector<1xi32>
    %multiple_of3A_495 = tpu.assume_multiple %squeeze3A_494, 8 : i32
    %slice3A_496 = vector.extract_strided_slice %and3A_16 {offsets = [15], sizes = [1], strides = [1]} : vector<16xi32> to vector<1xi32>
    %squeeze3A_497 = vector.extract %slice3A_496[0] : i32 from vector<1xi32>
    %multiple_of3A_498 = tpu.assume_multiple %squeeze3A_497, 8 : i32
    %dma_start3A_499 = arith.constant 0 : i32
    %dma_start3A_500 = arith.constant 120 : i32
    %dma_start3A_501 = arith.constant 0 : i32
    %dma_start3A_502 = tpu.memref_slice %arg9[%dma_start3A_499, %dma_start3A_500, %dma_start3A_501] : memref<2x128x32xf32, #tpu.memory_space<vmem>> -> memref<1x8x32xf32, #tpu.memory_space<vmem>>
    %dma_start3A_503 = tpu.memref_squeeze %dma_start3A_502 : memref<1x8x32xf32, #tpu.memory_space<vmem>> -> memref<8x32xf32, #tpu.memory_space<vmem>>
    %dma_start3A_504 = arith.constant 0 : i32
    %dma_start3A_505 = tpu.memref_slice %arg4[%multiple_of3A_495, %dma_start3A_504] : memref<1000000x32xf32, #tpu.memory_space<hbm>> -> memref<8x32xf32, #tpu.memory_space<hbm>>
    %dma_start3A_506 = arith.constant 120 : i32
    %dma_start3A_507 = arith.constant 0 : i32
    %dma_start3A_508 = tpu.memref_slice %arg9[%dma_start3A_499, %dma_start3A_506, %dma_start3A_507] : memref<2x128x32xf32, #tpu.memory_space<vmem>> -> memref<1x8x32xf32, #tpu.memory_space<vmem>>
    %dma_start3A_509 = tpu.memref_squeeze %dma_start3A_508 : memref<1x8x32xf32, #tpu.memory_space<vmem>> -> memref<8x32xf32, #tpu.memory_space<vmem>>
    %dma_start3A_510 = arith.constant 0 : i32
    %dma_start3A_511 = tpu.memref_slice %arg4[%multiple_of3A_495, %dma_start3A_510] : memref<1000000x32xf32, #tpu.memory_space<hbm>> -> memref<8x32xf32, #tpu.memory_space<hbm>>
    tpu.enqueue_dma source(%dma_start3A_511 : memref<8x32xf32, #tpu.memory_space<hbm>>) target(%dma_start3A_509 : memref<8x32xf32, #tpu.memory_space<vmem>>) target_semaphore(%arg12 : memref<!tpu.dma_semaphore, #tpu.memory_space<semaphore_mem>>)
    %dma_start3A_512 = arith.constant 0 : i32
    %dma_start3A_513 = arith.constant 120 : i32
    %dma_start3A_514 = arith.constant 0 : i32
    %dma_start3A_515 = tpu.memref_slice %arg10[%dma_start3A_512, %dma_start3A_513, %dma_start3A_514] : memref<2x128x32xf32, #tpu.memory_space<vmem>> -> memref<1x8x32xf32, #tpu.memory_space<vmem>>
    %dma_start3A_516 = tpu.memref_squeeze %dma_start3A_515 : memref<1x8x32xf32, #tpu.memory_space<vmem>> -> memref<8x32xf32, #tpu.memory_space<vmem>>
    %dma_start3A_517 = arith.constant 0 : i32
    %dma_start3A_518 = tpu.memref_slice %arg5[%multiple_of3A_498, %dma_start3A_517] : memref<1000000x32xf32, #tpu.memory_space<hbm>> -> memref<8x32xf32, #tpu.memory_space<hbm>>
    %dma_start3A_519 = arith.constant 120 : i32
    %dma_start3A_520 = arith.constant 0 : i32
    %dma_start3A_521 = tpu.memref_slice %arg10[%dma_start3A_512, %dma_start3A_519, %dma_start3A_520] : memref<2x128x32xf32, #tpu.memory_space<vmem>> -> memref<1x8x32xf32, #tpu.memory_space<vmem>>
    %dma_start3A_522 = tpu.memref_squeeze %dma_start3A_521 : memref<1x8x32xf32, #tpu.memory_space<vmem>> -> memref<8x32xf32, #tpu.memory_space<vmem>>
    %dma_start3A_523 = arith.constant 0 : i32
    %dma_start3A_524 = tpu.memref_slice %arg5[%multiple_of3A_498, %dma_start3A_523] : memref<1000000x32xf32, #tpu.memory_space<hbm>> -> memref<8x32xf32, #tpu.memory_space<hbm>>
    tpu.enqueue_dma source(%dma_start3A_524 : memref<8x32xf32, #tpu.memory_space<hbm>>) target(%dma_start3A_522 : memref<8x32xf32, #tpu.memory_space<vmem>>) target_semaphore(%arg12 : memref<!tpu.dma_semaphore, #tpu.memory_space<semaphore_mem>>)
    %mul3A_525 = arith.constant 1 : i32
    %mul3A_526 = arith.constant 16 : i32
    %mul3A_527 = arith.muli %mul3A_525, %mul3A_526 : i32
    %get3A_528 = arith.index_cast %mul3A_527 : i32 to index
    %get3A_529 = tpu.vector_load %arg7[%get3A_528] {strides = array<i32>} : memref<512xi32, #tpu.memory_space<vmem>>, vector<16xi32>,
    %mul3A_530 = arith.constant 1 : i32
    %mul3A_531 = arith.constant 16 : i32
    %mul3A_532 = arith.muli %mul3A_530, %mul3A_531 : i32
    %get3A_533 = arith.index_cast %mul3A_532 : i32 to index
    %get3A_534 = tpu.vector_load %arg8[%get3A_533] {strides = array<i32>} : memref<512xi32, #tpu.memory_space<vmem>>, vector<16xi32>,
    %and3A_535 = arith.constant -8 : i32
    %and3A_536 = vector.broadcast %and3A_535 : i32 to vector<16xi32>
    %and3A_537 = arith.andi %get3A_529, %and3A_536 : vector<16xi32>
    %and3A_538 = arith.constant -8 : i32
    %and3A_539 = vector.broadcast %and3A_538 : i32 to vector<16xi32>
    %and3A_540 = arith.andi %get3A_534, %and3A_539 : vector<16xi32>
    %slice3A_541 = vector.extract_strided_slice %and3A_537 {offsets = [0], sizes = [1], strides = [1]} : vector<16xi32> to vector<1xi32>
    %squeeze3A_542 = vector.extract %slice3A_541[0] : i32 from vector<1xi32>
    %multiple_of3A_543 = tpu.assume_multiple %squeeze3A_542, 8 : i32
    %slice3A_544 = vector.extract_strided_slice %and3A_540 {offsets = [0], sizes = [1], strides = [1]} : vector<16xi32> to vector<1xi32>
    %squeeze3A_545 = vector.extract %slice3A_544[0] : i32 from vector<1xi32>
    %multiple_of3A_546 = tpu.assume_multiple %squeeze3A_545, 8 : i32
    %dma_start3A_547 = arith.constant 1 : i32
    %dma_start3A_548 = arith.constant 0 : i32
    %dma_start3A_549 = arith.constant 0 : i32
    %dma_start3A_550 = tpu.memref_slice %arg9[%dma_start3A_547, %dma_start3A_548, %dma_start3A_549] : memref<2x128x32xf32, #tpu.memory_space<vmem>> -> memref<1x8x32xf32, #tpu.memory_space<vmem>>
    %dma_start3A_551 = tpu.memref_squeeze %dma_start3A_550 : memref<1x8x32xf32, #tpu.memory_space<vmem>> -> memref<8x32xf32, #tpu.memory_space<vmem>>
    %dma_start3A_552 = arith.constant 0 : i32
    %dma_start3A_553 = tpu.memref_slice %arg4[%multiple_of3A_543, %dma_start3A_552] : memref<1000000x32xf32, #tpu.memory_space<hbm>> -> memref<8x32xf32, #tpu.memory_space<hbm>>
    %dma_start3A_554 = arith.constant 0 : i32
    %dma_start3A_555 = arith.constant 0 : i32
    %dma_start3A_556 = tpu.memref_slice %arg9[%dma_start3A_547, %dma_start3A_554, %dma_start3A_555] : memref<2x128x32xf32, #tpu.memory_space<vmem>> -> memref<1x8x32xf32, #tpu.memory_space<vmem>>
    %dma_start3A_557 = tpu.memref_squeeze %dma_start3A_556 : memref<1x8x32xf32, #tpu.memory_space<vmem>> -> memref<8x32xf32, #tpu.memory_space<vmem>>
    %dma_start3A_558 = arith.constant 0 : i32
    %dma_start3A_559 = tpu.memref_slice %arg4[%multiple_of3A_543, %dma_start3A_558] : memref<1000000x32xf32, #tpu.memory_space<hbm>> -> memref<8x32xf32, #tpu.memory_space<hbm>>
    tpu.enqueue_dma source(%dma_start3A_559 : memref<8x32xf32, #tpu.memory_space<hbm>>) target(%dma_start3A_557 : memref<8x32xf32, #tpu.memory_space<vmem>>) target_semaphore(%arg12 : memref<!tpu.dma_semaphore, #tpu.memory_space<semaphore_mem>>)
    %dma_start3A_560 = arith.constant 1 : i32
    %dma_start3A_561 = arith.constant 0 : i32
    %dma_start3A_562 = arith.constant 0 : i32
    %dma_start3A_563 = tpu.memref_slice %arg10[%dma_start3A_560, %dma_start3A_561, %dma_start3A_562] : memref<2x128x32xf32, #tpu.memory_space<vmem>> -> memref<1x8x32xf32, #tpu.memory_space<vmem>>
    %dma_start3A_564 = tpu.memref_squeeze %dma_start3A_563 : memref<1x8x32xf32, #tpu.memory_space<vmem>> -> memref<8x32xf32, #tpu.memory_space<vmem>>
    %dma_start3A_565 = arith.constant 0 : i32
    %dma_start3A_566 = tpu.memref_slice %arg5[%multiple_of3A_546, %dma_start3A_565] : memref<1000000x32xf32, #tpu.memory_space<hbm>> -> memref<8x32xf32, #tpu.memory_space<hbm>>
    %dma_start3A_567 = arith.constant 0 : i32
    %dma_start3A_568 = arith.constant 0 : i32
    %dma_start3A_569 = tpu.memref_slice %arg10[%dma_start3A_560, %dma_start3A_567, %dma_start3A_568] : memref<2x128x32xf32, #tpu.memory_space<vmem>> -> memref<1x8x32xf32, #tpu.memory_space<vmem>>
    %dma_start3A_570 = tpu.memref_squeeze %dma_start3A_569 : memref<1x8x32xf32, #tpu.memory_space<vmem>> -> memref<8x32xf32, #tpu.memory_space<vmem>>
    %dma_start3A_571 = arith.constant 0 : i32
    %dma_start3A_572 = tpu.memref_slice %arg5[%multiple_of3A_546, %dma_start3A_571] : memref<1000000x32xf32, #tpu.memory_space<hbm>> -> memref<8x32xf32, #tpu.memory_space<hbm>>
    tpu.enqueue_dma source(%dma_start3A_572 : memref<8x32xf32, #tpu.memory_space<hbm>>) target(%dma_start3A_570 : memref<8x32xf32, #tpu.memory_space<vmem>>) target_semaphore(%arg12 : memref<!tpu.dma_semaphore, #tpu.memory_space<semaphore_mem>>)
    %slice3A_573 = vector.extract_strided_slice %and3A_537 {offsets = [1], sizes = [1], strides = [1]} : vector<16xi32> to vector<1xi32>
    %squeeze3A_574 = vector.extract %slice3A_573[0] : i32 from vector<1xi32>
    %multiple_of3A_575 = tpu.assume_multiple %squeeze3A_574, 8 : i32
    %slice3A_576 = vector.extract_strided_slice %and3A_540 {offsets = [1], sizes = [1], strides = [1]} : vector<16xi32> to vector<1xi32>
    %squeeze3A_577 = vector.extract %slice3A_576[0] : i32 from vector<1xi32>
    %multiple_of3A_578 = tpu.assume_multiple %squeeze3A_577, 8 : i32
    %dma_start3A_579 = arith.constant 1 : i32
    %dma_start3A_580 = arith.constant 8 : i32
    %dma_start3A_581 = arith.constant 0 : i32
    %dma_start3A_582 = tpu.memref_slice %arg9[%dma_start3A_579, %dma_start3A_580, %dma_start3A_581] : memref<2x128x32xf32, #tpu.memory_space<vmem>> -> memref<1x8x32xf32, #tpu.memory_space<vmem>>
    %dma_start3A_583 = tpu.memref_squeeze %dma_start3A_582 : memref<1x8x32xf32, #tpu.memory_space<vmem>> -> memref<8x32xf32, #tpu.memory_space<vmem>>
    %dma_start3A_584 = arith.constant 0 : i32
    %dma_start3A_585 = tpu.memref_slice %arg4[%multiple_of3A_575, %dma_start3A_584] : memref<1000000x32xf32, #tpu.memory_space<hbm>> -> memref<8x32xf32, #tpu.memory_space<hbm>>
    %dma_start3A_586 = arith.constant 8 : i32
    %dma_start3A_587 = arith.constant 0 : i32
    %dma_start3A_588 = tpu.memref_slice %arg9[%dma_start3A_579, %dma_start3A_586, %dma_start3A_587] : memref<2x128x32xf32, #tpu.memory_space<vmem>> -> memref<1x8x32xf32, #tpu.memory_space<vmem>>
    %dma_start3A_589 = tpu.memref_squeeze %dma_start3A_588 : memref<1x8x32xf32, #tpu.memory_space<vmem>> -> memref<8x32xf32, #tpu.memory_space<vmem>>
    %dma_start3A_590 = arith.constant 0 : i32
    %dma_start3A_591 = tpu.memref_slice %arg4[%multiple_of3A_575, %dma_start3A_590] : memref<1000000x32xf32, #tpu.memory_space<hbm>> -> memref<8x32xf32, #tpu.memory_space<hbm>>
    tpu.enqueue_dma source(%dma_start3A_591 : memref<8x32xf32, #tpu.memory_space<hbm>>) target(%dma_start3A_589 : memref<8x32xf32, #tpu.memory_space<vmem>>) target_semaphore(%arg12 : memref<!tpu.dma_semaphore, #tpu.memory_space<semaphore_mem>>)
    %dma_start3A_592 = arith.constant 1 : i32
    %dma_start3A_593 = arith.constant 8 : i32
    %dma_start3A_594 = arith.constant 0 : i32
    %dma_start3A_595 = tpu.memref_slice %arg10[%dma_start3A_592, %dma_start3A_593, %dma_start3A_594] : memref<2x128x32xf32, #tpu.memory_space<vmem>> -> memref<1x8x32xf32, #tpu.memory_space<vmem>>
    %dma_start3A_596 = tpu.memref_squeeze %dma_start3A_595 : memref<1x8x32xf32, #tpu.memory_space<vmem>> -> memref<8x32xf32, #tpu.memory_space<vmem>>
    %dma_start3A_597 = arith.constant 0 : i32
    %dma_start3A_598 = tpu.memref_slice %arg5[%multiple_of3A_578, %dma_start3A_597] : memref<1000000x32xf32, #tpu.memory_space<hbm>> -> memref<8x32xf32, #tpu.memory_space<hbm>>
    %dma_start3A_599 = arith.constant 8 : i32
    %dma_start3A_600 = arith.constant 0 : i32
    %dma_start3A_601 = tpu.memref_slice %arg10[%dma_start3A_592, %dma_start3A_599, %dma_start3A_600] : memref<2x128x32xf32, #tpu.memory_space<vmem>> -> memref<1x8x32xf32, #tpu.memory_space<vmem>>
    %dma_start3A_602 = tpu.memref_squeeze %dma_start3A_601 : memref<1x8x32xf32, #tpu.memory_space<vmem>> -> memref<8x32xf32, #tpu.memory_space<vmem>>
    %dma_start3A_603 = arith.constant 0 : i32
    %dma_start3A_604 = tpu.memref_slice %arg5[%multiple_of3A_578, %dma_start3A_603] : memref<1000000x32xf32, #tpu.memory_space<hbm>> -> memref<8x32xf32, #tpu.memory_space<hbm>>
    tpu.enqueue_dma source(%dma_start3A_604 : memref<8x32xf32, #tpu.memory_space<hbm>>) target(%dma_start3A_602 : memref<8x32xf32, #tpu.memory_space<vmem>>) target_semaphore(%arg12 : memref<!tpu.dma_semaphore, #tpu.memory_space<semaphore_mem>>)
    %slice3A_605 = vector.extract_strided_slice %and3A_537 {offsets = [2], sizes = [1], strides = [1]} : vector<16xi32> to vector<1xi32>
    %squeeze3A_606 = vector.extract %slice3A_605[0] : i32 from vector<1xi32>
    %multiple_of3A_607 = tpu.assume_multiple %squeeze3A_606, 8 : i32
    %slice3A_608 = vector.extract_strided_slice %and3A_540 {offsets = [2], sizes = [1], strides = [1]} : vector<16xi32> to vector<1xi32>
    %squeeze3A_609 = vector.extract %slice3A_608[0] : i32 from vector<1xi32>
    %multiple_of3A_610 = tpu.assume_multiple %squeeze3A_609, 8 : i32
    %dma_start3A_611 = arith.constant 1 : i32
    %dma_start3A_612 = arith.constant 16 : i32
    %dma_start3A_613 = arith.constant 0 : i32
    %dma_start3A_614 = tpu.memref_slice %arg9[%dma_start3A_611, %dma_start3A_612, %dma_start3A_613] : memref<2x128x32xf32, #tpu.memory_space<vmem>> -> memref<1x8x32xf32, #tpu.memory_space<vmem>>
    %dma_start3A_615 = tpu.memref_squeeze %dma_start3A_614 : memref<1x8x32xf32, #tpu.memory_space<vmem>> -> memref<8x32xf32, #tpu.memory_space<vmem>>
    %dma_start3A_616 = arith.constant 0 : i32
    %dma_start3A_617 = tpu.memref_slice %arg4[%multiple_of3A_607, %dma_start3A_616] : memref<1000000x32xf32, #tpu.memory_space<hbm>> -> memref<8x32xf32, #tpu.memory_space<hbm>>
    %dma_start3A_618 = arith.constant 16 : i32
    %dma_start3A_619 = arith.constant 0 : i32
    %dma_start3A_620 = tpu.memref_slice %arg9[%dma_start3A_611, %dma_start3A_618, %dma_start3A_619] : memref<2x128x32xf32, #tpu.memory_space<vmem>> -> memref<1x8x32xf32, #tpu.memory_space<vmem>>
    %dma_start3A_621 = tpu.memref_squeeze %dma_start3A_620 : memref<1x8x32xf32, #tpu.memory_space<vmem>> -> memref<8x32xf32, #tpu.memory_space<vmem>>
    %dma_start3A_622 = arith.constant 0 : i32
    %dma_start3A_623 = tpu.memref_slice %arg4[%multiple_of3A_607, %dma_start3A_622] : memref<1000000x32xf32, #tpu.memory_space<hbm>> -> memref<8x32xf32, #tpu.memory_space<hbm>>
    tpu.enqueue_dma source(%dma_start3A_623 : memref<8x32xf32, #tpu.memory_space<hbm>>) target(%dma_start3A_621 : memref<8x32xf32, #tpu.memory_space<vmem>>) target_semaphore(%arg12 : memref<!tpu.dma_semaphore, #tpu.memory_space<semaphore_mem>>)
    %dma_start3A_624 = arith.constant 1 : i32
    %dma_start3A_625 = arith.constant 16 : i32
    %dma_start3A_626 = arith.constant 0 : i32
    %dma_start3A_627 = tpu.memref_slice %arg10[%dma_start3A_624, %dma_start3A_625, %dma_start3A_626] : memref<2x128x32xf32, #tpu.memory_space<vmem>> -> memref<1x8x32xf32, #tpu.memory_space<vmem>>
    %dma_start3A_628 = tpu.memref_squeeze %dma_start3A_627 : memref<1x8x32xf32, #tpu.memory_space<vmem>> -> memref<8x32xf32, #tpu.memory_space<vmem>>
    %dma_start3A_629 = arith.constant 0 : i32
    %dma_start3A_630 = tpu.memref_slice %arg5[%multiple_of3A_610, %dma_start3A_629] : memref<1000000x32xf32, #tpu.memory_space<hbm>> -> memref<8x32xf32, #tpu.memory_space<hbm>>
    %dma_start3A_631 = arith.constant 16 : i32
    %dma_start3A_632 = arith.constant 0 : i32
    %dma_start3A_633 = tpu.memref_slice %arg10[%dma_start3A_624, %dma_start3A_631, %dma_start3A_632] : memref<2x128x32xf32, #tpu.memory_space<vmem>> -> memref<1x8x32xf32, #tpu.memory_space<vmem>>
    %dma_start3A_634 = tpu.memref_squeeze %dma_start3A_633 : memref<1x8x32xf32, #tpu.memory_space<vmem>> -> memref<8x32xf32, #tpu.memory_space<vmem>>
    %dma_start3A_635 = arith.constant 0 : i32
    %dma_start3A_636 = tpu.memref_slice %arg5[%multiple_of3A_610, %dma_start3A_635] : memref<1000000x32xf32, #tpu.memory_space<hbm>> -> memref<8x32xf32, #tpu.memory_space<hbm>>
    tpu.enqueue_dma source(%dma_start3A_636 : memref<8x32xf32, #tpu.memory_space<hbm>>) target(%dma_start3A_634 : memref<8x32xf32, #tpu.memory_space<vmem>>) target_semaphore(%arg12 : memref<!tpu.dma_semaphore, #tpu.memory_space<semaphore_mem>>)
    %slice3A_637 = vector.extract_strided_slice %and3A_537 {offsets = [3], sizes = [1], strides = [1]} : vector<16xi32> to vector<1xi32>
    %squeeze3A_638 = vector.extract %slice3A_637[0] : i32 from vector<1xi32>
    %multiple_of3A_639 = tpu.assume_multiple %squeeze3A_638, 8 : i32
    %slice3A_640 = vector.extract_strided_slice %and3A_540 {offsets = [3], sizes = [1], strides = [1]} : vector<16xi32> to vector<1xi32>
    %squeeze3A_641 = vector.extract %slice3A_640[0] : i32 from vector<1xi32>
    %multiple_of3A_642 = tpu.assume_multiple %squeeze3A_641, 8 : i32
    %dma_start3A_643 = arith.constant 1 : i32
    %dma_start3A_644 = arith.constant 24 : i32
    %dma_start3A_645 = arith.constant 0 : i32
    %dma_start3A_646 = tpu.memref_slice %arg9[%dma_start3A_643, %dma_start3A_644, %dma_start3A_645] : memref<2x128x32xf32, #tpu.memory_space<vmem>> -> memref<1x8x32xf32, #tpu.memory_space<vmem>>
    %dma_start3A_647 = tpu.memref_squeeze %dma_start3A_646 : memref<1x8x32xf32, #tpu.memory_space<vmem>> -> memref<8x32xf32, #tpu.memory_space<vmem>>
    %dma_start3A_648 = arith.constant 0 : i32
    %dma_start3A_649 = tpu.memref_slice %arg4[%multiple_of3A_639, %dma_start3A_648] : memref<1000000x32xf32, #tpu.memory_space<hbm>> -> memref<8x32xf32, #tpu.memory_space<hbm>>
    %dma_start3A_650 = arith.constant 24 : i32
    %dma_start3A_651 = arith.constant 0 : i32
    %dma_start3A_652 = tpu.memref_slice %arg9[%dma_start3A_643, %dma_start3A_650, %dma_start3A_651] : memref<2x128x32xf32, #tpu.memory_space<vmem>> -> memref<1x8x32xf32, #tpu.memory_space<vmem>>
    %dma_start3A_653 = tpu.memref_squeeze %dma_start3A_652 : memref<1x8x32xf32, #tpu.memory_space<vmem>> -> memref<8x32xf32, #tpu.memory_space<vmem>>
    %dma_start3A_654 = arith.constant 0 : i32
    %dma_start3A_655 = tpu.memref_slice %arg4[%multiple_of3A_639, %dma_start3A_654] : memref<1000000x32xf32, #tpu.memory_space<hbm>> -> memref<8x32xf32, #tpu.memory_space<hbm>>
    tpu.enqueue_dma source(%dma_start3A_655 : memref<8x32xf32, #tpu.memory_space<hbm>>) target(%dma_start3A_653 : memref<8x32xf32, #tpu.memory_space<vmem>>) target_semaphore(%arg12 : memref<!tpu.dma_semaphore, #tpu.memory_space<semaphore_mem>>)
    %dma_start3A_656 = arith.constant 1 : i32
    %dma_start3A_657 = arith.constant 24 : i32
    %dma_start3A_658 = arith.constant 0 : i32
    %dma_start3A_659 = tpu.memref_slice %arg10[%dma_start3A_656, %dma_start3A_657, %dma_start3A_658] : memref<2x128x32xf32, #tpu.memory_space<vmem>> -> memref<1x8x32xf32, #tpu.memory_space<vmem>>
    %dma_start3A_660 = tpu.memref_squeeze %dma_start3A_659 : memref<1x8x32xf32, #tpu.memory_space<vmem>> -> memref<8x32xf32, #tpu.memory_space<vmem>>
    %dma_start3A_661 = arith.constant 0 : i32
    %dma_start3A_662 = tpu.memref_slice %arg5[%multiple_of3A_642, %dma_start3A_661] : memref<1000000x32xf32, #tpu.memory_space<hbm>> -> memref<8x32xf32, #tpu.memory_space<hbm>>
    %dma_start3A_663 = arith.constant 24 : i32
    %dma_start3A_664 = arith.constant 0 : i32
    %dma_start3A_665 = tpu.memref_slice %arg10[%dma_start3A_656, %dma_start3A_663, %dma_start3A_664] : memref<2x128x32xf32, #tpu.memory_space<vmem>> -> memref<1x8x32xf32, #tpu.memory_space<vmem>>
    %dma_start3A_666 = tpu.memref_squeeze %dma_start3A_665 : memref<1x8x32xf32, #tpu.memory_space<vmem>> -> memref<8x32xf32, #tpu.memory_space<vmem>>
    %dma_start3A_667 = arith.constant 0 : i32
    %dma_start3A_668 = tpu.memref_slice %arg5[%multiple_of3A_642, %dma_start3A_667] : memref<1000000x32xf32, #tpu.memory_space<hbm>> -> memref<8x32xf32, #tpu.memory_space<hbm>>
    tpu.enqueue_dma source(%dma_start3A_668 : memref<8x32xf32, #tpu.memory_space<hbm>>) target(%dma_start3A_666 : memref<8x32xf32, #tpu.memory_space<vmem>>) target_semaphore(%arg12 : memref<!tpu.dma_semaphore, #tpu.memory_space<semaphore_mem>>)
    %slice3A_669 = vector.extract_strided_slice %and3A_537 {offsets = [4], sizes = [1], strides = [1]} : vector<16xi32> to vector<1xi32>
    %squeeze3A_670 = vector.extract %slice3A_669[0] : i32 from vector<1xi32>
    %multiple_of3A_671 = tpu.assume_multiple %squeeze3A_670, 8 : i32
    %slice3A_672 = vector.extract_strided_slice %and3A_540 {offsets = [4], sizes = [1], strides = [1]} : vector<16xi32> to vector<1xi32>
    %squeeze3A_673 = vector.extract %slice3A_672[0] : i32 from vector<1xi32>
    %multiple_of3A_674 = tpu.assume_multiple %squeeze3A_673, 8 : i32
    %dma_start3A_675 = arith.constant 1 : i32
    %dma_start3A_676 = arith.constant 32 : i32
    %dma_start3A_677 = arith.constant 0 : i32
    %dma_start3A_678 = tpu.memref_slice %arg9[%dma_start3A_675, %dma_start3A_676, %dma_start3A_677] : memref<2x128x32xf32, #tpu.memory_space<vmem>> -> memref<1x8x32xf32, #tpu.memory_space<vmem>>
    %dma_start3A_679 = tpu.memref_squeeze %dma_start3A_678 : memref<1x8x32xf32, #tpu.memory_space<vmem>> -> memref<8x32xf32, #tpu.memory_space<vmem>>
    %dma_start3A_680 = arith.constant 0 : i32
    %dma_start3A_681 = tpu.memref_slice %arg4[%multiple_of3A_671, %dma_start3A_680] : memref<1000000x32xf32, #tpu.memory_space<hbm>> -> memref<8x32xf32, #tpu.memory_space<hbm>>
    %dma_start3A_682 = arith.constant 32 : i32
    %dma_start3A_683 = arith.constant 0 : i32
    %dma_start3A_684 = tpu.memref_slice %arg9[%dma_start3A_675, %dma_start3A_682, %dma_start3A_683] : memref<2x128x32xf32, #tpu.memory_space<vmem>> -> memref<1x8x32xf32, #tpu.memory_space<vmem>>
    %dma_start3A_685 = tpu.memref_squeeze %dma_start3A_684 : memref<1x8x32xf32, #tpu.memory_space<vmem>> -> memref<8x32xf32, #tpu.memory_space<vmem>>
    %dma_start3A_686 = arith.constant 0 : i32
    %dma_start3A_687 = tpu.memref_slice %arg4[%multiple_of3A_671, %dma_start3A_686] : memref<1000000x32xf32, #tpu.memory_space<hbm>> -> memref<8x32xf32, #tpu.memory_space<hbm>>
    tpu.enqueue_dma source(%dma_start3A_687 : memref<8x32xf32, #tpu.memory_space<hbm>>) target(%dma_start3A_685 : memref<8x32xf32, #tpu.memory_space<vmem>>) target_semaphore(%arg12 : memref<!tpu.dma_semaphore, #tpu.memory_space<semaphore_mem>>)
    %dma_start3A_688 = arith.constant 1 : i32
    %dma_start3A_689 = arith.constant 32 : i32
    %dma_start3A_690 = arith.constant 0 : i32
    %dma_start3A_691 = tpu.memref_slice %arg10[%dma_start3A_688, %dma_start3A_689, %dma_start3A_690] : memref<2x128x32xf32, #tpu.memory_space<vmem>> -> memref<1x8x32xf32, #tpu.memory_space<vmem>>
    %dma_start3A_692 = tpu.memref_squeeze %dma_start3A_691 : memref<1x8x32xf32, #tpu.memory_space<vmem>> -> memref<8x32xf32, #tpu.memory_space<vmem>>
    %dma_start3A_693 = arith.constant 0 : i32
    %dma_start3A_694 = tpu.memref_slice %arg5[%multiple_of3A_674, %dma_start3A_693] : memref<1000000x32xf32, #tpu.memory_space<hbm>> -> memref<8x32xf32, #tpu.memory_space<hbm>>
    %dma_start3A_695 = arith.constant 32 : i32
    %dma_start3A_696 = arith.constant 0 : i32
    %dma_start3A_697 = tpu.memref_slice %arg10[%dma_start3A_688, %dma_start3A_695, %dma_start3A_696] : memref<2x128x32xf32, #tpu.memory_space<vmem>> -> memref<1x8x32xf32, #tpu.memory_space<vmem>>
    %dma_start3A_698 = tpu.memref_squeeze %dma_start3A_697 : memref<1x8x32xf32, #tpu.memory_space<vmem>> -> memref<8x32xf32, #tpu.memory_space<vmem>>
    %dma_start3A_699 = arith.constant 0 : i32
    %dma_start3A_700 = tpu.memref_slice %arg5[%multiple_of3A_674, %dma_start3A_699] : memref<1000000x32xf32, #tpu.memory_space<hbm>> -> memref<8x32xf32, #tpu.memory_space<hbm>>
    tpu.enqueue_dma source(%dma_start3A_700 : memref<8x32xf32, #tpu.memory_space<hbm>>) target(%dma_start3A_698 : memref<8x32xf32, #tpu.memory_space<vmem>>) target_semaphore(%arg12 : memref<!tpu.dma_semaphore, #tpu.memory_space<semaphore_mem>>)
    %slice3A_701 = vector.extract_strided_slice %and3A_537 {offsets = [5], sizes = [1], strides = [1]} : vector<16xi32> to vector<1xi32>
    %squeeze3A_702 = vector.extract %slice3A_701[0] : i32 from vector<1xi32>
    %multiple_of3A_703 = tpu.assume_multiple %squeeze3A_702, 8 : i32
    %slice3A_704 = vector.extract_strided_slice %and3A_540 {offsets = [5], sizes = [1], strides = [1]} : vector<16xi32> to vector<1xi32>
    %squeeze3A_705 = vector.extract %slice3A_704[0] : i32 from vector<1xi32>
    %multiple_of3A_706 = tpu.assume_multiple %squeeze3A_705, 8 : i32
    %dma_start3A_707 = arith.constant 1 : i32
    %dma_start3A_708 = arith.constant 40 : i32
    %dma_start3A_709 = arith.constant 0 : i32
    %dma_start3A_710 = tpu.memref_slice %arg9[%dma_start3A_707, %dma_start3A_708, %dma_start3A_709] : memref<2x128x32xf32, #tpu.memory_space<vmem>> -> memref<1x8x32xf32, #tpu.memory_space<vmem>>
    %dma_start3A_711 = tpu.memref_squeeze %dma_start3A_710 : memref<1x8x32xf32, #tpu.memory_space<vmem>> -> memref<8x32xf32, #tpu.memory_space<vmem>>
    %dma_start3A_712 = arith.constant 0 : i32
    %dma_start3A_713 = tpu.memref_slice %arg4[%multiple_of3A_703, %dma_start3A_712] : memref<1000000x32xf32, #tpu.memory_space<hbm>> -> memref<8x32xf32, #tpu.memory_space<hbm>>
    %dma_start3A_714 = arith.constant 40 : i32
    %dma_start3A_715 = arith.constant 0 : i32
    %dma_start3A_716 = tpu.memref_slice %arg9[%dma_start3A_707, %dma_start3A_714, %dma_start3A_715] : memref<2x128x32xf32, #tpu.memory_space<vmem>> -> memref<1x8x32xf32, #tpu.memory_space<vmem>>
    %dma_start3A_717 = tpu.memref_squeeze %dma_start3A_716 : memref<1x8x32xf32, #tpu.memory_space<vmem>> -> memref<8x32xf32, #tpu.memory_space<vmem>>
    %dma_start3A_718 = arith.constant 0 : i32
    %dma_start3A_719 = tpu.memref_slice %arg4[%multiple_of3A_703, %dma_start3A_718] : memref<1000000x32xf32, #tpu.memory_space<hbm>> -> memref<8x32xf32, #tpu.memory_space<hbm>>
    tpu.enqueue_dma source(%dma_start3A_719 : memref<8x32xf32, #tpu.memory_space<hbm>>) target(%dma_start3A_717 : memref<8x32xf32, #tpu.memory_space<vmem>>) target_semaphore(%arg12 : memref<!tpu.dma_semaphore, #tpu.memory_space<semaphore_mem>>)
    %dma_start3A_720 = arith.constant 1 : i32
    %dma_start3A_721 = arith.constant 40 : i32
    %dma_start3A_722 = arith.constant 0 : i32
    %dma_start3A_723 = tpu.memref_slice %arg10[%dma_start3A_720, %dma_start3A_721, %dma_start3A_722] : memref<2x128x32xf32, #tpu.memory_space<vmem>> -> memref<1x8x32xf32, #tpu.memory_space<vmem>>
    %dma_start3A_724 = tpu.memref_squeeze %dma_start3A_723 : memref<1x8x32xf32, #tpu.memory_space<vmem>> -> memref<8x32xf32, #tpu.memory_space<vmem>>
    %dma_start3A_725 = arith.constant 0 : i32
    %dma_start3A_726 = tpu.memref_slice %arg5[%multiple_of3A_706, %dma_start3A_725] : memref<1000000x32xf32, #tpu.memory_space<hbm>> -> memref<8x32xf32, #tpu.memory_space<hbm>>
    %dma_start3A_727 = arith.constant 40 : i32
    %dma_start3A_728 = arith.constant 0 : i32
    %dma_start3A_729 = tpu.memref_slice %arg10[%dma_start3A_720, %dma_start3A_727, %dma_start3A_728] : memref<2x128x32xf32, #tpu.memory_space<vmem>> -> memref<1x8x32xf32, #tpu.memory_space<vmem>>
    %dma_start3A_730 = tpu.memref_squeeze %dma_start3A_729 : memref<1x8x32xf32, #tpu.memory_space<vmem>> -> memref<8x32xf32, #tpu.memory_space<vmem>>
    %dma_start3A_731 = arith.constant 0 : i32
    %dma_start3A_732 = tpu.memref_slice %arg5[%multiple_of3A_706, %dma_start3A_731] : memref<1000000x32xf32, #tpu.memory_space<hbm>> -> memref<8x32xf32, #tpu.memory_space<hbm>>
    tpu.enqueue_dma source(%dma_start3A_732 : memref<8x32xf32, #tpu.memory_space<hbm>>) target(%dma_start3A_730 : memref<8x32xf32, #tpu.memory_space<vmem>>) target_semaphore(%arg12 : memref<!tpu.dma_semaphore, #tpu.memory_space<semaphore_mem>>)
    %slice3A_733 = vector.extract_strided_slice %and3A_537 {offsets = [6], sizes = [1], strides = [1]} : vector<16xi32> to vector<1xi32>
    %squeeze3A_734 = vector.extract %slice3A_733[0] : i32 from vector<1xi32>
    %multiple_of3A_735 = tpu.assume_multiple %squeeze3A_734, 8 : i32
    %slice3A_736 = vector.extract_strided_slice %and3A_540 {offsets = [6], sizes = [1], strides = [1]} : vector<16xi32> to vector<1xi32>
    %squeeze3A_737 = vector.extract %slice3A_736[0] : i32 from vector<1xi32>
    %multiple_of3A_738 = tpu.assume_multiple %squeeze3A_737, 8 : i32
    %dma_start3A_739 = arith.constant 1 : i32
    %dma_start3A_740 = arith.constant 48 : i32
    %dma_start3A_741 = arith.constant 0 : i32
    %dma_start3A_742 = tpu.memref_slice %arg9[%dma_start3A_739, %dma_start3A_740, %dma_start3A_741] : memref<2x128x32xf32, #tpu.memory_space<vmem>> -> memref<1x8x32xf32, #tpu.memory_space<vmem>>
    %dma_start3A_743 = tpu.memref_squeeze %dma_start3A_742 : memref<1x8x32xf32, #tpu.memory_space<vmem>> -> memref<8x32xf32, #tpu.memory_space<vmem>>
    %dma_start3A_744 = arith.constant 0 : i32
    %dma_start3A_745 = tpu.memref_slice %arg4[%multiple_of3A_735, %dma_start3A_744] : memref<1000000x32xf32, #tpu.memory_space<hbm>> -> memref<8x32xf32, #tpu.memory_space<hbm>>
    %dma_start3A_746 = arith.constant 48 : i32
    %dma_start3A_747 = arith.constant 0 : i32
    %dma_start3A_748 = tpu.memref_slice %arg9[%dma_start3A_739, %dma_start3A_746, %dma_start3A_747] : memref<2x128x32xf32, #tpu.memory_space<vmem>> -> memref<1x8x32xf32, #tpu.memory_space<vmem>>
    %dma_start3A_749 = tpu.memref_squeeze %dma_start3A_748 : memref<1x8x32xf32, #tpu.memory_space<vmem>> -> memref<8x32xf32, #tpu.memory_space<vmem>>
    %dma_start3A_750 = arith.constant 0 : i32
    %dma_start3A_751 = tpu.memref_slice %arg4[%multiple_of3A_735, %dma_start3A_750] : memref<1000000x32xf32, #tpu.memory_space<hbm>> -> memref<8x32xf32, #tpu.memory_space<hbm>>
    tpu.enqueue_dma source(%dma_start3A_751 : memref<8x32xf32, #tpu.memory_space<hbm>>) target(%dma_start3A_749 : memref<8x32xf32, #tpu.memory_space<vmem>>) target_semaphore(%arg12 : memref<!tpu.dma_semaphore, #tpu.memory_space<semaphore_mem>>)
    %dma_start3A_752 = arith.constant 1 : i32
    %dma_start3A_753 = arith.constant 48 : i32
    %dma_start3A_754 = arith.constant 0 : i32
    %dma_start3A_755 = tpu.memref_slice %arg10[%dma_start3A_752, %dma_start3A_753, %dma_start3A_754] : memref<2x128x32xf32, #tpu.memory_space<vmem>> -> memref<1x8x32xf32, #tpu.memory_space<vmem>>
    %dma_start3A_756 = tpu.memref_squeeze %dma_start3A_755 : memref<1x8x32xf32, #tpu.memory_space<vmem>> -> memref<8x32xf32, #tpu.memory_space<vmem>>
    %dma_start3A_757 = arith.constant 0 : i32
    %dma_start3A_758 = tpu.memref_slice %arg5[%multiple_of3A_738, %dma_start3A_757] : memref<1000000x32xf32, #tpu.memory_space<hbm>> -> memref<8x32xf32, #tpu.memory_space<hbm>>
    %dma_start3A_759 = arith.constant 48 : i32
    %dma_start3A_760 = arith.constant 0 : i32
    %dma_start3A_761 = tpu.memref_slice %arg10[%dma_start3A_752, %dma_start3A_759, %dma_start3A_760] : memref<2x128x32xf32, #tpu.memory_space<vmem>> -> memref<1x8x32xf32, #tpu.memory_space<vmem>>
    %dma_start3A_762 = tpu.memref_squeeze %dma_start3A_761 : memref<1x8x32xf32, #tpu.memory_space<vmem>> -> memref<8x32xf32, #tpu.memory_space<vmem>>
    %dma_start3A_763 = arith.constant 0 : i32
    %dma_start3A_764 = tpu.memref_slice %arg5[%multiple_of3A_738, %dma_start3A_763] : memref<1000000x32xf32, #tpu.memory_space<hbm>> -> memref<8x32xf32, #tpu.memory_space<hbm>>
    tpu.enqueue_dma source(%dma_start3A_764 : memref<8x32xf32, #tpu.memory_space<hbm>>) target(%dma_start3A_762 : memref<8x32xf32, #tpu.memory_space<vmem>>) target_semaphore(%arg12 : memref<!tpu.dma_semaphore, #tpu.memory_space<semaphore_mem>>)
    %slice3A_765 = vector.extract_strided_slice %and3A_537 {offsets = [7], sizes = [1], strides = [1]} : vector<16xi32> to vector<1xi32>
    %squeeze3A_766 = vector.extract %slice3A_765[0] : i32 from vector<1xi32>
    %multiple_of3A_767 = tpu.assume_multiple %squeeze3A_766, 8 : i32
    %slice3A_768 = vector.extract_strided_slice %and3A_540 {offsets = [7], sizes = [1], strides = [1]} : vector<16xi32> to vector<1xi32>
    %squeeze3A_769 = vector.extract %slice3A_768[0] : i32 from vector<1xi32>
    %multiple_of3A_770 = tpu.assume_multiple %squeeze3A_769, 8 : i32
    %dma_start3A_771 = arith.constant 1 : i32
    %dma_start3A_772 = arith.constant 56 : i32
    %dma_start3A_773 = arith.constant 0 : i32
    %dma_start3A_774 = tpu.memref_slice %arg9[%dma_start3A_771, %dma_start3A_772, %dma_start3A_773] : memref<2x128x32xf32, #tpu.memory_space<vmem>> -> memref<1x8x32xf32, #tpu.memory_space<vmem>>
    %dma_start3A_775 = tpu.memref_squeeze %dma_start3A_774 : memref<1x8x32xf32, #tpu.memory_space<vmem>> -> memref<8x32xf32, #tpu.memory_space<vmem>>
    %dma_start3A_776 = arith.constant 0 : i32
    %dma_start3A_777 = tpu.memref_slice %arg4[%multiple_of3A_767, %dma_start3A_776] : memref<1000000x32xf32, #tpu.memory_space<hbm>> -> memref<8x32xf32, #tpu.memory_space<hbm>>
    %dma_start3A_778 = arith.constant 56 : i32
    %dma_start3A_779 = arith.constant 0 : i32
    %dma_start3A_780 = tpu.memref_slice %arg9[%dma_start3A_771, %dma_start3A_778, %dma_start3A_779] : memref<2x128x32xf32, #tpu.memory_space<vmem>> -> memref<1x8x32xf32, #tpu.memory_space<vmem>>
    %dma_start3A_781 = tpu.memref_squeeze %dma_start3A_780 : memref<1x8x32xf32, #tpu.memory_space<vmem>> -> memref<8x32xf32, #tpu.memory_space<vmem>>
    %dma_start3A_782 = arith.constant 0 : i32
    %dma_start3A_783 = tpu.memref_slice %arg4[%multiple_of3A_767, %dma_start3A_782] : memref<1000000x32xf32, #tpu.memory_space<hbm>> -> memref<8x32xf32, #tpu.memory_space<hbm>>
    tpu.enqueue_dma source(%dma_start3A_783 : memref<8x32xf32, #tpu.memory_space<hbm>>) target(%dma_start3A_781 : memref<8x32xf32, #tpu.memory_space<vmem>>) target_semaphore(%arg12 : memref<!tpu.dma_semaphore, #tpu.memory_space<semaphore_mem>>)
    %dma_start3A_784 = arith.constant 1 : i32
    %dma_start3A_785 = arith.constant 56 : i32
    %dma_start3A_786 = arith.constant 0 : i32
    %dma_start3A_787 = tpu.memref_slice %arg10[%dma_start3A_784, %dma_start3A_785, %dma_start3A_786] : memref<2x128x32xf32, #tpu.memory_space<vmem>> -> memref<1x8x32xf32, #tpu.memory_space<vmem>>
    %dma_start3A_788 = tpu.memref_squeeze %dma_start3A_787 : memref<1x8x32xf32, #tpu.memory_space<vmem>> -> memref<8x32xf32, #tpu.memory_space<vmem>>
    %dma_start3A_789 = arith.constant 0 : i32
    %dma_start3A_790 = tpu.memref_slice %arg5[%multiple_of3A_770, %dma_start3A_789] : memref<1000000x32xf32, #tpu.memory_space<hbm>> -> memref<8x32xf32, #tpu.memory_space<hbm>>
    %dma_start3A_791 = arith.constant 56 : i32
    %dma_start3A_792 = arith.constant 0 : i32
    %dma_start3A_793 = tpu.memref_slice %arg10[%dma_start3A_784, %dma_start3A_791, %dma_start3A_792] : memref<2x128x32xf32, #tpu.memory_space<vmem>> -> memref<1x8x32xf32, #tpu.memory_space<vmem>>
    %dma_start3A_794 = tpu.memref_squeeze %dma_start3A_793 : memref<1x8x32xf32, #tpu.memory_space<vmem>> -> memref<8x32xf32, #tpu.memory_space<vmem>>
    %dma_start3A_795 = arith.constant 0 : i32
    %dma_start3A_796 = tpu.memref_slice %arg5[%multiple_of3A_770, %dma_start3A_795] : memref<1000000x32xf32, #tpu.memory_space<hbm>> -> memref<8x32xf32, #tpu.memory_space<hbm>>
    tpu.enqueue_dma source(%dma_start3A_796 : memref<8x32xf32, #tpu.memory_space<hbm>>) target(%dma_start3A_794 : memref<8x32xf32, #tpu.memory_space<vmem>>) target_semaphore(%arg12 : memref<!tpu.dma_semaphore, #tpu.memory_space<semaphore_mem>>)
    %slice3A_797 = vector.extract_strided_slice %and3A_537 {offsets = [8], sizes = [1], strides = [1]} : vector<16xi32> to vector<1xi32>
    %squeeze3A_798 = vector.extract %slice3A_797[0] : i32 from vector<1xi32>
    %multiple_of3A_799 = tpu.assume_multiple %squeeze3A_798, 8 : i32
    %slice3A_800 = vector.extract_strided_slice %and3A_540 {offsets = [8], sizes = [1], strides = [1]} : vector<16xi32> to vector<1xi32>
    %squeeze3A_801 = vector.extract %slice3A_800[0] : i32 from vector<1xi32>
    %multiple_of3A_802 = tpu.assume_multiple %squeeze3A_801, 8 : i32
    %dma_start3A_803 = arith.constant 1 : i32
    %dma_start3A_804 = arith.constant 64 : i32
    %dma_start3A_805 = arith.constant 0 : i32
    %dma_start3A_806 = tpu.memref_slice %arg9[%dma_start3A_803, %dma_start3A_804, %dma_start3A_805] : memref<2x128x32xf32, #tpu.memory_space<vmem>> -> memref<1x8x32xf32, #tpu.memory_space<vmem>>
    %dma_start3A_807 = tpu.memref_squeeze %dma_start3A_806 : memref<1x8x32xf32, #tpu.memory_space<vmem>> -> memref<8x32xf32, #tpu.memory_space<vmem>>
    %dma_start3A_808 = arith.constant 0 : i32
    %dma_start3A_809 = tpu.memref_slice %arg4[%multiple_of3A_799, %dma_start3A_808] : memref<1000000x32xf32, #tpu.memory_space<hbm>> -> memref<8x32xf32, #tpu.memory_space<hbm>>
    %dma_start3A_810 = arith.constant 64 : i32
    %dma_start3A_811 = arith.constant 0 : i32
    %dma_start3A_812 = tpu.memref_slice %arg9[%dma_start3A_803, %dma_start3A_810, %dma_start3A_811] : memref<2x128x32xf32, #tpu.memory_space<vmem>> -> memref<1x8x32xf32, #tpu.memory_space<vmem>>
    %dma_start3A_813 = tpu.memref_squeeze %dma_start3A_812 : memref<1x8x32xf32, #tpu.memory_space<vmem>> -> memref<8x32xf32, #tpu.memory_space<vmem>>
    %dma_start3A_814 = arith.constant 0 : i32
    %dma_start3A_815 = tpu.memref_slice %arg4[%multiple_of3A_799, %dma_start3A_814] : memref<1000000x32xf32, #tpu.memory_space<hbm>> -> memref<8x32xf32, #tpu.memory_space<hbm>>
    tpu.enqueue_dma source(%dma_start3A_815 : memref<8x32xf32, #tpu.memory_space<hbm>>) target(%dma_start3A_813 : memref<8x32xf32, #tpu.memory_space<vmem>>) target_semaphore(%arg12 : memref<!tpu.dma_semaphore, #tpu.memory_space<semaphore_mem>>)
    %dma_start3A_816 = arith.constant 1 : i32
    %dma_start3A_817 = arith.constant 64 : i32
    %dma_start3A_818 = arith.constant 0 : i32
    %dma_start3A_819 = tpu.memref_slice %arg10[%dma_start3A_816, %dma_start3A_817, %dma_start3A_818] : memref<2x128x32xf32, #tpu.memory_space<vmem>> -> memref<1x8x32xf32, #tpu.memory_space<vmem>>
    %dma_start3A_820 = tpu.memref_squeeze %dma_start3A_819 : memref<1x8x32xf32, #tpu.memory_space<vmem>> -> memref<8x32xf32, #tpu.memory_space<vmem>>
    %dma_start3A_821 = arith.constant 0 : i32
    %dma_start3A_822 = tpu.memref_slice %arg5[%multiple_of3A_802, %dma_start3A_821] : memref<1000000x32xf32, #tpu.memory_space<hbm>> -> memref<8x32xf32, #tpu.memory_space<hbm>>
    %dma_start3A_823 = arith.constant 64 : i32
    %dma_start3A_824 = arith.constant 0 : i32
    %dma_start3A_825 = tpu.memref_slice %arg10[%dma_start3A_816, %dma_start3A_823, %dma_start3A_824] : memref<2x128x32xf32, #tpu.memory_space<vmem>> -> memref<1x8x32xf32, #tpu.memory_space<vmem>>
    %dma_start3A_826 = tpu.memref_squeeze %dma_start3A_825 : memref<1x8x32xf32, #tpu.memory_space<vmem>> -> memref<8x32xf32, #tpu.memory_space<vmem>>
    %dma_start3A_827 = arith.constant 0 : i32
    %dma_start3A_828 = tpu.memref_slice %arg5[%multiple_of3A_802, %dma_start3A_827] : memref<1000000x32xf32, #tpu.memory_space<hbm>> -> memref<8x32xf32, #tpu.memory_space<hbm>>
    tpu.enqueue_dma source(%dma_start3A_828 : memref<8x32xf32, #tpu.memory_space<hbm>>) target(%dma_start3A_826 : memref<8x32xf32, #tpu.memory_space<vmem>>) target_semaphore(%arg12 : memref<!tpu.dma_semaphore, #tpu.memory_space<semaphore_mem>>)
    %slice3A_829 = vector.extract_strided_slice %and3A_537 {offsets = [9], sizes = [1], strides = [1]} : vector<16xi32> to vector<1xi32>
    %squeeze3A_830 = vector.extract %slice3A_829[0] : i32 from vector<1xi32>
    %multiple_of3A_831 = tpu.assume_multiple %squeeze3A_830, 8 : i32
    %slice3A_832 = vector.extract_strided_slice %and3A_540 {offsets = [9], sizes = [1], strides = [1]} : vector<16xi32> to vector<1xi32>
    %squeeze3A_833 = vector.extract %slice3A_832[0] : i32 from vector<1xi32>
    %multiple_of3A_834 = tpu.assume_multiple %squeeze3A_833, 8 : i32
    %dma_start3A_835 = arith.constant 1 : i32
    %dma_start3A_836 = arith.constant 72 : i32
    %dma_start3A_837 = arith.constant 0 : i32
    %dma_start3A_838 = tpu.memref_slice %arg9[%dma_start3A_835, %dma_start3A_836, %dma_start3A_837] : memref<2x128x32xf32, #tpu.memory_space<vmem>> -> memref<1x8x32xf32, #tpu.memory_space<vmem>>
    %dma_start3A_839 = tpu.memref_squeeze %dma_start3A_838 : memref<1x8x32xf32, #tpu.memory_space<vmem>> -> memref<8x32xf32, #tpu.memory_space<vmem>>
    %dma_start3A_840 = arith.constant 0 : i32
    %dma_start3A_841 = tpu.memref_slice %arg4[%multiple_of3A_831, %dma_start3A_840] : memref<1000000x32xf32, #tpu.memory_space<hbm>> -> memref<8x32xf32, #tpu.memory_space<hbm>>
    %dma_start3A_842 = arith.constant 72 : i32
    %dma_start3A_843 = arith.constant 0 : i32
    %dma_start3A_844 = tpu.memref_slice %arg9[%dma_start3A_835, %dma_start3A_842, %dma_start3A_843] : memref<2x128x32xf32, #tpu.memory_space<vmem>> -> memref<1x8x32xf32, #tpu.memory_space<vmem>>
    %dma_start3A_845 = tpu.memref_squeeze %dma_start3A_844 : memref<1x8x32xf32, #tpu.memory_space<vmem>> -> memref<8x32xf32, #tpu.memory_space<vmem>>
    %dma_start3A_846 = arith.constant 0 : i32
    %dma_start3A_847 = tpu.memref_slice %arg4[%multiple_of3A_831, %dma_start3A_846] : memref<1000000x32xf32, #tpu.memory_space<hbm>> -> memref<8x32xf32, #tpu.memory_space<hbm>>
    tpu.enqueue_dma source(%dma_start3A_847 : memref<8x32xf32, #tpu.memory_space<hbm>>) target(%dma_start3A_845 : memref<8x32xf32, #tpu.memory_space<vmem>>) target_semaphore(%arg12 : memref<!tpu.dma_semaphore, #tpu.memory_space<semaphore_mem>>)
    %dma_start3A_848 = arith.constant 1 : i32
    %dma_start3A_849 = arith.constant 72 : i32
    %dma_start3A_850 = arith.constant 0 : i32
    %dma_start3A_851 = tpu.memref_slice %arg10[%dma_start3A_848, %dma_start3A_849, %dma_start3A_850] : memref<2x128x32xf32, #tpu.memory_space<vmem>> -> memref<1x8x32xf32, #tpu.memory_space<vmem>>
    %dma_start3A_852 = tpu.memref_squeeze %dma_start3A_851 : memref<1x8x32xf32, #tpu.memory_space<vmem>> -> memref<8x32xf32, #tpu.memory_space<vmem>>
    %dma_start3A_853 = arith.constant 0 : i32
    %dma_start3A_854 = tpu.memref_slice %arg5[%multiple_of3A_834, %dma_start3A_853] : memref<1000000x32xf32, #tpu.memory_space<hbm>> -> memref<8x32xf32, #tpu.memory_space<hbm>>
    %dma_start3A_855 = arith.constant 72 : i32
    %dma_start3A_856 = arith.constant 0 : i32
    %dma_start3A_857 = tpu.memref_slice %arg10[%dma_start3A_848, %dma_start3A_855, %dma_start3A_856] : memref<2x128x32xf32, #tpu.memory_space<vmem>> -> memref<1x8x32xf32, #tpu.memory_space<vmem>>
    %dma_start3A_858 = tpu.memref_squeeze %dma_start3A_857 : memref<1x8x32xf32, #tpu.memory_space<vmem>> -> memref<8x32xf32, #tpu.memory_space<vmem>>
    %dma_start3A_859 = arith.constant 0 : i32
    %dma_start3A_860 = tpu.memref_slice %arg5[%multiple_of3A_834, %dma_start3A_859] : memref<1000000x32xf32, #tpu.memory_space<hbm>> -> memref<8x32xf32, #tpu.memory_space<hbm>>
    tpu.enqueue_dma source(%dma_start3A_860 : memref<8x32xf32, #tpu.memory_space<hbm>>) target(%dma_start3A_858 : memref<8x32xf32, #tpu.memory_space<vmem>>) target_semaphore(%arg12 : memref<!tpu.dma_semaphore, #tpu.memory_space<semaphore_mem>>)
    %slice3A_861 = vector.extract_strided_slice %and3A_537 {offsets = [10], sizes = [1], strides = [1]} : vector<16xi32> to vector<1xi32>
    %squeeze3A_862 = vector.extract %slice3A_861[0] : i32 from vector<1xi32>
    %multiple_of3A_863 = tpu.assume_multiple %squeeze3A_862, 8 : i32
    %slice3A_864 = vector.extract_strided_slice %and3A_540 {offsets = [10], sizes = [1], strides = [1]} : vector<16xi32> to vector<1xi32>
    %squeeze3A_865 = vector.extract %slice3A_864[0] : i32 from vector<1xi32>
    %multiple_of3A_866 = tpu.assume_multiple %squeeze3A_865, 8 : i32
    %dma_start3A_867 = arith.constant 1 : i32
    %dma_start3A_868 = arith.constant 80 : i32
    %dma_start3A_869 = arith.constant 0 : i32
    %dma_start3A_870 = tpu.memref_slice %arg9[%dma_start3A_867, %dma_start3A_868, %dma_start3A_869] : memref<2x128x32xf32, #tpu.memory_space<vmem>> -> memref<1x8x32xf32, #tpu.memory_space<vmem>>
    %dma_start3A_871 = tpu.memref_squeeze %dma_start3A_870 : memref<1x8x32xf32, #tpu.memory_space<vmem>> -> memref<8x32xf32, #tpu.memory_space<vmem>>
    %dma_start3A_872 = arith.constant 0 : i32
    %dma_start3A_873 = tpu.memref_slice %arg4[%multiple_of3A_863, %dma_start3A_872] : memref<1000000x32xf32, #tpu.memory_space<hbm>> -> memref<8x32xf32, #tpu.memory_space<hbm>>
    %dma_start3A_874 = arith.constant 80 : i32
    %dma_start3A_875 = arith.constant 0 : i32
    %dma_start3A_876 = tpu.memref_slice %arg9[%dma_start3A_867, %dma_start3A_874, %dma_start3A_875] : memref<2x128x32xf32, #tpu.memory_space<vmem>> -> memref<1x8x32xf32, #tpu.memory_space<vmem>>
    %dma_start3A_877 = tpu.memref_squeeze %dma_start3A_876 : memref<1x8x32xf32, #tpu.memory_space<vmem>> -> memref<8x32xf32, #tpu.memory_space<vmem>>
    %dma_start3A_878 = arith.constant 0 : i32
    %dma_start3A_879 = tpu.memref_slice %arg4[%multiple_of3A_863, %dma_start3A_878] : memref<1000000x32xf32, #tpu.memory_space<hbm>> -> memref<8x32xf32, #tpu.memory_space<hbm>>
    tpu.enqueue_dma source(%dma_start3A_879 : memref<8x32xf32, #tpu.memory_space<hbm>>) target(%dma_start3A_877 : memref<8x32xf32, #tpu.memory_space<vmem>>) target_semaphore(%arg12 : memref<!tpu.dma_semaphore, #tpu.memory_space<semaphore_mem>>)
    %dma_start3A_880 = arith.constant 1 : i32
    %dma_start3A_881 = arith.constant 80 : i32
    %dma_start3A_882 = arith.constant 0 : i32
    %dma_start3A_883 = tpu.memref_slice %arg10[%dma_start3A_880, %dma_start3A_881, %dma_start3A_882] : memref<2x128x32xf32, #tpu.memory_space<vmem>> -> memref<1x8x32xf32, #tpu.memory_space<vmem>>
    %dma_start3A_884 = tpu.memref_squeeze %dma_start3A_883 : memref<1x8x32xf32, #tpu.memory_space<vmem>> -> memref<8x32xf32, #tpu.memory_space<vmem>>
    %dma_start3A_885 = arith.constant 0 : i32
    %dma_start3A_886 = tpu.memref_slice %arg5[%multiple_of3A_866, %dma_start3A_885] : memref<1000000x32xf32, #tpu.memory_space<hbm>> -> memref<8x32xf32, #tpu.memory_space<hbm>>
    %dma_start3A_887 = arith.constant 80 : i32
    %dma_start3A_888 = arith.constant 0 : i32
    %dma_start3A_889 = tpu.memref_slice %arg10[%dma_start3A_880, %dma_start3A_887, %dma_start3A_888] : memref<2x128x32xf32, #tpu.memory_space<vmem>> -> memref<1x8x32xf32, #tpu.memory_space<vmem>>
    %dma_start3A_890 = tpu.memref_squeeze %dma_start3A_889 : memref<1x8x32xf32, #tpu.memory_space<vmem>> -> memref<8x32xf32, #tpu.memory_space<vmem>>
    %dma_start3A_891 = arith.constant 0 : i32
    %dma_start3A_892 = tpu.memref_slice %arg5[%multiple_of3A_866, %dma_start3A_891] : memref<1000000x32xf32, #tpu.memory_space<hbm>> -> memref<8x32xf32, #tpu.memory_space<hbm>>
    tpu.enqueue_dma source(%dma_start3A_892 : memref<8x32xf32, #tpu.memory_space<hbm>>) target(%dma_start3A_890 : memref<8x32xf32, #tpu.memory_space<vmem>>) target_semaphore(%arg12 : memref<!tpu.dma_semaphore, #tpu.memory_space<semaphore_mem>>)
    %slice3A_893 = vector.extract_strided_slice %and3A_537 {offsets = [11], sizes = [1], strides = [1]} : vector<16xi32> to vector<1xi32>
    %squeeze3A_894 = vector.extract %slice3A_893[0] : i32 from vector<1xi32>
    %multiple_of3A_895 = tpu.assume_multiple %squeeze3A_894, 8 : i32
    %slice3A_896 = vector.extract_strided_slice %and3A_540 {offsets = [11], sizes = [1], strides = [1]} : vector<16xi32> to vector<1xi32>
    %squeeze3A_897 = vector.extract %slice3A_896[0] : i32 from vector<1xi32>
    %multiple_of3A_898 = tpu.assume_multiple %squeeze3A_897, 8 : i32
    %dma_start3A_899 = arith.constant 1 : i32
    %dma_start3A_900 = arith.constant 88 : i32
    %dma_start3A_901 = arith.constant 0 : i32
    %dma_start3A_902 = tpu.memref_slice %arg9[%dma_start3A_899, %dma_start3A_900, %dma_start3A_901] : memref<2x128x32xf32, #tpu.memory_space<vmem>> -> memref<1x8x32xf32, #tpu.memory_space<vmem>>
    %dma_start3A_903 = tpu.memref_squeeze %dma_start3A_902 : memref<1x8x32xf32, #tpu.memory_space<vmem>> -> memref<8x32xf32, #tpu.memory_space<vmem>>
    %dma_start3A_904 = arith.constant 0 : i32
    %dma_start3A_905 = tpu.memref_slice %arg4[%multiple_of3A_895, %dma_start3A_904] : memref<1000000x32xf32, #tpu.memory_space<hbm>> -> memref<8x32xf32, #tpu.memory_space<hbm>>
    %dma_start3A_906 = arith.constant 88 : i32
    %dma_start3A_907 = arith.constant 0 : i32
    %dma_start3A_908 = tpu.memref_slice %arg9[%dma_start3A_899, %dma_start3A_906, %dma_start3A_907] : memref<2x128x32xf32, #tpu.memory_space<vmem>> -> memref<1x8x32xf32, #tpu.memory_space<vmem>>
    %dma_start3A_909 = tpu.memref_squeeze %dma_start3A_908 : memref<1x8x32xf32, #tpu.memory_space<vmem>> -> memref<8x32xf32, #tpu.memory_space<vmem>>
    %dma_start3A_910 = arith.constant 0 : i32
    %dma_start3A_911 = tpu.memref_slice %arg4[%multiple_of3A_895, %dma_start3A_910] : memref<1000000x32xf32, #tpu.memory_space<hbm>> -> memref<8x32xf32, #tpu.memory_space<hbm>>
    tpu.enqueue_dma source(%dma_start3A_911 : memref<8x32xf32, #tpu.memory_space<hbm>>) target(%dma_start3A_909 : memref<8x32xf32, #tpu.memory_space<vmem>>) target_semaphore(%arg12 : memref<!tpu.dma_semaphore, #tpu.memory_space<semaphore_mem>>)
    %dma_start3A_912 = arith.constant 1 : i32
    %dma_start3A_913 = arith.constant 88 : i32
    %dma_start3A_914 = arith.constant 0 : i32
    %dma_start3A_915 = tpu.memref_slice %arg10[%dma_start3A_912, %dma_start3A_913, %dma_start3A_914] : memref<2x128x32xf32, #tpu.memory_space<vmem>> -> memref<1x8x32xf32, #tpu.memory_space<vmem>>
    %dma_start3A_916 = tpu.memref_squeeze %dma_start3A_915 : memref<1x8x32xf32, #tpu.memory_space<vmem>> -> memref<8x32xf32, #tpu.memory_space<vmem>>
    %dma_start3A_917 = arith.constant 0 : i32
    %dma_start3A_918 = tpu.memref_slice %arg5[%multiple_of3A_898, %dma_start3A_917] : memref<1000000x32xf32, #tpu.memory_space<hbm>> -> memref<8x32xf32, #tpu.memory_space<hbm>>
    %dma_start3A_919 = arith.constant 88 : i32
    %dma_start3A_920 = arith.constant 0 : i32
    %dma_start3A_921 = tpu.memref_slice %arg10[%dma_start3A_912, %dma_start3A_919, %dma_start3A_920] : memref<2x128x32xf32, #tpu.memory_space<vmem>> -> memref<1x8x32xf32, #tpu.memory_space<vmem>>
    %dma_start3A_922 = tpu.memref_squeeze %dma_start3A_921 : memref<1x8x32xf32, #tpu.memory_space<vmem>> -> memref<8x32xf32, #tpu.memory_space<vmem>>
    %dma_start3A_923 = arith.constant 0 : i32
    %dma_start3A_924 = tpu.memref_slice %arg5[%multiple_of3A_898, %dma_start3A_923] : memref<1000000x32xf32, #tpu.memory_space<hbm>> -> memref<8x32xf32, #tpu.memory_space<hbm>>
    tpu.enqueue_dma source(%dma_start3A_924 : memref<8x32xf32, #tpu.memory_space<hbm>>) target(%dma_start3A_922 : memref<8x32xf32, #tpu.memory_space<vmem>>) target_semaphore(%arg12 : memref<!tpu.dma_semaphore, #tpu.memory_space<semaphore_mem>>)
    %slice3A_925 = vector.extract_strided_slice %and3A_537 {offsets = [12], sizes = [1], strides = [1]} : vector<16xi32> to vector<1xi32>
    %squeeze3A_926 = vector.extract %slice3A_925[0] : i32 from vector<1xi32>
    %multiple_of3A_927 = tpu.assume_multiple %squeeze3A_926, 8 : i32
    %slice3A_928 = vector.extract_strided_slice %and3A_540 {offsets = [12], sizes = [1], strides = [1]} : vector<16xi32> to vector<1xi32>
    %squeeze3A_929 = vector.extract %slice3A_928[0] : i32 from vector<1xi32>
    %multiple_of3A_930 = tpu.assume_multiple %squeeze3A_929, 8 : i32
    %dma_start3A_931 = arith.constant 1 : i32
    %dma_start3A_932 = arith.constant 96 : i32
    %dma_start3A_933 = arith.constant 0 : i32
    %dma_start3A_934 = tpu.memref_slice %arg9[%dma_start3A_931, %dma_start3A_932, %dma_start3A_933] : memref<2x128x32xf32, #tpu.memory_space<vmem>> -> memref<1x8x32xf32, #tpu.memory_space<vmem>>
    %dma_start3A_935 = tpu.memref_squeeze %dma_start3A_934 : memref<1x8x32xf32, #tpu.memory_space<vmem>> -> memref<8x32xf32, #tpu.memory_space<vmem>>
    %dma_start3A_936 = arith.constant 0 : i32
    %dma_start3A_937 = tpu.memref_slice %arg4[%multiple_of3A_927, %dma_start3A_936] : memref<1000000x32xf32, #tpu.memory_space<hbm>> -> memref<8x32xf32, #tpu.memory_space<hbm>>
    %dma_start3A_938 = arith.constant 96 : i32
    %dma_start3A_939 = arith.constant 0 : i32
    %dma_start3A_940 = tpu.memref_slice %arg9[%dma_start3A_931, %dma_start3A_938, %dma_start3A_939] : memref<2x128x32xf32, #tpu.memory_space<vmem>> -> memref<1x8x32xf32, #tpu.memory_space<vmem>>
    %dma_start3A_941 = tpu.memref_squeeze %dma_start3A_940 : memref<1x8x32xf32, #tpu.memory_space<vmem>> -> memref<8x32xf32, #tpu.memory_space<vmem>>
    %dma_start3A_942 = arith.constant 0 : i32
    %dma_start3A_943 = tpu.memref_slice %arg4[%multiple_of3A_927, %dma_start3A_942] : memref<1000000x32xf32, #tpu.memory_space<hbm>> -> memref<8x32xf32, #tpu.memory_space<hbm>>
    tpu.enqueue_dma source(%dma_start3A_943 : memref<8x32xf32, #tpu.memory_space<hbm>>) target(%dma_start3A_941 : memref<8x32xf32, #tpu.memory_space<vmem>>) target_semaphore(%arg12 : memref<!tpu.dma_semaphore, #tpu.memory_space<semaphore_mem>>)
    %dma_start3A_944 = arith.constant 1 : i32
    %dma_start3A_945 = arith.constant 96 : i32
    %dma_start3A_946 = arith.constant 0 : i32
    %dma_start3A_947 = tpu.memref_slice %arg10[%dma_start3A_944, %dma_start3A_945, %dma_start3A_946] : memref<2x128x32xf32, #tpu.memory_space<vmem>> -> memref<1x8x32xf32, #tpu.memory_space<vmem>>
    %dma_start3A_948 = tpu.memref_squeeze %dma_start3A_947 : memref<1x8x32xf32, #tpu.memory_space<vmem>> -> memref<8x32xf32, #tpu.memory_space<vmem>>
    %dma_start3A_949 = arith.constant 0 : i32
    %dma_start3A_950 = tpu.memref_slice %arg5[%multiple_of3A_930, %dma_start3A_949] : memref<1000000x32xf32, #tpu.memory_space<hbm>> -> memref<8x32xf32, #tpu.memory_space<hbm>>
    %dma_start3A_951 = arith.constant 96 : i32
    %dma_start3A_952 = arith.constant 0 : i32
    %dma_start3A_953 = tpu.memref_slice %arg10[%dma_start3A_944, %dma_start3A_951, %dma_start3A_952] : memref<2x128x32xf32, #tpu.memory_space<vmem>> -> memref<1x8x32xf32, #tpu.memory_space<vmem>>
    %dma_start3A_954 = tpu.memref_squeeze %dma_start3A_953 : memref<1x8x32xf32, #tpu.memory_space<vmem>> -> memref<8x32xf32, #tpu.memory_space<vmem>>
    %dma_start3A_955 = arith.constant 0 : i32
    %dma_start3A_956 = tpu.memref_slice %arg5[%multiple_of3A_930, %dma_start3A_955] : memref<1000000x32xf32, #tpu.memory_space<hbm>> -> memref<8x32xf32, #tpu.memory_space<hbm>>
    tpu.enqueue_dma source(%dma_start3A_956 : memref<8x32xf32, #tpu.memory_space<hbm>>) target(%dma_start3A_954 : memref<8x32xf32, #tpu.memory_space<vmem>>) target_semaphore(%arg12 : memref<!tpu.dma_semaphore, #tpu.memory_space<semaphore_mem>>)
    %slice3A_957 = vector.extract_strided_slice %and3A_537 {offsets = [13], sizes = [1], strides = [1]} : vector<16xi32> to vector<1xi32>
    %squeeze3A_958 = vector.extract %slice3A_957[0] : i32 from vector<1xi32>
    %multiple_of3A_959 = tpu.assume_multiple %squeeze3A_958, 8 : i32
    %slice3A_960 = vector.extract_strided_slice %and3A_540 {offsets = [13], sizes = [1], strides = [1]} : vector<16xi32> to vector<1xi32>
    %squeeze3A_961 = vector.extract %slice3A_960[0] : i32 from vector<1xi32>
    %multiple_of3A_962 = tpu.assume_multiple %squeeze3A_961, 8 : i32
    %dma_start3A_963 = arith.constant 1 : i32
    %dma_start3A_964 = arith.constant 104 : i32
    %dma_start3A_965 = arith.constant 0 : i32
    %dma_start3A_966 = tpu.memref_slice %arg9[%dma_start3A_963, %dma_start3A_964, %dma_start3A_965] : memref<2x128x32xf32, #tpu.memory_space<vmem>> -> memref<1x8x32xf32, #tpu.memory_space<vmem>>
    %dma_start3A_967 = tpu.memref_squeeze %dma_start3A_966 : memref<1x8x32xf32, #tpu.memory_space<vmem>> -> memref<8x32xf32, #tpu.memory_space<vmem>>
    %dma_start3A_968 = arith.constant 0 : i32
    %dma_start3A_969 = tpu.memref_slice %arg4[%multiple_of3A_959, %dma_start3A_968] : memref<1000000x32xf32, #tpu.memory_space<hbm>> -> memref<8x32xf32, #tpu.memory_space<hbm>>
    %dma_start3A_970 = arith.constant 104 : i32
    %dma_start3A_971 = arith.constant 0 : i32
    %dma_start3A_972 = tpu.memref_slice %arg9[%dma_start3A_963, %dma_start3A_970, %dma_start3A_971] : memref<2x128x32xf32, #tpu.memory_space<vmem>> -> memref<1x8x32xf32, #tpu.memory_space<vmem>>
    %dma_start3A_973 = tpu.memref_squeeze %dma_start3A_972 : memref<1x8x32xf32, #tpu.memory_space<vmem>> -> memref<8x32xf32, #tpu.memory_space<vmem>>
    %dma_start3A_974 = arith.constant 0 : i32
    %dma_start3A_975 = tpu.memref_slice %arg4[%multiple_of3A_959, %dma_start3A_974] : memref<1000000x32xf32, #tpu.memory_space<hbm>> -> memref<8x32xf32, #tpu.memory_space<hbm>>
    tpu.enqueue_dma source(%dma_start3A_975 : memref<8x32xf32, #tpu.memory_space<hbm>>) target(%dma_start3A_973 : memref<8x32xf32, #tpu.memory_space<vmem>>) target_semaphore(%arg12 : memref<!tpu.dma_semaphore, #tpu.memory_space<semaphore_mem>>)
    %dma_start3A_976 = arith.constant 1 : i32
    %dma_start3A_977 = arith.constant 104 : i32
    %dma_start3A_978 = arith.constant 0 : i32
    %dma_start3A_979 = tpu.memref_slice %arg10[%dma_start3A_976, %dma_start3A_977, %dma_start3A_978] : memref<2x128x32xf32, #tpu.memory_space<vmem>> -> memref<1x8x32xf32, #tpu.memory_space<vmem>>
    %dma_start3A_980 = tpu.memref_squeeze %dma_start3A_979 : memref<1x8x32xf32, #tpu.memory_space<vmem>> -> memref<8x32xf32, #tpu.memory_space<vmem>>
    %dma_start3A_981 = arith.constant 0 : i32
    %dma_start3A_982 = tpu.memref_slice %arg5[%multiple_of3A_962, %dma_start3A_981] : memref<1000000x32xf32, #tpu.memory_space<hbm>> -> memref<8x32xf32, #tpu.memory_space<hbm>>
    %dma_start3A_983 = arith.constant 104 : i32
    %dma_start3A_984 = arith.constant 0 : i32
    %dma_start3A_985 = tpu.memref_slice %arg10[%dma_start3A_976, %dma_start3A_983, %dma_start3A_984] : memref<2x128x32xf32, #tpu.memory_space<vmem>> -> memref<1x8x32xf32, #tpu.memory_space<vmem>>
    %dma_start3A_986 = tpu.memref_squeeze %dma_start3A_985 : memref<1x8x32xf32, #tpu.memory_space<vmem>> -> memref<8x32xf32, #tpu.memory_space<vmem>>
    %dma_start3A_987 = arith.constant 0 : i32
    %dma_start3A_988 = tpu.memref_slice %arg5[%multiple_of3A_962, %dma_start3A_987] : memref<1000000x32xf32, #tpu.memory_space<hbm>> -> memref<8x32xf32, #tpu.memory_space<hbm>>
    tpu.enqueue_dma source(%dma_start3A_988 : memref<8x32xf32, #tpu.memory_space<hbm>>) target(%dma_start3A_986 : memref<8x32xf32, #tpu.memory_space<vmem>>) target_semaphore(%arg12 : memref<!tpu.dma_semaphore, #tpu.memory_space<semaphore_mem>>)
    %slice3A_989 = vector.extract_strided_slice %and3A_537 {offsets = [14], sizes = [1], strides = [1]} : vector<16xi32> to vector<1xi32>
    %squeeze3A_990 = vector.extract %slice3A_989[0] : i32 from vector<1xi32>
    %multiple_of3A_991 = tpu.assume_multiple %squeeze3A_990, 8 : i32
    %slice3A_992 = vector.extract_strided_slice %and3A_540 {offsets = [14], sizes = [1], strides = [1]} : vector<16xi32> to vector<1xi32>
    %squeeze3A_993 = vector.extract %slice3A_992[0] : i32 from vector<1xi32>
    %multiple_of3A_994 = tpu.assume_multiple %squeeze3A_993, 8 : i32
    %dma_start3A_995 = arith.constant 1 : i32
    %dma_start3A_996 = arith.constant 112 : i32
    %dma_start3A_997 = arith.constant 0 : i32
    %dma_start3A_998 = tpu.memref_slice %arg9[%dma_start3A_995, %dma_start3A_996, %dma_start3A_997] : memref<2x128x32xf32, #tpu.memory_space<vmem>> -> memref<1x8x32xf32, #tpu.memory_space<vmem>>
    %dma_start3A_999 = tpu.memref_squeeze %dma_start3A_998 : memref<1x8x32xf32, #tpu.memory_space<vmem>> -> memref<8x32xf32, #tpu.memory_space<vmem>>
    %dma_start3A_1000 = arith.constant 0 : i32
    %dma_start3A_1001 = tpu.memref_slice %arg4[%multiple_of3A_991, %dma_start3A_1000] : memref<1000000x32xf32, #tpu.memory_space<hbm>> -> memref<8x32xf32, #tpu.memory_space<hbm>>
    %dma_start3A_1002 = arith.constant 112 : i32
    %dma_start3A_1003 = arith.constant 0 : i32
    %dma_start3A_1004 = tpu.memref_slice %arg9[%dma_start3A_995, %dma_start3A_1002, %dma_start3A_1003] : memref<2x128x32xf32, #tpu.memory_space<vmem>> -> memref<1x8x32xf32, #tpu.memory_space<vmem>>
    %dma_start3A_1005 = tpu.memref_squeeze %dma_start3A_1004 : memref<1x8x32xf32, #tpu.memory_space<vmem>> -> memref<8x32xf32, #tpu.memory_space<vmem>>
    %dma_start3A_1006 = arith.constant 0 : i32
    %dma_start3A_1007 = tpu.memref_slice %arg4[%multiple_of3A_991, %dma_start3A_1006] : memref<1000000x32xf32, #tpu.memory_space<hbm>> -> memref<8x32xf32, #tpu.memory_space<hbm>>
    tpu.enqueue_dma source(%dma_start3A_1007 : memref<8x32xf32, #tpu.memory_space<hbm>>) target(%dma_start3A_1005 : memref<8x32xf32, #tpu.memory_space<vmem>>) target_semaphore(%arg12 : memref<!tpu.dma_semaphore, #tpu.memory_space<semaphore_mem>>)
    %dma_start3A_1008 = arith.constant 1 : i32
    %dma_start3A_1009 = arith.constant 112 : i32
    %dma_start3A_1010 = arith.constant 0 : i32
    %dma_start3A_1011 = tpu.memref_slice %arg10[%dma_start3A_1008, %dma_start3A_1009, %dma_start3A_1010] : memref<2x128x32xf32, #tpu.memory_space<vmem>> -> memref<1x8x32xf32, #tpu.memory_space<vmem>>
    %dma_start3A_1012 = tpu.memref_squeeze %dma_start3A_1011 : memref<1x8x32xf32, #tpu.memory_space<vmem>> -> memref<8x32xf32, #tpu.memory_space<vmem>>
    %dma_start3A_1013 = arith.constant 0 : i32
    %dma_start3A_1014 = tpu.memref_slice %arg5[%multiple_of3A_994, %dma_start3A_1013] : memref<1000000x32xf32, #tpu.memory_space<hbm>> -> memref<8x32xf32, #tpu.memory_space<hbm>>
    %dma_start3A_1015 = arith.constant 112 : i32
    %dma_start3A_1016 = arith.constant 0 : i32
    %dma_start3A_1017 = tpu.memref_slice %arg10[%dma_start3A_1008, %dma_start3A_1015, %dma_start3A_1016] : memref<2x128x32xf32, #tpu.memory_space<vmem>> -> memref<1x8x32xf32, #tpu.memory_space<vmem>>
    %dma_start3A_1018 = tpu.memref_squeeze %dma_start3A_1017 : memref<1x8x32xf32, #tpu.memory_space<vmem>> -> memref<8x32xf32, #tpu.memory_space<vmem>>
    %dma_start3A_1019 = arith.constant 0 : i32
    %dma_start3A_1020 = tpu.memref_slice %arg5[%multiple_of3A_994, %dma_start3A_1019] : memref<1000000x32xf32, #tpu.memory_space<hbm>> -> memref<8x32xf32, #tpu.memory_space<hbm>>
    tpu.enqueue_dma source(%dma_start3A_1020 : memref<8x32xf32, #tpu.memory_space<hbm>>) target(%dma_start3A_1018 : memref<8x32xf32, #tpu.memory_space<vmem>>) target_semaphore(%arg12 : memref<!tpu.dma_semaphore, #tpu.memory_space<semaphore_mem>>)
    %slice3A_1021 = vector.extract_strided_slice %and3A_537 {offsets = [15], sizes = [1], strides = [1]} : vector<16xi32> to vector<1xi32>
    %squeeze3A_1022 = vector.extract %slice3A_1021[0] : i32 from vector<1xi32>
    %multiple_of3A_1023 = tpu.assume_multiple %squeeze3A_1022, 8 : i32
    %slice3A_1024 = vector.extract_strided_slice %and3A_540 {offsets = [15], sizes = [1], strides = [1]} : vector<16xi32> to vector<1xi32>
    %squeeze3A_1025 = vector.extract %slice3A_1024[0] : i32 from vector<1xi32>
    %multiple_of3A_1026 = tpu.assume_multiple %squeeze3A_1025, 8 : i32
    %dma_start3A_1027 = arith.constant 1 : i32
    %dma_start3A_1028 = arith.constant 120 : i32
    %dma_start3A_1029 = arith.constant 0 : i32
    %dma_start3A_1030 = tpu.memref_slice %arg9[%dma_start3A_1027, %dma_start3A_1028, %dma_start3A_1029] : memref<2x128x32xf32, #tpu.memory_space<vmem>> -> memref<1x8x32xf32, #tpu.memory_space<vmem>>
    %dma_start3A_1031 = tpu.memref_squeeze %dma_start3A_1030 : memref<1x8x32xf32, #tpu.memory_space<vmem>> -> memref<8x32xf32, #tpu.memory_space<vmem>>
    %dma_start3A_1032 = arith.constant 0 : i32
    %dma_start3A_1033 = tpu.memref_slice %arg4[%multiple_of3A_1023, %dma_start3A_1032] : memref<1000000x32xf32, #tpu.memory_space<hbm>> -> memref<8x32xf32, #tpu.memory_space<hbm>>
    %dma_start3A_1034 = arith.constant 120 : i32
    %dma_start3A_1035 = arith.constant 0 : i32
    %dma_start3A_1036 = tpu.memref_slice %arg9[%dma_start3A_1027, %dma_start3A_1034, %dma_start3A_1035] : memref<2x128x32xf32, #tpu.memory_space<vmem>> -> memref<1x8x32xf32, #tpu.memory_space<vmem>>
    %dma_start3A_1037 = tpu.memref_squeeze %dma_start3A_1036 : memref<1x8x32xf32, #tpu.memory_space<vmem>> -> memref<8x32xf32, #tpu.memory_space<vmem>>
    %dma_start3A_1038 = arith.constant 0 : i32
    %dma_start3A_1039 = tpu.memref_slice %arg4[%multiple_of3A_1023, %dma_start3A_1038] : memref<1000000x32xf32, #tpu.memory_space<hbm>> -> memref<8x32xf32, #tpu.memory_space<hbm>>
    tpu.enqueue_dma source(%dma_start3A_1039 : memref<8x32xf32, #tpu.memory_space<hbm>>) target(%dma_start3A_1037 : memref<8x32xf32, #tpu.memory_space<vmem>>) target_semaphore(%arg12 : memref<!tpu.dma_semaphore, #tpu.memory_space<semaphore_mem>>)
    %dma_start3A_1040 = arith.constant 1 : i32
    %dma_start3A_1041 = arith.constant 120 : i32
    %dma_start3A_1042 = arith.constant 0 : i32
    %dma_start3A_1043 = tpu.memref_slice %arg10[%dma_start3A_1040, %dma_start3A_1041, %dma_start3A_1042] : memref<2x128x32xf32, #tpu.memory_space<vmem>> -> memref<1x8x32xf32, #tpu.memory_space<vmem>>
    %dma_start3A_1044 = tpu.memref_squeeze %dma_start3A_1043 : memref<1x8x32xf32, #tpu.memory_space<vmem>> -> memref<8x32xf32, #tpu.memory_space<vmem>>
    %dma_start3A_1045 = arith.constant 0 : i32
    %dma_start3A_1046 = tpu.memref_slice %arg5[%multiple_of3A_1026, %dma_start3A_1045] : memref<1000000x32xf32, #tpu.memory_space<hbm>> -> memref<8x32xf32, #tpu.memory_space<hbm>>
    %dma_start3A_1047 = arith.constant 120 : i32
    %dma_start3A_1048 = arith.constant 0 : i32
    %dma_start3A_1049 = tpu.memref_slice %arg10[%dma_start3A_1040, %dma_start3A_1047, %dma_start3A_1048] : memref<2x128x32xf32, #tpu.memory_space<vmem>> -> memref<1x8x32xf32, #tpu.memory_space<vmem>>
    %dma_start3A_1050 = tpu.memref_squeeze %dma_start3A_1049 : memref<1x8x32xf32, #tpu.memory_space<vmem>> -> memref<8x32xf32, #tpu.memory_space<vmem>>
    %dma_start3A_1051 = arith.constant 0 : i32
    %dma_start3A_1052 = tpu.memref_slice %arg5[%multiple_of3A_1026, %dma_start3A_1051] : memref<1000000x32xf32, #tpu.memory_space<hbm>> -> memref<8x32xf32, #tpu.memory_space<hbm>>
    tpu.enqueue_dma source(%dma_start3A_1052 : memref<8x32xf32, #tpu.memory_space<hbm>>) target(%dma_start3A_1050 : memref<8x32xf32, #tpu.memory_space<vmem>>) target_semaphore(%arg12 : memref<!tpu.dma_semaphore, #tpu.memory_space<semaphore_mem>>)
    %scan3A = arith.constant 0 : i32
    %scan3A_1053 = arith.constant 0 : i32
    %scan3A_1054 = arith.constant 32 : i32
    %scan3A_1055 = arith.addi %scan3A_1053, %scan3A_1054 : i32
    %scan3A_1056 = arith.constant 1 : i32
    scf.for %scan3A_1058 = %scan3A_1053 to %scan3A_1055 step %scan3A_1056  : i32 {
      %rem3A = arith.constant 2 : i32
      %rem3A_1059 = arith.remsi %scan3A_1058, %rem3A : i32
      %dma_wait3A = arith.constant 0 : i32
      %dma_wait3A_1060 = arith.constant 0 : i32
      %dma_wait3A_1061 = tpu.memref_slice %arg9[%rem3A_1059, %dma_wait3A, %dma_wait3A_1060] : memref<2x128x32xf32, #tpu.memory_space<vmem>> -> memref<1x128x32xf32, #tpu.memory_space<vmem>>
      %dma_wait3A_1062 = tpu.memref_squeeze %dma_wait3A_1061 : memref<1x128x32xf32, #tpu.memory_space<vmem>> -> memref<128x32xf32, #tpu.memory_space<vmem>>
      %dma_wait3A_1063 = arith.constant 0 : i32
      %dma_wait3A_1064 = arith.constant 0 : i32
      %dma_wait3A_1065 = tpu.memref_slice %arg4[%dma_wait3A_1063, %dma_wait3A_1064] : memref<1000000x32xf32, #tpu.memory_space<hbm>> -> memref<128x32xf32, #tpu.memory_space<hbm>>
      %dma_wait3A_1066 = arith.constant 0 : i32
      %dma_wait3A_1067 = arith.constant 0 : i32
      %dma_wait3A_1068 = tpu.memref_slice %arg9[%rem3A_1059, %dma_wait3A_1066, %dma_wait3A_1067] : memref<2x128x32xf32, #tpu.memory_space<vmem>> -> memref<1x128x32xf32, #tpu.memory_space<vmem>>
      %dma_wait3A_1069 = tpu.memref_squeeze %dma_wait3A_1068 : memref<1x128x32xf32, #tpu.memory_space<vmem>> -> memref<128x32xf32, #tpu.memory_space<vmem>>
      %dma_wait3A_1070 = arith.constant 0 : i32
      %dma_wait3A_1071 = arith.constant 0 : i32
      %dma_wait3A_1072 = tpu.memref_slice %arg4[%dma_wait3A_1070, %dma_wait3A_1071] : memref<1000000x32xf32, #tpu.memory_space<hbm>> -> memref<128x32xf32, #tpu.memory_space<hbm>>
      tpu.wait_dma2 semaphore(%arg12 : memref<!tpu.dma_semaphore, #tpu.memory_space<semaphore_mem>>) src(%dma_wait3A_1072 : memref<128x32xf32, #tpu.memory_space<hbm>>) dst(%dma_wait3A_1069 : memref<128x32xf32, #tpu.memory_space<vmem>>)
      %dma_wait3A_1073 = arith.constant 0 : i32
      %dma_wait3A_1074 = arith.constant 0 : i32
      %dma_wait3A_1075 = tpu.memref_slice %arg10[%rem3A_1059, %dma_wait3A_1073, %dma_wait3A_1074] : memref<2x128x32xf32, #tpu.memory_space<vmem>> -> memref<1x128x32xf32, #tpu.memory_space<vmem>>
      %dma_wait3A_1076 = tpu.memref_squeeze %dma_wait3A_1075 : memref<1x128x32xf32, #tpu.memory_space<vmem>> -> memref<128x32xf32, #tpu.memory_space<vmem>>
      %dma_wait3A_1077 = arith.constant 0 : i32
      %dma_wait3A_1078 = arith.constant 0 : i32
      %dma_wait3A_1079 = tpu.memref_slice %arg5[%dma_wait3A_1077, %dma_wait3A_1078] : memref<1000000x32xf32, #tpu.memory_space<hbm>> -> memref<128x32xf32, #tpu.memory_space<hbm>>
      %dma_wait3A_1080 = arith.constant 0 : i32
      %dma_wait3A_1081 = arith.constant 0 : i32
      %dma_wait3A_1082 = tpu.memref_slice %arg10[%rem3A_1059, %dma_wait3A_1080, %dma_wait3A_1081] : memref<2x128x32xf32, #tpu.memory_space<vmem>> -> memref<1x128x32xf32, #tpu.memory_space<vmem>>
      %dma_wait3A_1083 = tpu.memref_squeeze %dma_wait3A_1082 : memref<1x128x32xf32, #tpu.memory_space<vmem>> -> memref<128x32xf32, #tpu.memory_space<vmem>>
      %dma_wait3A_1084 = arith.constant 0 : i32
      %dma_wait3A_1085 = arith.constant 0 : i32
      %dma_wait3A_1086 = tpu.memref_slice %arg5[%dma_wait3A_1084, %dma_wait3A_1085] : memref<1000000x32xf32, #tpu.memory_space<hbm>> -> memref<128x32xf32, #tpu.memory_space<hbm>>
      tpu.wait_dma2 semaphore(%arg12 : memref<!tpu.dma_semaphore, #tpu.memory_space<semaphore_mem>>) src(%dma_wait3A_1086 : memref<128x32xf32, #tpu.memory_space<hbm>>) dst(%dma_wait3A_1083 : memref<128x32xf32, #tpu.memory_space<vmem>>)
      %mul3A_1087 = arith.constant 16 : i32
      %mul3A_1088 = arith.muli %scan3A_1058, %mul3A_1087 : i32
      %get3A_1089 = arith.index_cast %mul3A_1088 : i32 to index
      %get3A_1090 = tpu.vector_load %arg7[%get3A_1089] {strides = array<i32>} : memref<512xi32, #tpu.memory_space<vmem>>, vector<16xi32>,
      %and3A_1091 = arith.constant 7 : i32
      %and3A_1092 = vector.broadcast %and3A_1091 : i32 to vector<16xi32>
      %and3A_1093 = arith.andi %get3A_1090, %and3A_1092 : vector<16xi32>
      %mul3A_1094 = arith.constant 16 : i32
      %mul3A_1095 = arith.muli %scan3A_1058, %mul3A_1094 : i32
      %get3A_1096 = arith.index_cast %mul3A_1095 : i32 to index
      %get3A_1097 = tpu.vector_load %arg8[%get3A_1096] {strides = array<i32>} : memref<512xi32, #tpu.memory_space<vmem>>, vector<16xi32>,
      %and3A_1098 = arith.constant 7 : i32
      %and3A_1099 = vector.broadcast %and3A_1098 : i32 to vector<16xi32>
      %and3A_1100 = arith.andi %get3A_1097, %and3A_1099 : vector<16xi32>
      %broadcast_in_dim3A = arith.constant 0.000000e+00 : f32
      %broadcast_in_dim3A_1101 = vector.broadcast %broadcast_in_dim3A : f32 to vector<16xf32>
      %slice3A_1102 = vector.extract_strided_slice %and3A_1093 {offsets = [0], sizes = [1], strides = [1]} : vector<16xi32> to vector<1xi32>
      %squeeze3A_1103 = vector.extract %slice3A_1102[0] : i32 from vector<1xi32>
      %add3A_1104 = arith.constant 0 : i32
      %add3A_1105 = arith.addi %add3A_1104, %squeeze3A_1103 : i32
      %slice3A_1106 = vector.extract_strided_slice %and3A_1100 {offsets = [0], sizes = [1], strides = [1]} : vector<16xi32> to vector<1xi32>
      %squeeze3A_1107 = vector.extract %slice3A_1106[0] : i32 from vector<1xi32>
      %add3A_1108 = arith.constant 0 : i32
      %add3A_1109 = arith.addi %add3A_1108, %squeeze3A_1107 : i32
      %get3A_1110 = arith.index_cast %rem3A_1059 : i32 to index
      %get3A_1111 = arith.index_cast %add3A_1105 : i32 to index
      %get3A_1112 = arith.constant 0 : index
      %get3A_1113 = tpu.vector_load %arg9[%get3A_1110, %get3A_1111, %get3A_1112] {strides = array<i32>} : memref<2x128x32xf32, #tpu.memory_space<vmem>>, vector<16xf32>,
      %get3A_1114 = arith.index_cast %rem3A_1059 : i32 to index
      %get3A_1115 = arith.index_cast %add3A_1105 : i32 to index
      %get3A_1116 = arith.constant 16 : index
      %get3A_1117 = tpu.vector_load %arg9[%get3A_1114, %get3A_1115, %get3A_1116] {strides = array<i32>} : memref<2x128x32xf32, #tpu.memory_space<vmem>>, vector<16xf32>,
      %get3A_1118 = arith.index_cast %rem3A_1059 : i32 to index
      %get3A_1119 = arith.index_cast %add3A_1109 : i32 to index
      %get3A_1120 = arith.constant 0 : index
      %get3A_1121 = tpu.vector_load %arg10[%get3A_1118, %get3A_1119, %get3A_1120] {strides = array<i32>} : memref<2x128x32xf32, #tpu.memory_space<vmem>>, vector<16xf32>,
      %get3A_1122 = arith.index_cast %rem3A_1059 : i32 to index
      %get3A_1123 = arith.index_cast %add3A_1109 : i32 to index
      %get3A_1124 = arith.constant 16 : index
      %get3A_1125 = tpu.vector_load %arg10[%get3A_1122, %get3A_1123, %get3A_1124] {strides = array<i32>} : memref<2x128x32xf32, #tpu.memory_space<vmem>>, vector<16xf32>,
      %mul3A_1126 = arith.mulf %get3A_1113, %get3A_1121 : vector<16xf32>
      %mul3A_1127 = arith.mulf %get3A_1117, %get3A_1125 : vector<16xf32>
      %add3A_1128 = arith.addf %mul3A_1126, %mul3A_1127 : vector<16xf32>
      %reduce_sum3A = arith.constant true
      %reduce_sum3A_1129 = vector.broadcast %reduce_sum3A : i1 to vector<16xi1>
      %reduce_sum3A_1130 = tpu.scan <sum>, %add3A_1128 masked %reduce_sum3A_1129 : vector<16xf32>, vector<16xi1> -> vector<16xf32>
      %reduce_sum3A_1131 = vector.extract %reduce_sum3A_1130[15] : f32 from vector<16xf32>
      %eq3A = arith.constant 0 : i32
      %eq3A_1132 = vector.broadcast %eq3A : i32 to vector<16xi32>
      %eq3A_1133 = arith.cmpi eq, %iota3A, %eq3A_1132 : vector<16xi32>
      %broadcast_in_dim3A_1134 = vector.broadcast %reduce_sum3A_1131 : f32 to vector<16xf32>
      %select_n3A = arith.select %eq3A_1133, %broadcast_in_dim3A_1134, %broadcast_in_dim3A_1101 : vector<16xi1>, vector<16xf32>
      %slice3A_1135 = vector.extract_strided_slice %and3A_1093 {offsets = [1], sizes = [1], strides = [1]} : vector<16xi32> to vector<1xi32>
      %squeeze3A_1136 = vector.extract %slice3A_1135[0] : i32 from vector<1xi32>
      %add3A_1137 = arith.constant 8 : i32
      %add3A_1138 = arith.addi %add3A_1137, %squeeze3A_1136 : i32
      %slice3A_1139 = vector.extract_strided_slice %and3A_1100 {offsets = [1], sizes = [1], strides = [1]} : vector<16xi32> to vector<1xi32>
      %squeeze3A_1140 = vector.extract %slice3A_1139[0] : i32 from vector<1xi32>
      %add3A_1141 = arith.constant 8 : i32
      %add3A_1142 = arith.addi %add3A_1141, %squeeze3A_1140 : i32
      %get3A_1143 = arith.index_cast %rem3A_1059 : i32 to index
      %get3A_1144 = arith.index_cast %add3A_1138 : i32 to index
      %get3A_1145 = arith.constant 0 : index
      %get3A_1146 = tpu.vector_load %arg9[%get3A_1143, %get3A_1144, %get3A_1145] {strides = array<i32>} : memref<2x128x32xf32, #tpu.memory_space<vmem>>, vector<16xf32>,
      %get3A_1147 = arith.index_cast %rem3A_1059 : i32 to index
      %get3A_1148 = arith.index_cast %add3A_1138 : i32 to index
      %get3A_1149 = arith.constant 16 : index
      %get3A_1150 = tpu.vector_load %arg9[%get3A_1147, %get3A_1148, %get3A_1149] {strides = array<i32>} : memref<2x128x32xf32, #tpu.memory_space<vmem>>, vector<16xf32>,
      %get3A_1151 = arith.index_cast %rem3A_1059 : i32 to index
      %get3A_1152 = arith.index_cast %add3A_1142 : i32 to index
      %get3A_1153 = arith.constant 0 : index
      %get3A_1154 = tpu.vector_load %arg10[%get3A_1151, %get3A_1152, %get3A_1153] {strides = array<i32>} : memref<2x128x32xf32, #tpu.memory_space<vmem>>, vector<16xf32>,
      %get3A_1155 = arith.index_cast %rem3A_1059 : i32 to index
      %get3A_1156 = arith.index_cast %add3A_1142 : i32 to index
      %get3A_1157 = arith.constant 16 : index
      %get3A_1158 = tpu.vector_load %arg10[%get3A_1155, %get3A_1156, %get3A_1157] {strides = array<i32>} : memref<2x128x32xf32, #tpu.memory_space<vmem>>, vector<16xf32>,
      %mul3A_1159 = arith.mulf %get3A_1146, %get3A_1154 : vector<16xf32>
      %mul3A_1160 = arith.mulf %get3A_1150, %get3A_1158 : vector<16xf32>
      %add3A_1161 = arith.addf %mul3A_1159, %mul3A_1160 : vector<16xf32>
      %reduce_sum3A_1162 = arith.constant true
      %reduce_sum3A_1163 = vector.broadcast %reduce_sum3A_1162 : i1 to vector<16xi1>
      %reduce_sum3A_1164 = tpu.scan <sum>, %add3A_1161 masked %reduce_sum3A_1163 : vector<16xf32>, vector<16xi1> -> vector<16xf32>
      %reduce_sum3A_1165 = vector.extract %reduce_sum3A_1164[15] : f32 from vector<16xf32>
      %eq3A_1166 = arith.constant 1 : i32
      %eq3A_1167 = vector.broadcast %eq3A_1166 : i32 to vector<16xi32>
      %eq3A_1168 = arith.cmpi eq, %iota3A, %eq3A_1167 : vector<16xi32>
      %broadcast_in_dim3A_1169 = vector.broadcast %reduce_sum3A_1165 : f32 to vector<16xf32>
      %select_n3A_1170 = arith.select %eq3A_1168, %broadcast_in_dim3A_1169, %select_n3A : vector<16xi1>, vector<16xf32>
      %slice3A_1171 = vector.extract_strided_slice %and3A_1093 {offsets = [2], sizes = [1], strides = [1]} : vector<16xi32> to vector<1xi32>
      %squeeze3A_1172 = vector.extract %slice3A_1171[0] : i32 from vector<1xi32>
      %add3A_1173 = arith.constant 16 : i32
      %add3A_1174 = arith.addi %add3A_1173, %squeeze3A_1172 : i32
      %slice3A_1175 = vector.extract_strided_slice %and3A_1100 {offsets = [2], sizes = [1], strides = [1]} : vector<16xi32> to vector<1xi32>
      %squeeze3A_1176 = vector.extract %slice3A_1175[0] : i32 from vector<1xi32>
      %add3A_1177 = arith.constant 16 : i32
      %add3A_1178 = arith.addi %add3A_1177, %squeeze3A_1176 : i32
      %get3A_1179 = arith.index_cast %rem3A_1059 : i32 to index
      %get3A_1180 = arith.index_cast %add3A_1174 : i32 to index
      %get3A_1181 = arith.constant 0 : index
      %get3A_1182 = tpu.vector_load %arg9[%get3A_1179, %get3A_1180, %get3A_1181] {strides = array<i32>} : memref<2x128x32xf32, #tpu.memory_space<vmem>>, vector<16xf32>,
      %get3A_1183 = arith.index_cast %rem3A_1059 : i32 to index
      %get3A_1184 = arith.index_cast %add3A_1174 : i32 to index
      %get3A_1185 = arith.constant 16 : index
      %get3A_1186 = tpu.vector_load %arg9[%get3A_1183, %get3A_1184, %get3A_1185] {strides = array<i32>} : memref<2x128x32xf32, #tpu.memory_space<vmem>>, vector<16xf32>,
      %get3A_1187 = arith.index_cast %rem3A_1059 : i32 to index
      %get3A_1188 = arith.index_cast %add3A_1178 : i32 to index
      %get3A_1189 = arith.constant 0 : index
      %get3A_1190 = tpu.vector_load %arg10[%get3A_1187, %get3A_1188, %get3A_1189] {strides = array<i32>} : memref<2x128x32xf32, #tpu.memory_space<vmem>>, vector<16xf32>,
      %get3A_1191 = arith.index_cast %rem3A_1059 : i32 to index
      %get3A_1192 = arith.index_cast %add3A_1178 : i32 to index
      %get3A_1193 = arith.constant 16 : index
      %get3A_1194 = tpu.vector_load %arg10[%get3A_1191, %get3A_1192, %get3A_1193] {strides = array<i32>} : memref<2x128x32xf32, #tpu.memory_space<vmem>>, vector<16xf32>,
      %mul3A_1195 = arith.mulf %get3A_1182, %get3A_1190 : vector<16xf32>
      %mul3A_1196 = arith.mulf %get3A_1186, %get3A_1194 : vector<16xf32>
      %add3A_1197 = arith.addf %mul3A_1195, %mul3A_1196 : vector<16xf32>
      %reduce_sum3A_1198 = arith.constant true
      %reduce_sum3A_1199 = vector.broadcast %reduce_sum3A_1198 : i1 to vector<16xi1>
      %reduce_sum3A_1200 = tpu.scan <sum>, %add3A_1197 masked %reduce_sum3A_1199 : vector<16xf32>, vector<16xi1> -> vector<16xf32>
      %reduce_sum3A_1201 = vector.extract %reduce_sum3A_1200[15] : f32 from vector<16xf32>
      %eq3A_1202 = arith.constant 2 : i32
      %eq3A_1203 = vector.broadcast %eq3A_1202 : i32 to vector<16xi32>
      %eq3A_1204 = arith.cmpi eq, %iota3A, %eq3A_1203 : vector<16xi32>
      %broadcast_in_dim3A_1205 = vector.broadcast %reduce_sum3A_1201 : f32 to vector<16xf32>
      %select_n3A_1206 = arith.select %eq3A_1204, %broadcast_in_dim3A_1205, %select_n3A_1170 : vector<16xi1>, vector<16xf32>
      %slice3A_1207 = vector.extract_strided_slice %and3A_1093 {offsets = [3], sizes = [1], strides = [1]} : vector<16xi32> to vector<1xi32>
      %squeeze3A_1208 = vector.extract %slice3A_1207[0] : i32 from vector<1xi32>
      %add3A_1209 = arith.constant 24 : i32
      %add3A_1210 = arith.addi %add3A_1209, %squeeze3A_1208 : i32
      %slice3A_1211 = vector.extract_strided_slice %and3A_1100 {offsets = [3], sizes = [1], strides = [1]} : vector<16xi32> to vector<1xi32>
      %squeeze3A_1212 = vector.extract %slice3A_1211[0] : i32 from vector<1xi32>
      %add3A_1213 = arith.constant 24 : i32
      %add3A_1214 = arith.addi %add3A_1213, %squeeze3A_1212 : i32
      %get3A_1215 = arith.index_cast %rem3A_1059 : i32 to index
      %get3A_1216 = arith.index_cast %add3A_1210 : i32 to index
      %get3A_1217 = arith.constant 0 : index
      %get3A_1218 = tpu.vector_load %arg9[%get3A_1215, %get3A_1216, %get3A_1217] {strides = array<i32>} : memref<2x128x32xf32, #tpu.memory_space<vmem>>, vector<16xf32>,
      %get3A_1219 = arith.index_cast %rem3A_1059 : i32 to index
      %get3A_1220 = arith.index_cast %add3A_1210 : i32 to index
      %get3A_1221 = arith.constant 16 : index
      %get3A_1222 = tpu.vector_load %arg9[%get3A_1219, %get3A_1220, %get3A_1221] {strides = array<i32>} : memref<2x128x32xf32, #tpu.memory_space<vmem>>, vector<16xf32>,
      %get3A_1223 = arith.index_cast %rem3A_1059 : i32 to index
      %get3A_1224 = arith.index_cast %add3A_1214 : i32 to index
      %get3A_1225 = arith.constant 0 : index
      %get3A_1226 = tpu.vector_load %arg10[%get3A_1223, %get3A_1224, %get3A_1225] {strides = array<i32>} : memref<2x128x32xf32, #tpu.memory_space<vmem>>, vector<16xf32>,
      %get3A_1227 = arith.index_cast %rem3A_1059 : i32 to index
      %get3A_1228 = arith.index_cast %add3A_1214 : i32 to index
      %get3A_1229 = arith.constant 16 : index
      %get3A_1230 = tpu.vector_load %arg10[%get3A_1227, %get3A_1228, %get3A_1229] {strides = array<i32>} : memref<2x128x32xf32, #tpu.memory_space<vmem>>, vector<16xf32>,
      %mul3A_1231 = arith.mulf %get3A_1218, %get3A_1226 : vector<16xf32>
      %mul3A_1232 = arith.mulf %get3A_1222, %get3A_1230 : vector<16xf32>
      %add3A_1233 = arith.addf %mul3A_1231, %mul3A_1232 : vector<16xf32>
      %reduce_sum3A_1234 = arith.constant true
      %reduce_sum3A_1235 = vector.broadcast %reduce_sum3A_1234 : i1 to vector<16xi1>
      %reduce_sum3A_1236 = tpu.scan <sum>, %add3A_1233 masked %reduce_sum3A_1235 : vector<16xf32>, vector<16xi1> -> vector<16xf32>
      %reduce_sum3A_1237 = vector.extract %reduce_sum3A_1236[15] : f32 from vector<16xf32>
      %eq3A_1238 = arith.constant 3 : i32
      %eq3A_1239 = vector.broadcast %eq3A_1238 : i32 to vector<16xi32>
      %eq3A_1240 = arith.cmpi eq, %iota3A, %eq3A_1239 : vector<16xi32>
      %broadcast_in_dim3A_1241 = vector.broadcast %reduce_sum3A_1237 : f32 to vector<16xf32>
      %select_n3A_1242 = arith.select %eq3A_1240, %broadcast_in_dim3A_1241, %select_n3A_1206 : vector<16xi1>, vector<16xf32>
      %slice3A_1243 = vector.extract_strided_slice %and3A_1093 {offsets = [4], sizes = [1], strides = [1]} : vector<16xi32> to vector<1xi32>
      %squeeze3A_1244 = vector.extract %slice3A_1243[0] : i32 from vector<1xi32>
      %add3A_1245 = arith.constant 32 : i32
      %add3A_1246 = arith.addi %add3A_1245, %squeeze3A_1244 : i32
      %slice3A_1247 = vector.extract_strided_slice %and3A_1100 {offsets = [4], sizes = [1], strides = [1]} : vector<16xi32> to vector<1xi32>
      %squeeze3A_1248 = vector.extract %slice3A_1247[0] : i32 from vector<1xi32>
      %add3A_1249 = arith.constant 32 : i32
      %add3A_1250 = arith.addi %add3A_1249, %squeeze3A_1248 : i32
      %get3A_1251 = arith.index_cast %rem3A_1059 : i32 to index
      %get3A_1252 = arith.index_cast %add3A_1246 : i32 to index
      %get3A_1253 = arith.constant 0 : index
      %get3A_1254 = tpu.vector_load %arg9[%get3A_1251, %get3A_1252, %get3A_1253] {strides = array<i32>} : memref<2x128x32xf32, #tpu.memory_space<vmem>>, vector<16xf32>,
      %get3A_1255 = arith.index_cast %rem3A_1059 : i32 to index
      %get3A_1256 = arith.index_cast %add3A_1246 : i32 to index
      %get3A_1257 = arith.constant 16 : index
      %get3A_1258 = tpu.vector_load %arg9[%get3A_1255, %get3A_1256, %get3A_1257] {strides = array<i32>} : memref<2x128x32xf32, #tpu.memory_space<vmem>>, vector<16xf32>,
      %get3A_1259 = arith.index_cast %rem3A_1059 : i32 to index
      %get3A_1260 = arith.index_cast %add3A_1250 : i32 to index
      %get3A_1261 = arith.constant 0 : index
      %get3A_1262 = tpu.vector_load %arg10[%get3A_1259, %get3A_1260, %get3A_1261] {strides = array<i32>} : memref<2x128x32xf32, #tpu.memory_space<vmem>>, vector<16xf32>,
      %get3A_1263 = arith.index_cast %rem3A_1059 : i32 to index
      %get3A_1264 = arith.index_cast %add3A_1250 : i32 to index
      %get3A_1265 = arith.constant 16 : index
      %get3A_1266 = tpu.vector_load %arg10[%get3A_1263, %get3A_1264, %get3A_1265] {strides = array<i32>} : memref<2x128x32xf32, #tpu.memory_space<vmem>>, vector<16xf32>,
      %mul3A_1267 = arith.mulf %get3A_1254, %get3A_1262 : vector<16xf32>
      %mul3A_1268 = arith.mulf %get3A_1258, %get3A_1266 : vector<16xf32>
      %add3A_1269 = arith.addf %mul3A_1267, %mul3A_1268 : vector<16xf32>
      %reduce_sum3A_1270 = arith.constant true
      %reduce_sum3A_1271 = vector.broadcast %reduce_sum3A_1270 : i1 to vector<16xi1>
      %reduce_sum3A_1272 = tpu.scan <sum>, %add3A_1269 masked %reduce_sum3A_1271 : vector<16xf32>, vector<16xi1> -> vector<16xf32>
      %reduce_sum3A_1273 = vector.extract %reduce_sum3A_1272[15] : f32 from vector<16xf32>
      %eq3A_1274 = arith.constant 4 : i32
      %eq3A_1275 = vector.broadcast %eq3A_1274 : i32 to vector<16xi32>
      %eq3A_1276 = arith.cmpi eq, %iota3A, %eq3A_1275 : vector<16xi32>
      %broadcast_in_dim3A_1277 = vector.broadcast %reduce_sum3A_1273 : f32 to vector<16xf32>
      %select_n3A_1278 = arith.select %eq3A_1276, %broadcast_in_dim3A_1277, %select_n3A_1242 : vector<16xi1>, vector<16xf32>
      %slice3A_1279 = vector.extract_strided_slice %and3A_1093 {offsets = [5], sizes = [1], strides = [1]} : vector<16xi32> to vector<1xi32>
      %squeeze3A_1280 = vector.extract %slice3A_1279[0] : i32 from vector<1xi32>
      %add3A_1281 = arith.constant 40 : i32
      %add3A_1282 = arith.addi %add3A_1281, %squeeze3A_1280 : i32
      %slice3A_1283 = vector.extract_strided_slice %and3A_1100 {offsets = [5], sizes = [1], strides = [1]} : vector<16xi32> to vector<1xi32>
      %squeeze3A_1284 = vector.extract %slice3A_1283[0] : i32 from vector<1xi32>
      %add3A_1285 = arith.constant 40 : i32
      %add3A_1286 = arith.addi %add3A_1285, %squeeze3A_1284 : i32
      %get3A_1287 = arith.index_cast %rem3A_1059 : i32 to index
      %get3A_1288 = arith.index_cast %add3A_1282 : i32 to index
      %get3A_1289 = arith.constant 0 : index
      %get3A_1290 = tpu.vector_load %arg9[%get3A_1287, %get3A_1288, %get3A_1289] {strides = array<i32>} : memref<2x128x32xf32, #tpu.memory_space<vmem>>, vector<16xf32>,
      %get3A_1291 = arith.index_cast %rem3A_1059 : i32 to index
      %get3A_1292 = arith.index_cast %add3A_1282 : i32 to index
      %get3A_1293 = arith.constant 16 : index
      %get3A_1294 = tpu.vector_load %arg9[%get3A_1291, %get3A_1292, %get3A_1293] {strides = array<i32>} : memref<2x128x32xf32, #tpu.memory_space<vmem>>, vector<16xf32>,
      %get3A_1295 = arith.index_cast %rem3A_1059 : i32 to index
      %get3A_1296 = arith.index_cast %add3A_1286 : i32 to index
      %get3A_1297 = arith.constant 0 : index
      %get3A_1298 = tpu.vector_load %arg10[%get3A_1295, %get3A_1296, %get3A_1297] {strides = array<i32>} : memref<2x128x32xf32, #tpu.memory_space<vmem>>, vector<16xf32>,
      %get3A_1299 = arith.index_cast %rem3A_1059 : i32 to index
      %get3A_1300 = arith.index_cast %add3A_1286 : i32 to index
      %get3A_1301 = arith.constant 16 : index
      %get3A_1302 = tpu.vector_load %arg10[%get3A_1299, %get3A_1300, %get3A_1301] {strides = array<i32>} : memref<2x128x32xf32, #tpu.memory_space<vmem>>, vector<16xf32>,
      %mul3A_1303 = arith.mulf %get3A_1290, %get3A_1298 : vector<16xf32>
      %mul3A_1304 = arith.mulf %get3A_1294, %get3A_1302 : vector<16xf32>
      %add3A_1305 = arith.addf %mul3A_1303, %mul3A_1304 : vector<16xf32>
      %reduce_sum3A_1306 = arith.constant true
      %reduce_sum3A_1307 = vector.broadcast %reduce_sum3A_1306 : i1 to vector<16xi1>
      %reduce_sum3A_1308 = tpu.scan <sum>, %add3A_1305 masked %reduce_sum3A_1307 : vector<16xf32>, vector<16xi1> -> vector<16xf32>
      %reduce_sum3A_1309 = vector.extract %reduce_sum3A_1308[15] : f32 from vector<16xf32>
      %eq3A_1310 = arith.constant 5 : i32
      %eq3A_1311 = vector.broadcast %eq3A_1310 : i32 to vector<16xi32>
      %eq3A_1312 = arith.cmpi eq, %iota3A, %eq3A_1311 : vector<16xi32>
      %broadcast_in_dim3A_1313 = vector.broadcast %reduce_sum3A_1309 : f32 to vector<16xf32>
      %select_n3A_1314 = arith.select %eq3A_1312, %broadcast_in_dim3A_1313, %select_n3A_1278 : vector<16xi1>, vector<16xf32>
      %slice3A_1315 = vector.extract_strided_slice %and3A_1093 {offsets = [6], sizes = [1], strides = [1]} : vector<16xi32> to vector<1xi32>
      %squeeze3A_1316 = vector.extract %slice3A_1315[0] : i32 from vector<1xi32>
      %add3A_1317 = arith.constant 48 : i32
      %add3A_1318 = arith.addi %add3A_1317, %squeeze3A_1316 : i32
      %slice3A_1319 = vector.extract_strided_slice %and3A_1100 {offsets = [6], sizes = [1], strides = [1]} : vector<16xi32> to vector<1xi32>
      %squeeze3A_1320 = vector.extract %slice3A_1319[0] : i32 from vector<1xi32>
      %add3A_1321 = arith.constant 48 : i32
      %add3A_1322 = arith.addi %add3A_1321, %squeeze3A_1320 : i32
      %get3A_1323 = arith.index_cast %rem3A_1059 : i32 to index
      %get3A_1324 = arith.index_cast %add3A_1318 : i32 to index
      %get3A_1325 = arith.constant 0 : index
      %get3A_1326 = tpu.vector_load %arg9[%get3A_1323, %get3A_1324, %get3A_1325] {strides = array<i32>} : memref<2x128x32xf32, #tpu.memory_space<vmem>>, vector<16xf32>,
      %get3A_1327 = arith.index_cast %rem3A_1059 : i32 to index
      %get3A_1328 = arith.index_cast %add3A_1318 : i32 to index
      %get3A_1329 = arith.constant 16 : index
      %get3A_1330 = tpu.vector_load %arg9[%get3A_1327, %get3A_1328, %get3A_1329] {strides = array<i32>} : memref<2x128x32xf32, #tpu.memory_space<vmem>>, vector<16xf32>,
      %get3A_1331 = arith.index_cast %rem3A_1059 : i32 to index
      %get3A_1332 = arith.index_cast %add3A_1322 : i32 to index
      %get3A_1333 = arith.constant 0 : index
      %get3A_1334 = tpu.vector_load %arg10[%get3A_1331, %get3A_1332, %get3A_1333] {strides = array<i32>} : memref<2x128x32xf32, #tpu.memory_space<vmem>>, vector<16xf32>,
      %get3A_1335 = arith.index_cast %rem3A_1059 : i32 to index
      %get3A_1336 = arith.index_cast %add3A_1322 : i32 to index
      %get3A_1337 = arith.constant 16 : index
      %get3A_1338 = tpu.vector_load %arg10[%get3A_1335, %get3A_1336, %get3A_1337] {strides = array<i32>} : memref<2x128x32xf32, #tpu.memory_space<vmem>>, vector<16xf32>,
      %mul3A_1339 = arith.mulf %get3A_1326, %get3A_1334 : vector<16xf32>
      %mul3A_1340 = arith.mulf %get3A_1330, %get3A_1338 : vector<16xf32>
      %add3A_1341 = arith.addf %mul3A_1339, %mul3A_1340 : vector<16xf32>
      %reduce_sum3A_1342 = arith.constant true
      %reduce_sum3A_1343 = vector.broadcast %reduce_sum3A_1342 : i1 to vector<16xi1>
      %reduce_sum3A_1344 = tpu.scan <sum>, %add3A_1341 masked %reduce_sum3A_1343 : vector<16xf32>, vector<16xi1> -> vector<16xf32>
      %reduce_sum3A_1345 = vector.extract %reduce_sum3A_1344[15] : f32 from vector<16xf32>
      %eq3A_1346 = arith.constant 6 : i32
      %eq3A_1347 = vector.broadcast %eq3A_1346 : i32 to vector<16xi32>
      %eq3A_1348 = arith.cmpi eq, %iota3A, %eq3A_1347 : vector<16xi32>
      %broadcast_in_dim3A_1349 = vector.broadcast %reduce_sum3A_1345 : f32 to vector<16xf32>
      %select_n3A_1350 = arith.select %eq3A_1348, %broadcast_in_dim3A_1349, %select_n3A_1314 : vector<16xi1>, vector<16xf32>
      %slice3A_1351 = vector.extract_strided_slice %and3A_1093 {offsets = [7], sizes = [1], strides = [1]} : vector<16xi32> to vector<1xi32>
      %squeeze3A_1352 = vector.extract %slice3A_1351[0] : i32 from vector<1xi32>
      %add3A_1353 = arith.constant 56 : i32
      %add3A_1354 = arith.addi %add3A_1353, %squeeze3A_1352 : i32
      %slice3A_1355 = vector.extract_strided_slice %and3A_1100 {offsets = [7], sizes = [1], strides = [1]} : vector<16xi32> to vector<1xi32>
      %squeeze3A_1356 = vector.extract %slice3A_1355[0] : i32 from vector<1xi32>
      %add3A_1357 = arith.constant 56 : i32
      %add3A_1358 = arith.addi %add3A_1357, %squeeze3A_1356 : i32
      %get3A_1359 = arith.index_cast %rem3A_1059 : i32 to index
      %get3A_1360 = arith.index_cast %add3A_1354 : i32 to index
      %get3A_1361 = arith.constant 0 : index
      %get3A_1362 = tpu.vector_load %arg9[%get3A_1359, %get3A_1360, %get3A_1361] {strides = array<i32>} : memref<2x128x32xf32, #tpu.memory_space<vmem>>, vector<16xf32>,
      %get3A_1363 = arith.index_cast %rem3A_1059 : i32 to index
      %get3A_1364 = arith.index_cast %add3A_1354 : i32 to index
      %get3A_1365 = arith.constant 16 : index
      %get3A_1366 = tpu.vector_load %arg9[%get3A_1363, %get3A_1364, %get3A_1365] {strides = array<i32>} : memref<2x128x32xf32, #tpu.memory_space<vmem>>, vector<16xf32>,
      %get3A_1367 = arith.index_cast %rem3A_1059 : i32 to index
      %get3A_1368 = arith.index_cast %add3A_1358 : i32 to index
      %get3A_1369 = arith.constant 0 : index
      %get3A_1370 = tpu.vector_load %arg10[%get3A_1367, %get3A_1368, %get3A_1369] {strides = array<i32>} : memref<2x128x32xf32, #tpu.memory_space<vmem>>, vector<16xf32>,
      %get3A_1371 = arith.index_cast %rem3A_1059 : i32 to index
      %get3A_1372 = arith.index_cast %add3A_1358 : i32 to index
      %get3A_1373 = arith.constant 16 : index
      %get3A_1374 = tpu.vector_load %arg10[%get3A_1371, %get3A_1372, %get3A_1373] {strides = array<i32>} : memref<2x128x32xf32, #tpu.memory_space<vmem>>, vector<16xf32>,
      %mul3A_1375 = arith.mulf %get3A_1362, %get3A_1370 : vector<16xf32>
      %mul3A_1376 = arith.mulf %get3A_1366, %get3A_1374 : vector<16xf32>
      %add3A_1377 = arith.addf %mul3A_1375, %mul3A_1376 : vector<16xf32>
      %reduce_sum3A_1378 = arith.constant true
      %reduce_sum3A_1379 = vector.broadcast %reduce_sum3A_1378 : i1 to vector<16xi1>
      %reduce_sum3A_1380 = tpu.scan <sum>, %add3A_1377 masked %reduce_sum3A_1379 : vector<16xf32>, vector<16xi1> -> vector<16xf32>
      %reduce_sum3A_1381 = vector.extract %reduce_sum3A_1380[15] : f32 from vector<16xf32>
      %eq3A_1382 = arith.constant 7 : i32
      %eq3A_1383 = vector.broadcast %eq3A_1382 : i32 to vector<16xi32>
      %eq3A_1384 = arith.cmpi eq, %iota3A, %eq3A_1383 : vector<16xi32>
      %broadcast_in_dim3A_1385 = vector.broadcast %reduce_sum3A_1381 : f32 to vector<16xf32>
      %select_n3A_1386 = arith.select %eq3A_1384, %broadcast_in_dim3A_1385, %select_n3A_1350 : vector<16xi1>, vector<16xf32>
      %slice3A_1387 = vector.extract_strided_slice %and3A_1093 {offsets = [8], sizes = [1], strides = [1]} : vector<16xi32> to vector<1xi32>
      %squeeze3A_1388 = vector.extract %slice3A_1387[0] : i32 from vector<1xi32>
      %add3A_1389 = arith.constant 64 : i32
      %add3A_1390 = arith.addi %add3A_1389, %squeeze3A_1388 : i32
      %slice3A_1391 = vector.extract_strided_slice %and3A_1100 {offsets = [8], sizes = [1], strides = [1]} : vector<16xi32> to vector<1xi32>
      %squeeze3A_1392 = vector.extract %slice3A_1391[0] : i32 from vector<1xi32>
      %add3A_1393 = arith.constant 64 : i32
      %add3A_1394 = arith.addi %add3A_1393, %squeeze3A_1392 : i32
      %get3A_1395 = arith.index_cast %rem3A_1059 : i32 to index
      %get3A_1396 = arith.index_cast %add3A_1390 : i32 to index
      %get3A_1397 = arith.constant 0 : index
      %get3A_1398 = tpu.vector_load %arg9[%get3A_1395, %get3A_1396, %get3A_1397] {strides = array<i32>} : memref<2x128x32xf32, #tpu.memory_space<vmem>>, vector<16xf32>,
      %get3A_1399 = arith.index_cast %rem3A_1059 : i32 to index
      %get3A_1400 = arith.index_cast %add3A_1390 : i32 to index
      %get3A_1401 = arith.constant 16 : index
      %get3A_1402 = tpu.vector_load %arg9[%get3A_1399, %get3A_1400, %get3A_1401] {strides = array<i32>} : memref<2x128x32xf32, #tpu.memory_space<vmem>>, vector<16xf32>,
      %get3A_1403 = arith.index_cast %rem3A_1059 : i32 to index
      %get3A_1404 = arith.index_cast %add3A_1394 : i32 to index
      %get3A_1405 = arith.constant 0 : index
      %get3A_1406 = tpu.vector_load %arg10[%get3A_1403, %get3A_1404, %get3A_1405] {strides = array<i32>} : memref<2x128x32xf32, #tpu.memory_space<vmem>>, vector<16xf32>,
      %get3A_1407 = arith.index_cast %rem3A_1059 : i32 to index
      %get3A_1408 = arith.index_cast %add3A_1394 : i32 to index
      %get3A_1409 = arith.constant 16 : index
      %get3A_1410 = tpu.vector_load %arg10[%get3A_1407, %get3A_1408, %get3A_1409] {strides = array<i32>} : memref<2x128x32xf32, #tpu.memory_space<vmem>>, vector<16xf32>,
      %mul3A_1411 = arith.mulf %get3A_1398, %get3A_1406 : vector<16xf32>
      %mul3A_1412 = arith.mulf %get3A_1402, %get3A_1410 : vector<16xf32>
      %add3A_1413 = arith.addf %mul3A_1411, %mul3A_1412 : vector<16xf32>
      %reduce_sum3A_1414 = arith.constant true
      %reduce_sum3A_1415 = vector.broadcast %reduce_sum3A_1414 : i1 to vector<16xi1>
      %reduce_sum3A_1416 = tpu.scan <sum>, %add3A_1413 masked %reduce_sum3A_1415 : vector<16xf32>, vector<16xi1> -> vector<16xf32>
      %reduce_sum3A_1417 = vector.extract %reduce_sum3A_1416[15] : f32 from vector<16xf32>
      %eq3A_1418 = arith.constant 8 : i32
      %eq3A_1419 = vector.broadcast %eq3A_1418 : i32 to vector<16xi32>
      %eq3A_1420 = arith.cmpi eq, %iota3A, %eq3A_1419 : vector<16xi32>
      %broadcast_in_dim3A_1421 = vector.broadcast %reduce_sum3A_1417 : f32 to vector<16xf32>
      %select_n3A_1422 = arith.select %eq3A_1420, %broadcast_in_dim3A_1421, %select_n3A_1386 : vector<16xi1>, vector<16xf32>
      %slice3A_1423 = vector.extract_strided_slice %and3A_1093 {offsets = [9], sizes = [1], strides = [1]} : vector<16xi32> to vector<1xi32>
      %squeeze3A_1424 = vector.extract %slice3A_1423[0] : i32 from vector<1xi32>
      %add3A_1425 = arith.constant 72 : i32
      %add3A_1426 = arith.addi %add3A_1425, %squeeze3A_1424 : i32
      %slice3A_1427 = vector.extract_strided_slice %and3A_1100 {offsets = [9], sizes = [1], strides = [1]} : vector<16xi32> to vector<1xi32>
      %squeeze3A_1428 = vector.extract %slice3A_1427[0] : i32 from vector<1xi32>
      %add3A_1429 = arith.constant 72 : i32
      %add3A_1430 = arith.addi %add3A_1429, %squeeze3A_1428 : i32
      %get3A_1431 = arith.index_cast %rem3A_1059 : i32 to index
      %get3A_1432 = arith.index_cast %add3A_1426 : i32 to index
      %get3A_1433 = arith.constant 0 : index
      %get3A_1434 = tpu.vector_load %arg9[%get3A_1431, %get3A_1432, %get3A_1433] {strides = array<i32>} : memref<2x128x32xf32, #tpu.memory_space<vmem>>, vector<16xf32>,
      %get3A_1435 = arith.index_cast %rem3A_1059 : i32 to index
      %get3A_1436 = arith.index_cast %add3A_1426 : i32 to index
      %get3A_1437 = arith.constant 16 : index
      %get3A_1438 = tpu.vector_load %arg9[%get3A_1435, %get3A_1436, %get3A_1437] {strides = array<i32>} : memref<2x128x32xf32, #tpu.memory_space<vmem>>, vector<16xf32>,
      %get3A_1439 = arith.index_cast %rem3A_1059 : i32 to index
      %get3A_1440 = arith.index_cast %add3A_1430 : i32 to index
      %get3A_1441 = arith.constant 0 : index
      %get3A_1442 = tpu.vector_load %arg10[%get3A_1439, %get3A_1440, %get3A_1441] {strides = array<i32>} : memref<2x128x32xf32, #tpu.memory_space<vmem>>, vector<16xf32>,
      %get3A_1443 = arith.index_cast %rem3A_1059 : i32 to index
      %get3A_1444 = arith.index_cast %add3A_1430 : i32 to index
      %get3A_1445 = arith.constant 16 : index
      %get3A_1446 = tpu.vector_load %arg10[%get3A_1443, %get3A_1444, %get3A_1445] {strides = array<i32>} : memref<2x128x32xf32, #tpu.memory_space<vmem>>, vector<16xf32>,
      %mul3A_1447 = arith.mulf %get3A_1434, %get3A_1442 : vector<16xf32>
      %mul3A_1448 = arith.mulf %get3A_1438, %get3A_1446 : vector<16xf32>
      %add3A_1449 = arith.addf %mul3A_1447, %mul3A_1448 : vector<16xf32>
      %reduce_sum3A_1450 = arith.constant true
      %reduce_sum3A_1451 = vector.broadcast %reduce_sum3A_1450 : i1 to vector<16xi1>
      %reduce_sum3A_1452 = tpu.scan <sum>, %add3A_1449 masked %reduce_sum3A_1451 : vector<16xf32>, vector<16xi1> -> vector<16xf32>
      %reduce_sum3A_1453 = vector.extract %reduce_sum3A_1452[15] : f32 from vector<16xf32>
      %eq3A_1454 = arith.constant 9 : i32
      %eq3A_1455 = vector.broadcast %eq3A_1454 : i32 to vector<16xi32>
      %eq3A_1456 = arith.cmpi eq, %iota3A, %eq3A_1455 : vector<16xi32>
      %broadcast_in_dim3A_1457 = vector.broadcast %reduce_sum3A_1453 : f32 to vector<16xf32>
      %select_n3A_1458 = arith.select %eq3A_1456, %broadcast_in_dim3A_1457, %select_n3A_1422 : vector<16xi1>, vector<16xf32>
      %slice3A_1459 = vector.extract_strided_slice %and3A_1093 {offsets = [10], sizes = [1], strides = [1]} : vector<16xi32> to vector<1xi32>
      %squeeze3A_1460 = vector.extract %slice3A_1459[0] : i32 from vector<1xi32>
      %add3A_1461 = arith.constant 80 : i32
      %add3A_1462 = arith.addi %add3A_1461, %squeeze3A_1460 : i32
      %slice3A_1463 = vector.extract_strided_slice %and3A_1100 {offsets = [10], sizes = [1], strides = [1]} : vector<16xi32> to vector<1xi32>
      %squeeze3A_1464 = vector.extract %slice3A_1463[0] : i32 from vector<1xi32>
      %add3A_1465 = arith.constant 80 : i32
      %add3A_1466 = arith.addi %add3A_1465, %squeeze3A_1464 : i32
      %get3A_1467 = arith.index_cast %rem3A_1059 : i32 to index
      %get3A_1468 = arith.index_cast %add3A_1462 : i32 to index
      %get3A_1469 = arith.constant 0 : index
      %get3A_1470 = tpu.vector_load %arg9[%get3A_1467, %get3A_1468, %get3A_1469] {strides = array<i32>} : memref<2x128x32xf32, #tpu.memory_space<vmem>>, vector<16xf32>,
      %get3A_1471 = arith.index_cast %rem3A_1059 : i32 to index
      %get3A_1472 = arith.index_cast %add3A_1462 : i32 to index
      %get3A_1473 = arith.constant 16 : index
      %get3A_1474 = tpu.vector_load %arg9[%get3A_1471, %get3A_1472, %get3A_1473] {strides = array<i32>} : memref<2x128x32xf32, #tpu.memory_space<vmem>>, vector<16xf32>,
      %get3A_1475 = arith.index_cast %rem3A_1059 : i32 to index
      %get3A_1476 = arith.index_cast %add3A_1466 : i32 to index
      %get3A_1477 = arith.constant 0 : index
      %get3A_1478 = tpu.vector_load %arg10[%get3A_1475, %get3A_1476, %get3A_1477] {strides = array<i32>} : memref<2x128x32xf32, #tpu.memory_space<vmem>>, vector<16xf32>,
      %get3A_1479 = arith.index_cast %rem3A_1059 : i32 to index
      %get3A_1480 = arith.index_cast %add3A_1466 : i32 to index
      %get3A_1481 = arith.constant 16 : index
      %get3A_1482 = tpu.vector_load %arg10[%get3A_1479, %get3A_1480, %get3A_1481] {strides = array<i32>} : memref<2x128x32xf32, #tpu.memory_space<vmem>>, vector<16xf32>,
      %mul3A_1483 = arith.mulf %get3A_1470, %get3A_1478 : vector<16xf32>
      %mul3A_1484 = arith.mulf %get3A_1474, %get3A_1482 : vector<16xf32>
      %add3A_1485 = arith.addf %mul3A_1483, %mul3A_1484 : vector<16xf32>
      %reduce_sum3A_1486 = arith.constant true
      %reduce_sum3A_1487 = vector.broadcast %reduce_sum3A_1486 : i1 to vector<16xi1>
      %reduce_sum3A_1488 = tpu.scan <sum>, %add3A_1485 masked %reduce_sum3A_1487 : vector<16xf32>, vector<16xi1> -> vector<16xf32>
      %reduce_sum3A_1489 = vector.extract %reduce_sum3A_1488[15] : f32 from vector<16xf32>
      %eq3A_1490 = arith.constant 10 : i32
      %eq3A_1491 = vector.broadcast %eq3A_1490 : i32 to vector<16xi32>
      %eq3A_1492 = arith.cmpi eq, %iota3A, %eq3A_1491 : vector<16xi32>
      %broadcast_in_dim3A_1493 = vector.broadcast %reduce_sum3A_1489 : f32 to vector<16xf32>
      %select_n3A_1494 = arith.select %eq3A_1492, %broadcast_in_dim3A_1493, %select_n3A_1458 : vector<16xi1>, vector<16xf32>
      %slice3A_1495 = vector.extract_strided_slice %and3A_1093 {offsets = [11], sizes = [1], strides = [1]} : vector<16xi32> to vector<1xi32>
      %squeeze3A_1496 = vector.extract %slice3A_1495[0] : i32 from vector<1xi32>
      %add3A_1497 = arith.constant 88 : i32
      %add3A_1498 = arith.addi %add3A_1497, %squeeze3A_1496 : i32
      %slice3A_1499 = vector.extract_strided_slice %and3A_1100 {offsets = [11], sizes = [1], strides = [1]} : vector<16xi32> to vector<1xi32>
      %squeeze3A_1500 = vector.extract %slice3A_1499[0] : i32 from vector<1xi32>
      %add3A_1501 = arith.constant 88 : i32
      %add3A_1502 = arith.addi %add3A_1501, %squeeze3A_1500 : i32
      %get3A_1503 = arith.index_cast %rem3A_1059 : i32 to index
      %get3A_1504 = arith.index_cast %add3A_1498 : i32 to index
      %get3A_1505 = arith.constant 0 : index
      %get3A_1506 = tpu.vector_load %arg9[%get3A_1503, %get3A_1504, %get3A_1505] {strides = array<i32>} : memref<2x128x32xf32, #tpu.memory_space<vmem>>, vector<16xf32>,
      %get3A_1507 = arith.index_cast %rem3A_1059 : i32 to index
      %get3A_1508 = arith.index_cast %add3A_1498 : i32 to index
      %get3A_1509 = arith.constant 16 : index
      %get3A_1510 = tpu.vector_load %arg9[%get3A_1507, %get3A_1508, %get3A_1509] {strides = array<i32>} : memref<2x128x32xf32, #tpu.memory_space<vmem>>, vector<16xf32>,
      %get3A_1511 = arith.index_cast %rem3A_1059 : i32 to index
      %get3A_1512 = arith.index_cast %add3A_1502 : i32 to index
      %get3A_1513 = arith.constant 0 : index
      %get3A_1514 = tpu.vector_load %arg10[%get3A_1511, %get3A_1512, %get3A_1513] {strides = array<i32>} : memref<2x128x32xf32, #tpu.memory_space<vmem>>, vector<16xf32>,
      %get3A_1515 = arith.index_cast %rem3A_1059 : i32 to index
      %get3A_1516 = arith.index_cast %add3A_1502 : i32 to index
      %get3A_1517 = arith.constant 16 : index
      %get3A_1518 = tpu.vector_load %arg10[%get3A_1515, %get3A_1516, %get3A_1517] {strides = array<i32>} : memref<2x128x32xf32, #tpu.memory_space<vmem>>, vector<16xf32>,
      %mul3A_1519 = arith.mulf %get3A_1506, %get3A_1514 : vector<16xf32>
      %mul3A_1520 = arith.mulf %get3A_1510, %get3A_1518 : vector<16xf32>
      %add3A_1521 = arith.addf %mul3A_1519, %mul3A_1520 : vector<16xf32>
      %reduce_sum3A_1522 = arith.constant true
      %reduce_sum3A_1523 = vector.broadcast %reduce_sum3A_1522 : i1 to vector<16xi1>
      %reduce_sum3A_1524 = tpu.scan <sum>, %add3A_1521 masked %reduce_sum3A_1523 : vector<16xf32>, vector<16xi1> -> vector<16xf32>
      %reduce_sum3A_1525 = vector.extract %reduce_sum3A_1524[15] : f32 from vector<16xf32>
      %eq3A_1526 = arith.constant 11 : i32
      %eq3A_1527 = vector.broadcast %eq3A_1526 : i32 to vector<16xi32>
      %eq3A_1528 = arith.cmpi eq, %iota3A, %eq3A_1527 : vector<16xi32>
      %broadcast_in_dim3A_1529 = vector.broadcast %reduce_sum3A_1525 : f32 to vector<16xf32>
      %select_n3A_1530 = arith.select %eq3A_1528, %broadcast_in_dim3A_1529, %select_n3A_1494 : vector<16xi1>, vector<16xf32>
      %slice3A_1531 = vector.extract_strided_slice %and3A_1093 {offsets = [12], sizes = [1], strides = [1]} : vector<16xi32> to vector<1xi32>
      %squeeze3A_1532 = vector.extract %slice3A_1531[0] : i32 from vector<1xi32>
      %add3A_1533 = arith.constant 96 : i32
      %add3A_1534 = arith.addi %add3A_1533, %squeeze3A_1532 : i32
      %slice3A_1535 = vector.extract_strided_slice %and3A_1100 {offsets = [12], sizes = [1], strides = [1]} : vector<16xi32> to vector<1xi32>
      %squeeze3A_1536 = vector.extract %slice3A_1535[0] : i32 from vector<1xi32>
      %add3A_1537 = arith.constant 96 : i32
      %add3A_1538 = arith.addi %add3A_1537, %squeeze3A_1536 : i32
      %get3A_1539 = arith.index_cast %rem3A_1059 : i32 to index
      %get3A_1540 = arith.index_cast %add3A_1534 : i32 to index
      %get3A_1541 = arith.constant 0 : index
      %get3A_1542 = tpu.vector_load %arg9[%get3A_1539, %get3A_1540, %get3A_1541] {strides = array<i32>} : memref<2x128x32xf32, #tpu.memory_space<vmem>>, vector<16xf32>,
      %get3A_1543 = arith.index_cast %rem3A_1059 : i32 to index
      %get3A_1544 = arith.index_cast %add3A_1534 : i32 to index
      %get3A_1545 = arith.constant 16 : index
      %get3A_1546 = tpu.vector_load %arg9[%get3A_1543, %get3A_1544, %get3A_1545] {strides = array<i32>} : memref<2x128x32xf32, #tpu.memory_space<vmem>>, vector<16xf32>,
      %get3A_1547 = arith.index_cast %rem3A_1059 : i32 to index
      %get3A_1548 = arith.index_cast %add3A_1538 : i32 to index
      %get3A_1549 = arith.constant 0 : index
      %get3A_1550 = tpu.vector_load %arg10[%get3A_1547, %get3A_1548, %get3A_1549] {strides = array<i32>} : memref<2x128x32xf32, #tpu.memory_space<vmem>>, vector<16xf32>,
      %get3A_1551 = arith.index_cast %rem3A_1059 : i32 to index
      %get3A_1552 = arith.index_cast %add3A_1538 : i32 to index
      %get3A_1553 = arith.constant 16 : index
      %get3A_1554 = tpu.vector_load %arg10[%get3A_1551, %get3A_1552, %get3A_1553] {strides = array<i32>} : memref<2x128x32xf32, #tpu.memory_space<vmem>>, vector<16xf32>,
      %mul3A_1555 = arith.mulf %get3A_1542, %get3A_1550 : vector<16xf32>
      %mul3A_1556 = arith.mulf %get3A_1546, %get3A_1554 : vector<16xf32>
      %add3A_1557 = arith.addf %mul3A_1555, %mul3A_1556 : vector<16xf32>
      %reduce_sum3A_1558 = arith.constant true
      %reduce_sum3A_1559 = vector.broadcast %reduce_sum3A_1558 : i1 to vector<16xi1>
      %reduce_sum3A_1560 = tpu.scan <sum>, %add3A_1557 masked %reduce_sum3A_1559 : vector<16xf32>, vector<16xi1> -> vector<16xf32>
      %reduce_sum3A_1561 = vector.extract %reduce_sum3A_1560[15] : f32 from vector<16xf32>
      %eq3A_1562 = arith.constant 12 : i32
      %eq3A_1563 = vector.broadcast %eq3A_1562 : i32 to vector<16xi32>
      %eq3A_1564 = arith.cmpi eq, %iota3A, %eq3A_1563 : vector<16xi32>
      %broadcast_in_dim3A_1565 = vector.broadcast %reduce_sum3A_1561 : f32 to vector<16xf32>
      %select_n3A_1566 = arith.select %eq3A_1564, %broadcast_in_dim3A_1565, %select_n3A_1530 : vector<16xi1>, vector<16xf32>
      %slice3A_1567 = vector.extract_strided_slice %and3A_1093 {offsets = [13], sizes = [1], strides = [1]} : vector<16xi32> to vector<1xi32>
      %squeeze3A_1568 = vector.extract %slice3A_1567[0] : i32 from vector<1xi32>
      %add3A_1569 = arith.constant 104 : i32
      %add3A_1570 = arith.addi %add3A_1569, %squeeze3A_1568 : i32
      %slice3A_1571 = vector.extract_strided_slice %and3A_1100 {offsets = [13], sizes = [1], strides = [1]} : vector<16xi32> to vector<1xi32>
      %squeeze3A_1572 = vector.extract %slice3A_1571[0] : i32 from vector<1xi32>
      %add3A_1573 = arith.constant 104 : i32
      %add3A_1574 = arith.addi %add3A_1573, %squeeze3A_1572 : i32
      %get3A_1575 = arith.index_cast %rem3A_1059 : i32 to index
      %get3A_1576 = arith.index_cast %add3A_1570 : i32 to index
      %get3A_1577 = arith.constant 0 : index
      %get3A_1578 = tpu.vector_load %arg9[%get3A_1575, %get3A_1576, %get3A_1577] {strides = array<i32>} : memref<2x128x32xf32, #tpu.memory_space<vmem>>, vector<16xf32>,
      %get3A_1579 = arith.index_cast %rem3A_1059 : i32 to index
      %get3A_1580 = arith.index_cast %add3A_1570 : i32 to index
      %get3A_1581 = arith.constant 16 : index
      %get3A_1582 = tpu.vector_load %arg9[%get3A_1579, %get3A_1580, %get3A_1581] {strides = array<i32>} : memref<2x128x32xf32, #tpu.memory_space<vmem>>, vector<16xf32>,
      %get3A_1583 = arith.index_cast %rem3A_1059 : i32 to index
      %get3A_1584 = arith.index_cast %add3A_1574 : i32 to index
      %get3A_1585 = arith.constant 0 : index
      %get3A_1586 = tpu.vector_load %arg10[%get3A_1583, %get3A_1584, %get3A_1585] {strides = array<i32>} : memref<2x128x32xf32, #tpu.memory_space<vmem>>, vector<16xf32>,
      %get3A_1587 = arith.index_cast %rem3A_1059 : i32 to index
      %get3A_1588 = arith.index_cast %add3A_1574 : i32 to index
      %get3A_1589 = arith.constant 16 : index
      %get3A_1590 = tpu.vector_load %arg10[%get3A_1587, %get3A_1588, %get3A_1589] {strides = array<i32>} : memref<2x128x32xf32, #tpu.memory_space<vmem>>, vector<16xf32>,
      %mul3A_1591 = arith.mulf %get3A_1578, %get3A_1586 : vector<16xf32>
      %mul3A_1592 = arith.mulf %get3A_1582, %get3A_1590 : vector<16xf32>
      %add3A_1593 = arith.addf %mul3A_1591, %mul3A_1592 : vector<16xf32>
      %reduce_sum3A_1594 = arith.constant true
      %reduce_sum3A_1595 = vector.broadcast %reduce_sum3A_1594 : i1 to vector<16xi1>
      %reduce_sum3A_1596 = tpu.scan <sum>, %add3A_1593 masked %reduce_sum3A_1595 : vector<16xf32>, vector<16xi1> -> vector<16xf32>
      %reduce_sum3A_1597 = vector.extract %reduce_sum3A_1596[15] : f32 from vector<16xf32>
      %eq3A_1598 = arith.constant 13 : i32
      %eq3A_1599 = vector.broadcast %eq3A_1598 : i32 to vector<16xi32>
      %eq3A_1600 = arith.cmpi eq, %iota3A, %eq3A_1599 : vector<16xi32>
      %broadcast_in_dim3A_1601 = vector.broadcast %reduce_sum3A_1597 : f32 to vector<16xf32>
      %select_n3A_1602 = arith.select %eq3A_1600, %broadcast_in_dim3A_1601, %select_n3A_1566 : vector<16xi1>, vector<16xf32>
      %slice3A_1603 = vector.extract_strided_slice %and3A_1093 {offsets = [14], sizes = [1], strides = [1]} : vector<16xi32> to vector<1xi32>
      %squeeze3A_1604 = vector.extract %slice3A_1603[0] : i32 from vector<1xi32>
      %add3A_1605 = arith.constant 112 : i32
      %add3A_1606 = arith.addi %add3A_1605, %squeeze3A_1604 : i32
      %slice3A_1607 = vector.extract_strided_slice %and3A_1100 {offsets = [14], sizes = [1], strides = [1]} : vector<16xi32> to vector<1xi32>
      %squeeze3A_1608 = vector.extract %slice3A_1607[0] : i32 from vector<1xi32>
      %add3A_1609 = arith.constant 112 : i32
      %add3A_1610 = arith.addi %add3A_1609, %squeeze3A_1608 : i32
      %get3A_1611 = arith.index_cast %rem3A_1059 : i32 to index
      %get3A_1612 = arith.index_cast %add3A_1606 : i32 to index
      %get3A_1613 = arith.constant 0 : index
      %get3A_1614 = tpu.vector_load %arg9[%get3A_1611, %get3A_1612, %get3A_1613] {strides = array<i32>} : memref<2x128x32xf32, #tpu.memory_space<vmem>>, vector<16xf32>,
      %get3A_1615 = arith.index_cast %rem3A_1059 : i32 to index
      %get3A_1616 = arith.index_cast %add3A_1606 : i32 to index
      %get3A_1617 = arith.constant 16 : index
      %get3A_1618 = tpu.vector_load %arg9[%get3A_1615, %get3A_1616, %get3A_1617] {strides = array<i32>} : memref<2x128x32xf32, #tpu.memory_space<vmem>>, vector<16xf32>,
      %get3A_1619 = arith.index_cast %rem3A_1059 : i32 to index
      %get3A_1620 = arith.index_cast %add3A_1610 : i32 to index
      %get3A_1621 = arith.constant 0 : index
      %get3A_1622 = tpu.vector_load %arg10[%get3A_1619, %get3A_1620, %get3A_1621] {strides = array<i32>} : memref<2x128x32xf32, #tpu.memory_space<vmem>>, vector<16xf32>,
      %get3A_1623 = arith.index_cast %rem3A_1059 : i32 to index
      %get3A_1624 = arith.index_cast %add3A_1610 : i32 to index
      %get3A_1625 = arith.constant 16 : index
      %get3A_1626 = tpu.vector_load %arg10[%get3A_1623, %get3A_1624, %get3A_1625] {strides = array<i32>} : memref<2x128x32xf32, #tpu.memory_space<vmem>>, vector<16xf32>,
      %mul3A_1627 = arith.mulf %get3A_1614, %get3A_1622 : vector<16xf32>
      %mul3A_1628 = arith.mulf %get3A_1618, %get3A_1626 : vector<16xf32>
      %add3A_1629 = arith.addf %mul3A_1627, %mul3A_1628 : vector<16xf32>
      %reduce_sum3A_1630 = arith.constant true
      %reduce_sum3A_1631 = vector.broadcast %reduce_sum3A_1630 : i1 to vector<16xi1>
      %reduce_sum3A_1632 = tpu.scan <sum>, %add3A_1629 masked %reduce_sum3A_1631 : vector<16xf32>, vector<16xi1> -> vector<16xf32>
      %reduce_sum3A_1633 = vector.extract %reduce_sum3A_1632[15] : f32 from vector<16xf32>
      %eq3A_1634 = arith.constant 14 : i32
      %eq3A_1635 = vector.broadcast %eq3A_1634 : i32 to vector<16xi32>
      %eq3A_1636 = arith.cmpi eq, %iota3A, %eq3A_1635 : vector<16xi32>
      %broadcast_in_dim3A_1637 = vector.broadcast %reduce_sum3A_1633 : f32 to vector<16xf32>
      %select_n3A_1638 = arith.select %eq3A_1636, %broadcast_in_dim3A_1637, %select_n3A_1602 : vector<16xi1>, vector<16xf32>
      %slice3A_1639 = vector.extract_strided_slice %and3A_1093 {offsets = [15], sizes = [1], strides = [1]} : vector<16xi32> to vector<1xi32>
      %squeeze3A_1640 = vector.extract %slice3A_1639[0] : i32 from vector<1xi32>
      %add3A_1641 = arith.constant 120 : i32
      %add3A_1642 = arith.addi %add3A_1641, %squeeze3A_1640 : i32
      %slice3A_1643 = vector.extract_strided_slice %and3A_1100 {offsets = [15], sizes = [1], strides = [1]} : vector<16xi32> to vector<1xi32>
      %squeeze3A_1644 = vector.extract %slice3A_1643[0] : i32 from vector<1xi32>
      %add3A_1645 = arith.constant 120 : i32
      %add3A_1646 = arith.addi %add3A_1645, %squeeze3A_1644 : i32
      %get3A_1647 = arith.index_cast %rem3A_1059 : i32 to index
      %get3A_1648 = arith.index_cast %add3A_1642 : i32 to index
      %get3A_1649 = arith.constant 0 : index
      %get3A_1650 = tpu.vector_load %arg9[%get3A_1647, %get3A_1648, %get3A_1649] {strides = array<i32>} : memref<2x128x32xf32, #tpu.memory_space<vmem>>, vector<16xf32>,
      %get3A_1651 = arith.index_cast %rem3A_1059 : i32 to index
      %get3A_1652 = arith.index_cast %add3A_1642 : i32 to index
      %get3A_1653 = arith.constant 16 : index
      %get3A_1654 = tpu.vector_load %arg9[%get3A_1651, %get3A_1652, %get3A_1653] {strides = array<i32>} : memref<2x128x32xf32, #tpu.memory_space<vmem>>, vector<16xf32>,
      %get3A_1655 = arith.index_cast %rem3A_1059 : i32 to index
      %get3A_1656 = arith.index_cast %add3A_1646 : i32 to index
      %get3A_1657 = arith.constant 0 : index
      %get3A_1658 = tpu.vector_load %arg10[%get3A_1655, %get3A_1656, %get3A_1657] {strides = array<i32>} : memref<2x128x32xf32, #tpu.memory_space<vmem>>, vector<16xf32>,
      %get3A_1659 = arith.index_cast %rem3A_1059 : i32 to index
      %get3A_1660 = arith.index_cast %add3A_1646 : i32 to index
      %get3A_1661 = arith.constant 16 : index
      %get3A_1662 = tpu.vector_load %arg10[%get3A_1659, %get3A_1660, %get3A_1661] {strides = array<i32>} : memref<2x128x32xf32, #tpu.memory_space<vmem>>, vector<16xf32>,
      %mul3A_1663 = arith.mulf %get3A_1650, %get3A_1658 : vector<16xf32>
      %mul3A_1664 = arith.mulf %get3A_1654, %get3A_1662 : vector<16xf32>
      %add3A_1665 = arith.addf %mul3A_1663, %mul3A_1664 : vector<16xf32>
      %reduce_sum3A_1666 = arith.constant true
      %reduce_sum3A_1667 = vector.broadcast %reduce_sum3A_1666 : i1 to vector<16xi1>
      %reduce_sum3A_1668 = tpu.scan <sum>, %add3A_1665 masked %reduce_sum3A_1667 : vector<16xf32>, vector<16xi1> -> vector<16xf32>
      %reduce_sum3A_1669 = vector.extract %reduce_sum3A_1668[15] : f32 from vector<16xf32>
      %eq3A_1670 = arith.constant 15 : i32
      %eq3A_1671 = vector.broadcast %eq3A_1670 : i32 to vector<16xi32>
      %eq3A_1672 = arith.cmpi eq, %iota3A, %eq3A_1671 : vector<16xi32>
      %broadcast_in_dim3A_1673 = vector.broadcast %reduce_sum3A_1669 : f32 to vector<16xf32>
      %select_n3A_1674 = arith.select %eq3A_1672, %broadcast_in_dim3A_1673, %select_n3A_1638 : vector<16xi1>, vector<16xf32>
      %mul3A_1675 = arith.constant 16 : i32
      %mul3A_1676 = arith.muli %scan3A_1058, %mul3A_1675 : i32
      %swap3A = arith.index_cast %mul3A_1676 : i32 to index
      %swap3A_1677 = tpu.vector_load %arg11[%swap3A] {strides = array<i32>} : memref<512xf32, #tpu.memory_space<vmem>>, vector<16xf32>,
      tpu.vector_store %arg11[%swap3A], %select_n3A_1674 {strides = array<i32>} : memref<512xf32, #tpu.memory_space<vmem>>, vector<16xf32>,
      %add3A_1678 = arith.constant 2 : i32
      %add3A_1679 = arith.addi %scan3A_1058, %add3A_1678 : i32
      %lt3A = arith.constant 32 : i32
      %lt3A_1680 = arith.cmpi slt, %add3A_1679, %lt3A : i32
      %convert_element_type3A = arith.extui %lt3A_1680 : i1 to i32
      %cond3A = arith.constant 0 : i32
      %cond3A_1681 = arith.cmpi ne, %convert_element_type3A, %cond3A : i32
      scf.if %cond3A_1681 {
        %mul3A_1682 = arith.constant 16 : i32
        %mul3A_1683 = arith.muli %add3A_1679, %mul3A_1682 : i32
        %get3A_1684 = arith.index_cast %mul3A_1683 : i32 to index
        %get3A_1685 = tpu.vector_load %arg7[%get3A_1684] {strides = array<i32>} : memref<512xi32, #tpu.memory_space<vmem>>, vector<16xi32>,
        %mul3A_1686 = arith.constant 16 : i32
        %mul3A_1687 = arith.muli %add3A_1679, %mul3A_1686 : i32
        %get3A_1688 = arith.index_cast %mul3A_1687 : i32 to index
        %get3A_1689 = tpu.vector_load %arg8[%get3A_1688] {strides = array<i32>} : memref<512xi32, #tpu.memory_space<vmem>>, vector<16xi32>,
        %and3A_1690 = arith.constant -8 : i32
        %and3A_1691 = vector.broadcast %and3A_1690 : i32 to vector<16xi32>
        %and3A_1692 = arith.andi %get3A_1685, %and3A_1691 : vector<16xi32>
        %and3A_1693 = arith.constant -8 : i32
        %and3A_1694 = vector.broadcast %and3A_1693 : i32 to vector<16xi32>
        %and3A_1695 = arith.andi %get3A_1689, %and3A_1694 : vector<16xi32>
        %slice3A_1696 = vector.extract_strided_slice %and3A_1692 {offsets = [0], sizes = [1], strides = [1]} : vector<16xi32> to vector<1xi32>
        %squeeze3A_1697 = vector.extract %slice3A_1696[0] : i32 from vector<1xi32>
        %multiple_of3A_1698 = tpu.assume_multiple %squeeze3A_1697, 8 : i32
        %slice3A_1699 = vector.extract_strided_slice %and3A_1695 {offsets = [0], sizes = [1], strides = [1]} : vector<16xi32> to vector<1xi32>
        %squeeze3A_1700 = vector.extract %slice3A_1699[0] : i32 from vector<1xi32>
        %multiple_of3A_1701 = tpu.assume_multiple %squeeze3A_1700, 8 : i32
        %dma_start3A_1702 = arith.constant 0 : i32
        %dma_start3A_1703 = arith.constant 0 : i32
        %dma_start3A_1704 = tpu.memref_slice %arg9[%rem3A_1059, %dma_start3A_1702, %dma_start3A_1703] : memref<2x128x32xf32, #tpu.memory_space<vmem>> -> memref<1x8x32xf32, #tpu.memory_space<vmem>>
        %dma_start3A_1705 = tpu.memref_squeeze %dma_start3A_1704 : memref<1x8x32xf32, #tpu.memory_space<vmem>> -> memref<8x32xf32, #tpu.memory_space<vmem>>
        %dma_start3A_1706 = arith.constant 0 : i32
        %dma_start3A_1707 = tpu.memref_slice %arg4[%multiple_of3A_1698, %dma_start3A_1706] : memref<1000000x32xf32, #tpu.memory_space<hbm>> -> memref<8x32xf32, #tpu.memory_space<hbm>>
        %dma_start3A_1708 = arith.constant 0 : i32
        %dma_start3A_1709 = arith.constant 0 : i32
        %dma_start3A_1710 = tpu.memref_slice %arg9[%rem3A_1059, %dma_start3A_1708, %dma_start3A_1709] : memref<2x128x32xf32, #tpu.memory_space<vmem>> -> memref<1x8x32xf32, #tpu.memory_space<vmem>>
        %dma_start3A_1711 = tpu.memref_squeeze %dma_start3A_1710 : memref<1x8x32xf32, #tpu.memory_space<vmem>> -> memref<8x32xf32, #tpu.memory_space<vmem>>
        %dma_start3A_1712 = arith.constant 0 : i32
        %dma_start3A_1713 = tpu.memref_slice %arg4[%multiple_of3A_1698, %dma_start3A_1712] : memref<1000000x32xf32, #tpu.memory_space<hbm>> -> memref<8x32xf32, #tpu.memory_space<hbm>>
        tpu.enqueue_dma source(%dma_start3A_1713 : memref<8x32xf32, #tpu.memory_space<hbm>>) target(%dma_start3A_1711 : memref<8x32xf32, #tpu.memory_space<vmem>>) target_semaphore(%arg12 : memref<!tpu.dma_semaphore, #tpu.memory_space<semaphore_mem>>)
        %dma_start3A_1714 = arith.constant 0 : i32
        %dma_start3A_1715 = arith.constant 0 : i32
        %dma_start3A_1716 = tpu.memref_slice %arg10[%rem3A_1059, %dma_start3A_1714, %dma_start3A_1715] : memref<2x128x32xf32, #tpu.memory_space<vmem>> -> memref<1x8x32xf32, #tpu.memory_space<vmem>>
        %dma_start3A_1717 = tpu.memref_squeeze %dma_start3A_1716 : memref<1x8x32xf32, #tpu.memory_space<vmem>> -> memref<8x32xf32, #tpu.memory_space<vmem>>
        %dma_start3A_1718 = arith.constant 0 : i32
        %dma_start3A_1719 = tpu.memref_slice %arg5[%multiple_of3A_1701, %dma_start3A_1718] : memref<1000000x32xf32, #tpu.memory_space<hbm>> -> memref<8x32xf32, #tpu.memory_space<hbm>>
        %dma_start3A_1720 = arith.constant 0 : i32
        %dma_start3A_1721 = arith.constant 0 : i32
        %dma_start3A_1722 = tpu.memref_slice %arg10[%rem3A_1059, %dma_start3A_1720, %dma_start3A_1721] : memref<2x128x32xf32, #tpu.memory_space<vmem>> -> memref<1x8x32xf32, #tpu.memory_space<vmem>>
        %dma_start3A_1723 = tpu.memref_squeeze %dma_start3A_1722 : memref<1x8x32xf32, #tpu.memory_space<vmem>> -> memref<8x32xf32, #tpu.memory_space<vmem>>
        %dma_start3A_1724 = arith.constant 0 : i32
        %dma_start3A_1725 = tpu.memref_slice %arg5[%multiple_of3A_1701, %dma_start3A_1724] : memref<1000000x32xf32, #tpu.memory_space<hbm>> -> memref<8x32xf32, #tpu.memory_space<hbm>>
        tpu.enqueue_dma source(%dma_start3A_1725 : memref<8x32xf32, #tpu.memory_space<hbm>>) target(%dma_start3A_1723 : memref<8x32xf32, #tpu.memory_space<vmem>>) target_semaphore(%arg12 : memref<!tpu.dma_semaphore, #tpu.memory_space<semaphore_mem>>)
        %slice3A_1726 = vector.extract_strided_slice %and3A_1692 {offsets = [1], sizes = [1], strides = [1]} : vector<16xi32> to vector<1xi32>
        %squeeze3A_1727 = vector.extract %slice3A_1726[0] : i32 from vector<1xi32>
        %multiple_of3A_1728 = tpu.assume_multiple %squeeze3A_1727, 8 : i32
        %slice3A_1729 = vector.extract_strided_slice %and3A_1695 {offsets = [1], sizes = [1], strides = [1]} : vector<16xi32> to vector<1xi32>
        %squeeze3A_1730 = vector.extract %slice3A_1729[0] : i32 from vector<1xi32>
        %multiple_of3A_1731 = tpu.assume_multiple %squeeze3A_1730, 8 : i32
        %dma_start3A_1732 = arith.constant 8 : i32
        %dma_start3A_1733 = arith.constant 0 : i32
        %dma_start3A_1734 = tpu.memref_slice %arg9[%rem3A_1059, %dma_start3A_1732, %dma_start3A_1733] : memref<2x128x32xf32, #tpu.memory_space<vmem>> -> memref<1x8x32xf32, #tpu.memory_space<vmem>>
        %dma_start3A_1735 = tpu.memref_squeeze %dma_start3A_1734 : memref<1x8x32xf32, #tpu.memory_space<vmem>> -> memref<8x32xf32, #tpu.memory_space<vmem>>
        %dma_start3A_1736 = arith.constant 0 : i32
        %dma_start3A_1737 = tpu.memref_slice %arg4[%multiple_of3A_1728, %dma_start3A_1736] : memref<1000000x32xf32, #tpu.memory_space<hbm>> -> memref<8x32xf32, #tpu.memory_space<hbm>>
        %dma_start3A_1738 = arith.constant 8 : i32
        %dma_start3A_1739 = arith.constant 0 : i32
        %dma_start3A_1740 = tpu.memref_slice %arg9[%rem3A_1059, %dma_start3A_1738, %dma_start3A_1739] : memref<2x128x32xf32, #tpu.memory_space<vmem>> -> memref<1x8x32xf32, #tpu.memory_space<vmem>>
        %dma_start3A_1741 = tpu.memref_squeeze %dma_start3A_1740 : memref<1x8x32xf32, #tpu.memory_space<vmem>> -> memref<8x32xf32, #tpu.memory_space<vmem>>
        %dma_start3A_1742 = arith.constant 0 : i32
        %dma_start3A_1743 = tpu.memref_slice %arg4[%multiple_of3A_1728, %dma_start3A_1742] : memref<1000000x32xf32, #tpu.memory_space<hbm>> -> memref<8x32xf32, #tpu.memory_space<hbm>>
        tpu.enqueue_dma source(%dma_start3A_1743 : memref<8x32xf32, #tpu.memory_space<hbm>>) target(%dma_start3A_1741 : memref<8x32xf32, #tpu.memory_space<vmem>>) target_semaphore(%arg12 : memref<!tpu.dma_semaphore, #tpu.memory_space<semaphore_mem>>)
        %dma_start3A_1744 = arith.constant 8 : i32
        %dma_start3A_1745 = arith.constant 0 : i32
        %dma_start3A_1746 = tpu.memref_slice %arg10[%rem3A_1059, %dma_start3A_1744, %dma_start3A_1745] : memref<2x128x32xf32, #tpu.memory_space<vmem>> -> memref<1x8x32xf32, #tpu.memory_space<vmem>>
        %dma_start3A_1747 = tpu.memref_squeeze %dma_start3A_1746 : memref<1x8x32xf32, #tpu.memory_space<vmem>> -> memref<8x32xf32, #tpu.memory_space<vmem>>
        %dma_start3A_1748 = arith.constant 0 : i32
        %dma_start3A_1749 = tpu.memref_slice %arg5[%multiple_of3A_1731, %dma_start3A_1748] : memref<1000000x32xf32, #tpu.memory_space<hbm>> -> memref<8x32xf32, #tpu.memory_space<hbm>>
        %dma_start3A_1750 = arith.constant 8 : i32
        %dma_start3A_1751 = arith.constant 0 : i32
        %dma_start3A_1752 = tpu.memref_slice %arg10[%rem3A_1059, %dma_start3A_1750, %dma_start3A_1751] : memref<2x128x32xf32, #tpu.memory_space<vmem>> -> memref<1x8x32xf32, #tpu.memory_space<vmem>>
        %dma_start3A_1753 = tpu.memref_squeeze %dma_start3A_1752 : memref<1x8x32xf32, #tpu.memory_space<vmem>> -> memref<8x32xf32, #tpu.memory_space<vmem>>
        %dma_start3A_1754 = arith.constant 0 : i32
        %dma_start3A_1755 = tpu.memref_slice %arg5[%multiple_of3A_1731, %dma_start3A_1754] : memref<1000000x32xf32, #tpu.memory_space<hbm>> -> memref<8x32xf32, #tpu.memory_space<hbm>>
        tpu.enqueue_dma source(%dma_start3A_1755 : memref<8x32xf32, #tpu.memory_space<hbm>>) target(%dma_start3A_1753 : memref<8x32xf32, #tpu.memory_space<vmem>>) target_semaphore(%arg12 : memref<!tpu.dma_semaphore, #tpu.memory_space<semaphore_mem>>)
        %slice3A_1756 = vector.extract_strided_slice %and3A_1692 {offsets = [2], sizes = [1], strides = [1]} : vector<16xi32> to vector<1xi32>
        %squeeze3A_1757 = vector.extract %slice3A_1756[0] : i32 from vector<1xi32>
        %multiple_of3A_1758 = tpu.assume_multiple %squeeze3A_1757, 8 : i32
        %slice3A_1759 = vector.extract_strided_slice %and3A_1695 {offsets = [2], sizes = [1], strides = [1]} : vector<16xi32> to vector<1xi32>
        %squeeze3A_1760 = vector.extract %slice3A_1759[0] : i32 from vector<1xi32>
        %multiple_of3A_1761 = tpu.assume_multiple %squeeze3A_1760, 8 : i32
        %dma_start3A_1762 = arith.constant 16 : i32
        %dma_start3A_1763 = arith.constant 0 : i32
        %dma_start3A_1764 = tpu.memref_slice %arg9[%rem3A_1059, %dma_start3A_1762, %dma_start3A_1763] : memref<2x128x32xf32, #tpu.memory_space<vmem>> -> memref<1x8x32xf32, #tpu.memory_space<vmem>>
        %dma_start3A_1765 = tpu.memref_squeeze %dma_start3A_1764 : memref<1x8x32xf32, #tpu.memory_space<vmem>> -> memref<8x32xf32, #tpu.memory_space<vmem>>
        %dma_start3A_1766 = arith.constant 0 : i32
        %dma_start3A_1767 = tpu.memref_slice %arg4[%multiple_of3A_1758, %dma_start3A_1766] : memref<1000000x32xf32, #tpu.memory_space<hbm>> -> memref<8x32xf32, #tpu.memory_space<hbm>>
        %dma_start3A_1768 = arith.constant 16 : i32
        %dma_start3A_1769 = arith.constant 0 : i32
        %dma_start3A_1770 = tpu.memref_slice %arg9[%rem3A_1059, %dma_start3A_1768, %dma_start3A_1769] : memref<2x128x32xf32, #tpu.memory_space<vmem>> -> memref<1x8x32xf32, #tpu.memory_space<vmem>>
        %dma_start3A_1771 = tpu.memref_squeeze %dma_start3A_1770 : memref<1x8x32xf32, #tpu.memory_space<vmem>> -> memref<8x32xf32, #tpu.memory_space<vmem>>
        %dma_start3A_1772 = arith.constant 0 : i32
        %dma_start3A_1773 = tpu.memref_slice %arg4[%multiple_of3A_1758, %dma_start3A_1772] : memref<1000000x32xf32, #tpu.memory_space<hbm>> -> memref<8x32xf32, #tpu.memory_space<hbm>>
        tpu.enqueue_dma source(%dma_start3A_1773 : memref<8x32xf32, #tpu.memory_space<hbm>>) target(%dma_start3A_1771 : memref<8x32xf32, #tpu.memory_space<vmem>>) target_semaphore(%arg12 : memref<!tpu.dma_semaphore, #tpu.memory_space<semaphore_mem>>)
        %dma_start3A_1774 = arith.constant 16 : i32
        %dma_start3A_1775 = arith.constant 0 : i32
        %dma_start3A_1776 = tpu.memref_slice %arg10[%rem3A_1059, %dma_start3A_1774, %dma_start3A_1775] : memref<2x128x32xf32, #tpu.memory_space<vmem>> -> memref<1x8x32xf32, #tpu.memory_space<vmem>>
        %dma_start3A_1777 = tpu.memref_squeeze %dma_start3A_1776 : memref<1x8x32xf32, #tpu.memory_space<vmem>> -> memref<8x32xf32, #tpu.memory_space<vmem>>
        %dma_start3A_1778 = arith.constant 0 : i32
        %dma_start3A_1779 = tpu.memref_slice %arg5[%multiple_of3A_1761, %dma_start3A_1778] : memref<1000000x32xf32, #tpu.memory_space<hbm>> -> memref<8x32xf32, #tpu.memory_space<hbm>>
        %dma_start3A_1780 = arith.constant 16 : i32
        %dma_start3A_1781 = arith.constant 0 : i32
        %dma_start3A_1782 = tpu.memref_slice %arg10[%rem3A_1059, %dma_start3A_1780, %dma_start3A_1781] : memref<2x128x32xf32, #tpu.memory_space<vmem>> -> memref<1x8x32xf32, #tpu.memory_space<vmem>>
        %dma_start3A_1783 = tpu.memref_squeeze %dma_start3A_1782 : memref<1x8x32xf32, #tpu.memory_space<vmem>> -> memref<8x32xf32, #tpu.memory_space<vmem>>
        %dma_start3A_1784 = arith.constant 0 : i32
        %dma_start3A_1785 = tpu.memref_slice %arg5[%multiple_of3A_1761, %dma_start3A_1784] : memref<1000000x32xf32, #tpu.memory_space<hbm>> -> memref<8x32xf32, #tpu.memory_space<hbm>>
        tpu.enqueue_dma source(%dma_start3A_1785 : memref<8x32xf32, #tpu.memory_space<hbm>>) target(%dma_start3A_1783 : memref<8x32xf32, #tpu.memory_space<vmem>>) target_semaphore(%arg12 : memref<!tpu.dma_semaphore, #tpu.memory_space<semaphore_mem>>)
        %slice3A_1786 = vector.extract_strided_slice %and3A_1692 {offsets = [3], sizes = [1], strides = [1]} : vector<16xi32> to vector<1xi32>
        %squeeze3A_1787 = vector.extract %slice3A_1786[0] : i32 from vector<1xi32>
        %multiple_of3A_1788 = tpu.assume_multiple %squeeze3A_1787, 8 : i32
        %slice3A_1789 = vector.extract_strided_slice %and3A_1695 {offsets = [3], sizes = [1], strides = [1]} : vector<16xi32> to vector<1xi32>
        %squeeze3A_1790 = vector.extract %slice3A_1789[0] : i32 from vector<1xi32>
        %multiple_of3A_1791 = tpu.assume_multiple %squeeze3A_1790, 8 : i32
        %dma_start3A_1792 = arith.constant 24 : i32
        %dma_start3A_1793 = arith.constant 0 : i32
        %dma_start3A_1794 = tpu.memref_slice %arg9[%rem3A_1059, %dma_start3A_1792, %dma_start3A_1793] : memref<2x128x32xf32, #tpu.memory_space<vmem>> -> memref<1x8x32xf32, #tpu.memory_space<vmem>>
        %dma_start3A_1795 = tpu.memref_squeeze %dma_start3A_1794 : memref<1x8x32xf32, #tpu.memory_space<vmem>> -> memref<8x32xf32, #tpu.memory_space<vmem>>
        %dma_start3A_1796 = arith.constant 0 : i32
        %dma_start3A_1797 = tpu.memref_slice %arg4[%multiple_of3A_1788, %dma_start3A_1796] : memref<1000000x32xf32, #tpu.memory_space<hbm>> -> memref<8x32xf32, #tpu.memory_space<hbm>>
        %dma_start3A_1798 = arith.constant 24 : i32
        %dma_start3A_1799 = arith.constant 0 : i32
        %dma_start3A_1800 = tpu.memref_slice %arg9[%rem3A_1059, %dma_start3A_1798, %dma_start3A_1799] : memref<2x128x32xf32, #tpu.memory_space<vmem>> -> memref<1x8x32xf32, #tpu.memory_space<vmem>>
        %dma_start3A_1801 = tpu.memref_squeeze %dma_start3A_1800 : memref<1x8x32xf32, #tpu.memory_space<vmem>> -> memref<8x32xf32, #tpu.memory_space<vmem>>
        %dma_start3A_1802 = arith.constant 0 : i32
        %dma_start3A_1803 = tpu.memref_slice %arg4[%multiple_of3A_1788, %dma_start3A_1802] : memref<1000000x32xf32, #tpu.memory_space<hbm>> -> memref<8x32xf32, #tpu.memory_space<hbm>>
        tpu.enqueue_dma source(%dma_start3A_1803 : memref<8x32xf32, #tpu.memory_space<hbm>>) target(%dma_start3A_1801 : memref<8x32xf32, #tpu.memory_space<vmem>>) target_semaphore(%arg12 : memref<!tpu.dma_semaphore, #tpu.memory_space<semaphore_mem>>)
        %dma_start3A_1804 = arith.constant 24 : i32
        %dma_start3A_1805 = arith.constant 0 : i32
        %dma_start3A_1806 = tpu.memref_slice %arg10[%rem3A_1059, %dma_start3A_1804, %dma_start3A_1805] : memref<2x128x32xf32, #tpu.memory_space<vmem>> -> memref<1x8x32xf32, #tpu.memory_space<vmem>>
        %dma_start3A_1807 = tpu.memref_squeeze %dma_start3A_1806 : memref<1x8x32xf32, #tpu.memory_space<vmem>> -> memref<8x32xf32, #tpu.memory_space<vmem>>
        %dma_start3A_1808 = arith.constant 0 : i32
        %dma_start3A_1809 = tpu.memref_slice %arg5[%multiple_of3A_1791, %dma_start3A_1808] : memref<1000000x32xf32, #tpu.memory_space<hbm>> -> memref<8x32xf32, #tpu.memory_space<hbm>>
        %dma_start3A_1810 = arith.constant 24 : i32
        %dma_start3A_1811 = arith.constant 0 : i32
        %dma_start3A_1812 = tpu.memref_slice %arg10[%rem3A_1059, %dma_start3A_1810, %dma_start3A_1811] : memref<2x128x32xf32, #tpu.memory_space<vmem>> -> memref<1x8x32xf32, #tpu.memory_space<vmem>>
        %dma_start3A_1813 = tpu.memref_squeeze %dma_start3A_1812 : memref<1x8x32xf32, #tpu.memory_space<vmem>> -> memref<8x32xf32, #tpu.memory_space<vmem>>
        %dma_start3A_1814 = arith.constant 0 : i32
        %dma_start3A_1815 = tpu.memref_slice %arg5[%multiple_of3A_1791, %dma_start3A_1814] : memref<1000000x32xf32, #tpu.memory_space<hbm>> -> memref<8x32xf32, #tpu.memory_space<hbm>>
        tpu.enqueue_dma source(%dma_start3A_1815 : memref<8x32xf32, #tpu.memory_space<hbm>>) target(%dma_start3A_1813 : memref<8x32xf32, #tpu.memory_space<vmem>>) target_semaphore(%arg12 : memref<!tpu.dma_semaphore, #tpu.memory_space<semaphore_mem>>)
        %slice3A_1816 = vector.extract_strided_slice %and3A_1692 {offsets = [4], sizes = [1], strides = [1]} : vector<16xi32> to vector<1xi32>
        %squeeze3A_1817 = vector.extract %slice3A_1816[0] : i32 from vector<1xi32>
        %multiple_of3A_1818 = tpu.assume_multiple %squeeze3A_1817, 8 : i32
        %slice3A_1819 = vector.extract_strided_slice %and3A_1695 {offsets = [4], sizes = [1], strides = [1]} : vector<16xi32> to vector<1xi32>
        %squeeze3A_1820 = vector.extract %slice3A_1819[0] : i32 from vector<1xi32>
        %multiple_of3A_1821 = tpu.assume_multiple %squeeze3A_1820, 8 : i32
        %dma_start3A_1822 = arith.constant 32 : i32
        %dma_start3A_1823 = arith.constant 0 : i32
        %dma_start3A_1824 = tpu.memref_slice %arg9[%rem3A_1059, %dma_start3A_1822, %dma_start3A_1823] : memref<2x128x32xf32, #tpu.memory_space<vmem>> -> memref<1x8x32xf32, #tpu.memory_space<vmem>>
        %dma_start3A_1825 = tpu.memref_squeeze %dma_start3A_1824 : memref<1x8x32xf32, #tpu.memory_space<vmem>> -> memref<8x32xf32, #tpu.memory_space<vmem>>
        %dma_start3A_1826 = arith.constant 0 : i32
        %dma_start3A_1827 = tpu.memref_slice %arg4[%multiple_of3A_1818, %dma_start3A_1826] : memref<1000000x32xf32, #tpu.memory_space<hbm>> -> memref<8x32xf32, #tpu.memory_space<hbm>>
        %dma_start3A_1828 = arith.constant 32 : i32
        %dma_start3A_1829 = arith.constant 0 : i32
        %dma_start3A_1830 = tpu.memref_slice %arg9[%rem3A_1059, %dma_start3A_1828, %dma_start3A_1829] : memref<2x128x32xf32, #tpu.memory_space<vmem>> -> memref<1x8x32xf32, #tpu.memory_space<vmem>>
        %dma_start3A_1831 = tpu.memref_squeeze %dma_start3A_1830 : memref<1x8x32xf32, #tpu.memory_space<vmem>> -> memref<8x32xf32, #tpu.memory_space<vmem>>
        %dma_start3A_1832 = arith.constant 0 : i32
        %dma_start3A_1833 = tpu.memref_slice %arg4[%multiple_of3A_1818, %dma_start3A_1832] : memref<1000000x32xf32, #tpu.memory_space<hbm>> -> memref<8x32xf32, #tpu.memory_space<hbm>>
        tpu.enqueue_dma source(%dma_start3A_1833 : memref<8x32xf32, #tpu.memory_space<hbm>>) target(%dma_start3A_1831 : memref<8x32xf32, #tpu.memory_space<vmem>>) target_semaphore(%arg12 : memref<!tpu.dma_semaphore, #tpu.memory_space<semaphore_mem>>)
        %dma_start3A_1834 = arith.constant 32 : i32
        %dma_start3A_1835 = arith.constant 0 : i32
        %dma_start3A_1836 = tpu.memref_slice %arg10[%rem3A_1059, %dma_start3A_1834, %dma_start3A_1835] : memref<2x128x32xf32, #tpu.memory_space<vmem>> -> memref<1x8x32xf32, #tpu.memory_space<vmem>>
        %dma_start3A_1837 = tpu.memref_squeeze %dma_start3A_1836 : memref<1x8x32xf32, #tpu.memory_space<vmem>> -> memref<8x32xf32, #tpu.memory_space<vmem>>
        %dma_start3A_1838 = arith.constant 0 : i32
        %dma_start3A_1839 = tpu.memref_slice %arg5[%multiple_of3A_1821, %dma_start3A_1838] : memref<1000000x32xf32, #tpu.memory_space<hbm>> -> memref<8x32xf32, #tpu.memory_space<hbm>>
        %dma_start3A_1840 = arith.constant 32 : i32
        %dma_start3A_1841 = arith.constant 0 : i32
        %dma_start3A_1842 = tpu.memref_slice %arg10[%rem3A_1059, %dma_start3A_1840, %dma_start3A_1841] : memref<2x128x32xf32, #tpu.memory_space<vmem>> -> memref<1x8x32xf32, #tpu.memory_space<vmem>>
        %dma_start3A_1843 = tpu.memref_squeeze %dma_start3A_1842 : memref<1x8x32xf32, #tpu.memory_space<vmem>> -> memref<8x32xf32, #tpu.memory_space<vmem>>
        %dma_start3A_1844 = arith.constant 0 : i32
        %dma_start3A_1845 = tpu.memref_slice %arg5[%multiple_of3A_1821, %dma_start3A_1844] : memref<1000000x32xf32, #tpu.memory_space<hbm>> -> memref<8x32xf32, #tpu.memory_space<hbm>>
        tpu.enqueue_dma source(%dma_start3A_1845 : memref<8x32xf32, #tpu.memory_space<hbm>>) target(%dma_start3A_1843 : memref<8x32xf32, #tpu.memory_space<vmem>>) target_semaphore(%arg12 : memref<!tpu.dma_semaphore, #tpu.memory_space<semaphore_mem>>)
        %slice3A_1846 = vector.extract_strided_slice %and3A_1692 {offsets = [5], sizes = [1], strides = [1]} : vector<16xi32> to vector<1xi32>
        %squeeze3A_1847 = vector.extract %slice3A_1846[0] : i32 from vector<1xi32>
        %multiple_of3A_1848 = tpu.assume_multiple %squeeze3A_1847, 8 : i32
        %slice3A_1849 = vector.extract_strided_slice %and3A_1695 {offsets = [5], sizes = [1], strides = [1]} : vector<16xi32> to vector<1xi32>
        %squeeze3A_1850 = vector.extract %slice3A_1849[0] : i32 from vector<1xi32>
        %multiple_of3A_1851 = tpu.assume_multiple %squeeze3A_1850, 8 : i32
        %dma_start3A_1852 = arith.constant 40 : i32
        %dma_start3A_1853 = arith.constant 0 : i32
        %dma_start3A_1854 = tpu.memref_slice %arg9[%rem3A_1059, %dma_start3A_1852, %dma_start3A_1853] : memref<2x128x32xf32, #tpu.memory_space<vmem>> -> memref<1x8x32xf32, #tpu.memory_space<vmem>>
        %dma_start3A_1855 = tpu.memref_squeeze %dma_start3A_1854 : memref<1x8x32xf32, #tpu.memory_space<vmem>> -> memref<8x32xf32, #tpu.memory_space<vmem>>
        %dma_start3A_1856 = arith.constant 0 : i32
        %dma_start3A_1857 = tpu.memref_slice %arg4[%multiple_of3A_1848, %dma_start3A_1856] : memref<1000000x32xf32, #tpu.memory_space<hbm>> -> memref<8x32xf32, #tpu.memory_space<hbm>>
        %dma_start3A_1858 = arith.constant 40 : i32
        %dma_start3A_1859 = arith.constant 0 : i32
        %dma_start3A_1860 = tpu.memref_slice %arg9[%rem3A_1059, %dma_start3A_1858, %dma_start3A_1859] : memref<2x128x32xf32, #tpu.memory_space<vmem>> -> memref<1x8x32xf32, #tpu.memory_space<vmem>>
        %dma_start3A_1861 = tpu.memref_squeeze %dma_start3A_1860 : memref<1x8x32xf32, #tpu.memory_space<vmem>> -> memref<8x32xf32, #tpu.memory_space<vmem>>
        %dma_start3A_1862 = arith.constant 0 : i32
        %dma_start3A_1863 = tpu.memref_slice %arg4[%multiple_of3A_1848, %dma_start3A_1862] : memref<1000000x32xf32, #tpu.memory_space<hbm>> -> memref<8x32xf32, #tpu.memory_space<hbm>>
        tpu.enqueue_dma source(%dma_start3A_1863 : memref<8x32xf32, #tpu.memory_space<hbm>>) target(%dma_start3A_1861 : memref<8x32xf32, #tpu.memory_space<vmem>>) target_semaphore(%arg12 : memref<!tpu.dma_semaphore, #tpu.memory_space<semaphore_mem>>)
        %dma_start3A_1864 = arith.constant 40 : i32
        %dma_start3A_1865 = arith.constant 0 : i32
        %dma_start3A_1866 = tpu.memref_slice %arg10[%rem3A_1059, %dma_start3A_1864, %dma_start3A_1865] : memref<2x128x32xf32, #tpu.memory_space<vmem>> -> memref<1x8x32xf32, #tpu.memory_space<vmem>>
        %dma_start3A_1867 = tpu.memref_squeeze %dma_start3A_1866 : memref<1x8x32xf32, #tpu.memory_space<vmem>> -> memref<8x32xf32, #tpu.memory_space<vmem>>
        %dma_start3A_1868 = arith.constant 0 : i32
        %dma_start3A_1869 = tpu.memref_slice %arg5[%multiple_of3A_1851, %dma_start3A_1868] : memref<1000000x32xf32, #tpu.memory_space<hbm>> -> memref<8x32xf32, #tpu.memory_space<hbm>>
        %dma_start3A_1870 = arith.constant 40 : i32
        %dma_start3A_1871 = arith.constant 0 : i32
        %dma_start3A_1872 = tpu.memref_slice %arg10[%rem3A_1059, %dma_start3A_1870, %dma_start3A_1871] : memref<2x128x32xf32, #tpu.memory_space<vmem>> -> memref<1x8x32xf32, #tpu.memory_space<vmem>>
        %dma_start3A_1873 = tpu.memref_squeeze %dma_start3A_1872 : memref<1x8x32xf32, #tpu.memory_space<vmem>> -> memref<8x32xf32, #tpu.memory_space<vmem>>
        %dma_start3A_1874 = arith.constant 0 : i32
        %dma_start3A_1875 = tpu.memref_slice %arg5[%multiple_of3A_1851, %dma_start3A_1874] : memref<1000000x32xf32, #tpu.memory_space<hbm>> -> memref<8x32xf32, #tpu.memory_space<hbm>>
        tpu.enqueue_dma source(%dma_start3A_1875 : memref<8x32xf32, #tpu.memory_space<hbm>>) target(%dma_start3A_1873 : memref<8x32xf32, #tpu.memory_space<vmem>>) target_semaphore(%arg12 : memref<!tpu.dma_semaphore, #tpu.memory_space<semaphore_mem>>)
        %slice3A_1876 = vector.extract_strided_slice %and3A_1692 {offsets = [6], sizes = [1], strides = [1]} : vector<16xi32> to vector<1xi32>
        %squeeze3A_1877 = vector.extract %slice3A_1876[0] : i32 from vector<1xi32>
        %multiple_of3A_1878 = tpu.assume_multiple %squeeze3A_1877, 8 : i32
        %slice3A_1879 = vector.extract_strided_slice %and3A_1695 {offsets = [6], sizes = [1], strides = [1]} : vector<16xi32> to vector<1xi32>
        %squeeze3A_1880 = vector.extract %slice3A_1879[0] : i32 from vector<1xi32>
        %multiple_of3A_1881 = tpu.assume_multiple %squeeze3A_1880, 8 : i32
        %dma_start3A_1882 = arith.constant 48 : i32
        %dma_start3A_1883 = arith.constant 0 : i32
        %dma_start3A_1884 = tpu.memref_slice %arg9[%rem3A_1059, %dma_start3A_1882, %dma_start3A_1883] : memref<2x128x32xf32, #tpu.memory_space<vmem>> -> memref<1x8x32xf32, #tpu.memory_space<vmem>>
        %dma_start3A_1885 = tpu.memref_squeeze %dma_start3A_1884 : memref<1x8x32xf32, #tpu.memory_space<vmem>> -> memref<8x32xf32, #tpu.memory_space<vmem>>
        %dma_start3A_1886 = arith.constant 0 : i32
        %dma_start3A_1887 = tpu.memref_slice %arg4[%multiple_of3A_1878, %dma_start3A_1886] : memref<1000000x32xf32, #tpu.memory_space<hbm>> -> memref<8x32xf32, #tpu.memory_space<hbm>>
        %dma_start3A_1888 = arith.constant 48 : i32
        %dma_start3A_1889 = arith.constant 0 : i32
        %dma_start3A_1890 = tpu.memref_slice %arg9[%rem3A_1059, %dma_start3A_1888, %dma_start3A_1889] : memref<2x128x32xf32, #tpu.memory_space<vmem>> -> memref<1x8x32xf32, #tpu.memory_space<vmem>>
        %dma_start3A_1891 = tpu.memref_squeeze %dma_start3A_1890 : memref<1x8x32xf32, #tpu.memory_space<vmem>> -> memref<8x32xf32, #tpu.memory_space<vmem>>
        %dma_start3A_1892 = arith.constant 0 : i32
        %dma_start3A_1893 = tpu.memref_slice %arg4[%multiple_of3A_1878, %dma_start3A_1892] : memref<1000000x32xf32, #tpu.memory_space<hbm>> -> memref<8x32xf32, #tpu.memory_space<hbm>>
        tpu.enqueue_dma source(%dma_start3A_1893 : memref<8x32xf32, #tpu.memory_space<hbm>>) target(%dma_start3A_1891 : memref<8x32xf32, #tpu.memory_space<vmem>>) target_semaphore(%arg12 : memref<!tpu.dma_semaphore, #tpu.memory_space<semaphore_mem>>)
        %dma_start3A_1894 = arith.constant 48 : i32
        %dma_start3A_1895 = arith.constant 0 : i32
        %dma_start3A_1896 = tpu.memref_slice %arg10[%rem3A_1059, %dma_start3A_1894, %dma_start3A_1895] : memref<2x128x32xf32, #tpu.memory_space<vmem>> -> memref<1x8x32xf32, #tpu.memory_space<vmem>>
        %dma_start3A_1897 = tpu.memref_squeeze %dma_start3A_1896 : memref<1x8x32xf32, #tpu.memory_space<vmem>> -> memref<8x32xf32, #tpu.memory_space<vmem>>
        %dma_start3A_1898 = arith.constant 0 : i32
        %dma_start3A_1899 = tpu.memref_slice %arg5[%multiple_of3A_1881, %dma_start3A_1898] : memref<1000000x32xf32, #tpu.memory_space<hbm>> -> memref<8x32xf32, #tpu.memory_space<hbm>>
        %dma_start3A_1900 = arith.constant 48 : i32
        %dma_start3A_1901 = arith.constant 0 : i32
        %dma_start3A_1902 = tpu.memref_slice %arg10[%rem3A_1059, %dma_start3A_1900, %dma_start3A_1901] : memref<2x128x32xf32, #tpu.memory_space<vmem>> -> memref<1x8x32xf32, #tpu.memory_space<vmem>>
        %dma_start3A_1903 = tpu.memref_squeeze %dma_start3A_1902 : memref<1x8x32xf32, #tpu.memory_space<vmem>> -> memref<8x32xf32, #tpu.memory_space<vmem>>
        %dma_start3A_1904 = arith.constant 0 : i32
        %dma_start3A_1905 = tpu.memref_slice %arg5[%multiple_of3A_1881, %dma_start3A_1904] : memref<1000000x32xf32, #tpu.memory_space<hbm>> -> memref<8x32xf32, #tpu.memory_space<hbm>>
        tpu.enqueue_dma source(%dma_start3A_1905 : memref<8x32xf32, #tpu.memory_space<hbm>>) target(%dma_start3A_1903 : memref<8x32xf32, #tpu.memory_space<vmem>>) target_semaphore(%arg12 : memref<!tpu.dma_semaphore, #tpu.memory_space<semaphore_mem>>)
        %slice3A_1906 = vector.extract_strided_slice %and3A_1692 {offsets = [7], sizes = [1], strides = [1]} : vector<16xi32> to vector<1xi32>
        %squeeze3A_1907 = vector.extract %slice3A_1906[0] : i32 from vector<1xi32>
        %multiple_of3A_1908 = tpu.assume_multiple %squeeze3A_1907, 8 : i32
        %slice3A_1909 = vector.extract_strided_slice %and3A_1695 {offsets = [7], sizes = [1], strides = [1]} : vector<16xi32> to vector<1xi32>
        %squeeze3A_1910 = vector.extract %slice3A_1909[0] : i32 from vector<1xi32>
        %multiple_of3A_1911 = tpu.assume_multiple %squeeze3A_1910, 8 : i32
        %dma_start3A_1912 = arith.constant 56 : i32
        %dma_start3A_1913 = arith.constant 0 : i32
        %dma_start3A_1914 = tpu.memref_slice %arg9[%rem3A_1059, %dma_start3A_1912, %dma_start3A_1913] : memref<2x128x32xf32, #tpu.memory_space<vmem>> -> memref<1x8x32xf32, #tpu.memory_space<vmem>>
        %dma_start3A_1915 = tpu.memref_squeeze %dma_start3A_1914 : memref<1x8x32xf32, #tpu.memory_space<vmem>> -> memref<8x32xf32, #tpu.memory_space<vmem>>
        %dma_start3A_1916 = arith.constant 0 : i32
        %dma_start3A_1917 = tpu.memref_slice %arg4[%multiple_of3A_1908, %dma_start3A_1916] : memref<1000000x32xf32, #tpu.memory_space<hbm>> -> memref<8x32xf32, #tpu.memory_space<hbm>>
        %dma_start3A_1918 = arith.constant 56 : i32
        %dma_start3A_1919 = arith.constant 0 : i32
        %dma_start3A_1920 = tpu.memref_slice %arg9[%rem3A_1059, %dma_start3A_1918, %dma_start3A_1919] : memref<2x128x32xf32, #tpu.memory_space<vmem>> -> memref<1x8x32xf32, #tpu.memory_space<vmem>>
        %dma_start3A_1921 = tpu.memref_squeeze %dma_start3A_1920 : memref<1x8x32xf32, #tpu.memory_space<vmem>> -> memref<8x32xf32, #tpu.memory_space<vmem>>
        %dma_start3A_1922 = arith.constant 0 : i32
        %dma_start3A_1923 = tpu.memref_slice %arg4[%multiple_of3A_1908, %dma_start3A_1922] : memref<1000000x32xf32, #tpu.memory_space<hbm>> -> memref<8x32xf32, #tpu.memory_space<hbm>>
        tpu.enqueue_dma source(%dma_start3A_1923 : memref<8x32xf32, #tpu.memory_space<hbm>>) target(%dma_start3A_1921 : memref<8x32xf32, #tpu.memory_space<vmem>>) target_semaphore(%arg12 : memref<!tpu.dma_semaphore, #tpu.memory_space<semaphore_mem>>)
        %dma_start3A_1924 = arith.constant 56 : i32
        %dma_start3A_1925 = arith.constant 0 : i32
        %dma_start3A_1926 = tpu.memref_slice %arg10[%rem3A_1059, %dma_start3A_1924, %dma_start3A_1925] : memref<2x128x32xf32, #tpu.memory_space<vmem>> -> memref<1x8x32xf32, #tpu.memory_space<vmem>>
        %dma_start3A_1927 = tpu.memref_squeeze %dma_start3A_1926 : memref<1x8x32xf32, #tpu.memory_space<vmem>> -> memref<8x32xf32, #tpu.memory_space<vmem>>
        %dma_start3A_1928 = arith.constant 0 : i32
        %dma_start3A_1929 = tpu.memref_slice %arg5[%multiple_of3A_1911, %dma_start3A_1928] : memref<1000000x32xf32, #tpu.memory_space<hbm>> -> memref<8x32xf32, #tpu.memory_space<hbm>>
        %dma_start3A_1930 = arith.constant 56 : i32
        %dma_start3A_1931 = arith.constant 0 : i32
        %dma_start3A_1932 = tpu.memref_slice %arg10[%rem3A_1059, %dma_start3A_1930, %dma_start3A_1931] : memref<2x128x32xf32, #tpu.memory_space<vmem>> -> memref<1x8x32xf32, #tpu.memory_space<vmem>>
        %dma_start3A_1933 = tpu.memref_squeeze %dma_start3A_1932 : memref<1x8x32xf32, #tpu.memory_space<vmem>> -> memref<8x32xf32, #tpu.memory_space<vmem>>
        %dma_start3A_1934 = arith.constant 0 : i32
        %dma_start3A_1935 = tpu.memref_slice %arg5[%multiple_of3A_1911, %dma_start3A_1934] : memref<1000000x32xf32, #tpu.memory_space<hbm>> -> memref<8x32xf32, #tpu.memory_space<hbm>>
        tpu.enqueue_dma source(%dma_start3A_1935 : memref<8x32xf32, #tpu.memory_space<hbm>>) target(%dma_start3A_1933 : memref<8x32xf32, #tpu.memory_space<vmem>>) target_semaphore(%arg12 : memref<!tpu.dma_semaphore, #tpu.memory_space<semaphore_mem>>)
        %slice3A_1936 = vector.extract_strided_slice %and3A_1692 {offsets = [8], sizes = [1], strides = [1]} : vector<16xi32> to vector<1xi32>
        %squeeze3A_1937 = vector.extract %slice3A_1936[0] : i32 from vector<1xi32>
        %multiple_of3A_1938 = tpu.assume_multiple %squeeze3A_1937, 8 : i32
        %slice3A_1939 = vector.extract_strided_slice %and3A_1695 {offsets = [8], sizes = [1], strides = [1]} : vector<16xi32> to vector<1xi32>
        %squeeze3A_1940 = vector.extract %slice3A_1939[0] : i32 from vector<1xi32>
        %multiple_of3A_1941 = tpu.assume_multiple %squeeze3A_1940, 8 : i32
        %dma_start3A_1942 = arith.constant 64 : i32
        %dma_start3A_1943 = arith.constant 0 : i32
        %dma_start3A_1944 = tpu.memref_slice %arg9[%rem3A_1059, %dma_start3A_1942, %dma_start3A_1943] : memref<2x128x32xf32, #tpu.memory_space<vmem>> -> memref<1x8x32xf32, #tpu.memory_space<vmem>>
        %dma_start3A_1945 = tpu.memref_squeeze %dma_start3A_1944 : memref<1x8x32xf32, #tpu.memory_space<vmem>> -> memref<8x32xf32, #tpu.memory_space<vmem>>
        %dma_start3A_1946 = arith.constant 0 : i32
        %dma_start3A_1947 = tpu.memref_slice %arg4[%multiple_of3A_1938, %dma_start3A_1946] : memref<1000000x32xf32, #tpu.memory_space<hbm>> -> memref<8x32xf32, #tpu.memory_space<hbm>>
        %dma_start3A_1948 = arith.constant 64 : i32
        %dma_start3A_1949 = arith.constant 0 : i32
        %dma_start3A_1950 = tpu.memref_slice %arg9[%rem3A_1059, %dma_start3A_1948, %dma_start3A_1949] : memref<2x128x32xf32, #tpu.memory_space<vmem>> -> memref<1x8x32xf32, #tpu.memory_space<vmem>>
        %dma_start3A_1951 = tpu.memref_squeeze %dma_start3A_1950 : memref<1x8x32xf32, #tpu.memory_space<vmem>> -> memref<8x32xf32, #tpu.memory_space<vmem>>
        %dma_start3A_1952 = arith.constant 0 : i32
        %dma_start3A_1953 = tpu.memref_slice %arg4[%multiple_of3A_1938, %dma_start3A_1952] : memref<1000000x32xf32, #tpu.memory_space<hbm>> -> memref<8x32xf32, #tpu.memory_space<hbm>>
        tpu.enqueue_dma source(%dma_start3A_1953 : memref<8x32xf32, #tpu.memory_space<hbm>>) target(%dma_start3A_1951 : memref<8x32xf32, #tpu.memory_space<vmem>>) target_semaphore(%arg12 : memref<!tpu.dma_semaphore, #tpu.memory_space<semaphore_mem>>)
        %dma_start3A_1954 = arith.constant 64 : i32
        %dma_start3A_1955 = arith.constant 0 : i32
        %dma_start3A_1956 = tpu.memref_slice %arg10[%rem3A_1059, %dma_start3A_1954, %dma_start3A_1955] : memref<2x128x32xf32, #tpu.memory_space<vmem>> -> memref<1x8x32xf32, #tpu.memory_space<vmem>>
        %dma_start3A_1957 = tpu.memref_squeeze %dma_start3A_1956 : memref<1x8x32xf32, #tpu.memory_space<vmem>> -> memref<8x32xf32, #tpu.memory_space<vmem>>
        %dma_start3A_1958 = arith.constant 0 : i32
        %dma_start3A_1959 = tpu.memref_slice %arg5[%multiple_of3A_1941, %dma_start3A_1958] : memref<1000000x32xf32, #tpu.memory_space<hbm>> -> memref<8x32xf32, #tpu.memory_space<hbm>>
        %dma_start3A_1960 = arith.constant 64 : i32
        %dma_start3A_1961 = arith.constant 0 : i32
        %dma_start3A_1962 = tpu.memref_slice %arg10[%rem3A_1059, %dma_start3A_1960, %dma_start3A_1961] : memref<2x128x32xf32, #tpu.memory_space<vmem>> -> memref<1x8x32xf32, #tpu.memory_space<vmem>>
        %dma_start3A_1963 = tpu.memref_squeeze %dma_start3A_1962 : memref<1x8x32xf32, #tpu.memory_space<vmem>> -> memref<8x32xf32, #tpu.memory_space<vmem>>
        %dma_start3A_1964 = arith.constant 0 : i32
        %dma_start3A_1965 = tpu.memref_slice %arg5[%multiple_of3A_1941, %dma_start3A_1964] : memref<1000000x32xf32, #tpu.memory_space<hbm>> -> memref<8x32xf32, #tpu.memory_space<hbm>>
        tpu.enqueue_dma source(%dma_start3A_1965 : memref<8x32xf32, #tpu.memory_space<hbm>>) target(%dma_start3A_1963 : memref<8x32xf32, #tpu.memory_space<vmem>>) target_semaphore(%arg12 : memref<!tpu.dma_semaphore, #tpu.memory_space<semaphore_mem>>)
        %slice3A_1966 = vector.extract_strided_slice %and3A_1692 {offsets = [9], sizes = [1], strides = [1]} : vector<16xi32> to vector<1xi32>
        %squeeze3A_1967 = vector.extract %slice3A_1966[0] : i32 from vector<1xi32>
        %multiple_of3A_1968 = tpu.assume_multiple %squeeze3A_1967, 8 : i32
        %slice3A_1969 = vector.extract_strided_slice %and3A_1695 {offsets = [9], sizes = [1], strides = [1]} : vector<16xi32> to vector<1xi32>
        %squeeze3A_1970 = vector.extract %slice3A_1969[0] : i32 from vector<1xi32>
        %multiple_of3A_1971 = tpu.assume_multiple %squeeze3A_1970, 8 : i32
        %dma_start3A_1972 = arith.constant 72 : i32
        %dma_start3A_1973 = arith.constant 0 : i32
        %dma_start3A_1974 = tpu.memref_slice %arg9[%rem3A_1059, %dma_start3A_1972, %dma_start3A_1973] : memref<2x128x32xf32, #tpu.memory_space<vmem>> -> memref<1x8x32xf32, #tpu.memory_space<vmem>>
        %dma_start3A_1975 = tpu.memref_squeeze %dma_start3A_1974 : memref<1x8x32xf32, #tpu.memory_space<vmem>> -> memref<8x32xf32, #tpu.memory_space<vmem>>
        %dma_start3A_1976 = arith.constant 0 : i32
        %dma_start3A_1977 = tpu.memref_slice %arg4[%multiple_of3A_1968, %dma_start3A_1976] : memref<1000000x32xf32, #tpu.memory_space<hbm>> -> memref<8x32xf32, #tpu.memory_space<hbm>>
        %dma_start3A_1978 = arith.constant 72 : i32
        %dma_start3A_1979 = arith.constant 0 : i32
        %dma_start3A_1980 = tpu.memref_slice %arg9[%rem3A_1059, %dma_start3A_1978, %dma_start3A_1979] : memref<2x128x32xf32, #tpu.memory_space<vmem>> -> memref<1x8x32xf32, #tpu.memory_space<vmem>>
        %dma_start3A_1981 = tpu.memref_squeeze %dma_start3A_1980 : memref<1x8x32xf32, #tpu.memory_space<vmem>> -> memref<8x32xf32, #tpu.memory_space<vmem>>
        %dma_start3A_1982 = arith.constant 0 : i32
        %dma_start3A_1983 = tpu.memref_slice %arg4[%multiple_of3A_1968, %dma_start3A_1982] : memref<1000000x32xf32, #tpu.memory_space<hbm>> -> memref<8x32xf32, #tpu.memory_space<hbm>>
        tpu.enqueue_dma source(%dma_start3A_1983 : memref<8x32xf32, #tpu.memory_space<hbm>>) target(%dma_start3A_1981 : memref<8x32xf32, #tpu.memory_space<vmem>>) target_semaphore(%arg12 : memref<!tpu.dma_semaphore, #tpu.memory_space<semaphore_mem>>)
        %dma_start3A_1984 = arith.constant 72 : i32
        %dma_start3A_1985 = arith.constant 0 : i32
        %dma_start3A_1986 = tpu.memref_slice %arg10[%rem3A_1059, %dma_start3A_1984, %dma_start3A_1985] : memref<2x128x32xf32, #tpu.memory_space<vmem>> -> memref<1x8x32xf32, #tpu.memory_space<vmem>>
        %dma_start3A_1987 = tpu.memref_squeeze %dma_start3A_1986 : memref<1x8x32xf32, #tpu.memory_space<vmem>> -> memref<8x32xf32, #tpu.memory_space<vmem>>
        %dma_start3A_1988 = arith.constant 0 : i32
        %dma_start3A_1989 = tpu.memref_slice %arg5[%multiple_of3A_1971, %dma_start3A_1988] : memref<1000000x32xf32, #tpu.memory_space<hbm>> -> memref<8x32xf32, #tpu.memory_space<hbm>>
        %dma_start3A_1990 = arith.constant 72 : i32
        %dma_start3A_1991 = arith.constant 0 : i32
        %dma_start3A_1992 = tpu.memref_slice %arg10[%rem3A_1059, %dma_start3A_1990, %dma_start3A_1991] : memref<2x128x32xf32, #tpu.memory_space<vmem>> -> memref<1x8x32xf32, #tpu.memory_space<vmem>>
        %dma_start3A_1993 = tpu.memref_squeeze %dma_start3A_1992 : memref<1x8x32xf32, #tpu.memory_space<vmem>> -> memref<8x32xf32, #tpu.memory_space<vmem>>
        %dma_start3A_1994 = arith.constant 0 : i32
        %dma_start3A_1995 = tpu.memref_slice %arg5[%multiple_of3A_1971, %dma_start3A_1994] : memref<1000000x32xf32, #tpu.memory_space<hbm>> -> memref<8x32xf32, #tpu.memory_space<hbm>>
        tpu.enqueue_dma source(%dma_start3A_1995 : memref<8x32xf32, #tpu.memory_space<hbm>>) target(%dma_start3A_1993 : memref<8x32xf32, #tpu.memory_space<vmem>>) target_semaphore(%arg12 : memref<!tpu.dma_semaphore, #tpu.memory_space<semaphore_mem>>)
        %slice3A_1996 = vector.extract_strided_slice %and3A_1692 {offsets = [10], sizes = [1], strides = [1]} : vector<16xi32> to vector<1xi32>
        %squeeze3A_1997 = vector.extract %slice3A_1996[0] : i32 from vector<1xi32>
        %multiple_of3A_1998 = tpu.assume_multiple %squeeze3A_1997, 8 : i32
        %slice3A_1999 = vector.extract_strided_slice %and3A_1695 {offsets = [10], sizes = [1], strides = [1]} : vector<16xi32> to vector<1xi32>
        %squeeze3A_2000 = vector.extract %slice3A_1999[0] : i32 from vector<1xi32>
        %multiple_of3A_2001 = tpu.assume_multiple %squeeze3A_2000, 8 : i32
        %dma_start3A_2002 = arith.constant 80 : i32
        %dma_start3A_2003 = arith.constant 0 : i32
        %dma_start3A_2004 = tpu.memref_slice %arg9[%rem3A_1059, %dma_start3A_2002, %dma_start3A_2003] : memref<2x128x32xf32, #tpu.memory_space<vmem>> -> memref<1x8x32xf32, #tpu.memory_space<vmem>>
        %dma_start3A_2005 = tpu.memref_squeeze %dma_start3A_2004 : memref<1x8x32xf32, #tpu.memory_space<vmem>> -> memref<8x32xf32, #tpu.memory_space<vmem>>
        %dma_start3A_2006 = arith.constant 0 : i32
        %dma_start3A_2007 = tpu.memref_slice %arg4[%multiple_of3A_1998, %dma_start3A_2006] : memref<1000000x32xf32, #tpu.memory_space<hbm>> -> memref<8x32xf32, #tpu.memory_space<hbm>>
        %dma_start3A_2008 = arith.constant 80 : i32
        %dma_start3A_2009 = arith.constant 0 : i32
        %dma_start3A_2010 = tpu.memref_slice %arg9[%rem3A_1059, %dma_start3A_2008, %dma_start3A_2009] : memref<2x128x32xf32, #tpu.memory_space<vmem>> -> memref<1x8x32xf32, #tpu.memory_space<vmem>>
        %dma_start3A_2011 = tpu.memref_squeeze %dma_start3A_2010 : memref<1x8x32xf32, #tpu.memory_space<vmem>> -> memref<8x32xf32, #tpu.memory_space<vmem>>
        %dma_start3A_2012 = arith.constant 0 : i32
        %dma_start3A_2013 = tpu.memref_slice %arg4[%multiple_of3A_1998, %dma_start3A_2012] : memref<1000000x32xf32, #tpu.memory_space<hbm>> -> memref<8x32xf32, #tpu.memory_space<hbm>>
        tpu.enqueue_dma source(%dma_start3A_2013 : memref<8x32xf32, #tpu.memory_space<hbm>>) target(%dma_start3A_2011 : memref<8x32xf32, #tpu.memory_space<vmem>>) target_semaphore(%arg12 : memref<!tpu.dma_semaphore, #tpu.memory_space<semaphore_mem>>)
        %dma_start3A_2014 = arith.constant 80 : i32
        %dma_start3A_2015 = arith.constant 0 : i32
        %dma_start3A_2016 = tpu.memref_slice %arg10[%rem3A_1059, %dma_start3A_2014, %dma_start3A_2015] : memref<2x128x32xf32, #tpu.memory_space<vmem>> -> memref<1x8x32xf32, #tpu.memory_space<vmem>>
        %dma_start3A_2017 = tpu.memref_squeeze %dma_start3A_2016 : memref<1x8x32xf32, #tpu.memory_space<vmem>> -> memref<8x32xf32, #tpu.memory_space<vmem>>
        %dma_start3A_2018 = arith.constant 0 : i32
        %dma_start3A_2019 = tpu.memref_slice %arg5[%multiple_of3A_2001, %dma_start3A_2018] : memref<1000000x32xf32, #tpu.memory_space<hbm>> -> memref<8x32xf32, #tpu.memory_space<hbm>>
        %dma_start3A_2020 = arith.constant 80 : i32
        %dma_start3A_2021 = arith.constant 0 : i32
        %dma_start3A_2022 = tpu.memref_slice %arg10[%rem3A_1059, %dma_start3A_2020, %dma_start3A_2021] : memref<2x128x32xf32, #tpu.memory_space<vmem>> -> memref<1x8x32xf32, #tpu.memory_space<vmem>>
        %dma_start3A_2023 = tpu.memref_squeeze %dma_start3A_2022 : memref<1x8x32xf32, #tpu.memory_space<vmem>> -> memref<8x32xf32, #tpu.memory_space<vmem>>
        %dma_start3A_2024 = arith.constant 0 : i32
        %dma_start3A_2025 = tpu.memref_slice %arg5[%multiple_of3A_2001, %dma_start3A_2024] : memref<1000000x32xf32, #tpu.memory_space<hbm>> -> memref<8x32xf32, #tpu.memory_space<hbm>>
        tpu.enqueue_dma source(%dma_start3A_2025 : memref<8x32xf32, #tpu.memory_space<hbm>>) target(%dma_start3A_2023 : memref<8x32xf32, #tpu.memory_space<vmem>>) target_semaphore(%arg12 : memref<!tpu.dma_semaphore, #tpu.memory_space<semaphore_mem>>)
        %slice3A_2026 = vector.extract_strided_slice %and3A_1692 {offsets = [11], sizes = [1], strides = [1]} : vector<16xi32> to vector<1xi32>
        %squeeze3A_2027 = vector.extract %slice3A_2026[0] : i32 from vector<1xi32>
        %multiple_of3A_2028 = tpu.assume_multiple %squeeze3A_2027, 8 : i32
        %slice3A_2029 = vector.extract_strided_slice %and3A_1695 {offsets = [11], sizes = [1], strides = [1]} : vector<16xi32> to vector<1xi32>
        %squeeze3A_2030 = vector.extract %slice3A_2029[0] : i32 from vector<1xi32>
        %multiple_of3A_2031 = tpu.assume_multiple %squeeze3A_2030, 8 : i32
        %dma_start3A_2032 = arith.constant 88 : i32
        %dma_start3A_2033 = arith.constant 0 : i32
        %dma_start3A_2034 = tpu.memref_slice %arg9[%rem3A_1059, %dma_start3A_2032, %dma_start3A_2033] : memref<2x128x32xf32, #tpu.memory_space<vmem>> -> memref<1x8x32xf32, #tpu.memory_space<vmem>>
        %dma_start3A_2035 = tpu.memref_squeeze %dma_start3A_2034 : memref<1x8x32xf32, #tpu.memory_space<vmem>> -> memref<8x32xf32, #tpu.memory_space<vmem>>
        %dma_start3A_2036 = arith.constant 0 : i32
        %dma_start3A_2037 = tpu.memref_slice %arg4[%multiple_of3A_2028, %dma_start3A_2036] : memref<1000000x32xf32, #tpu.memory_space<hbm>> -> memref<8x32xf32, #tpu.memory_space<hbm>>
        %dma_start3A_2038 = arith.constant 88 : i32
        %dma_start3A_2039 = arith.constant 0 : i32
        %dma_start3A_2040 = tpu.memref_slice %arg9[%rem3A_1059, %dma_start3A_2038, %dma_start3A_2039] : memref<2x128x32xf32, #tpu.memory_space<vmem>> -> memref<1x8x32xf32, #tpu.memory_space<vmem>>
        %dma_start3A_2041 = tpu.memref_squeeze %dma_start3A_2040 : memref<1x8x32xf32, #tpu.memory_space<vmem>> -> memref<8x32xf32, #tpu.memory_space<vmem>>
        %dma_start3A_2042 = arith.constant 0 : i32
        %dma_start3A_2043 = tpu.memref_slice %arg4[%multiple_of3A_2028, %dma_start3A_2042] : memref<1000000x32xf32, #tpu.memory_space<hbm>> -> memref<8x32xf32, #tpu.memory_space<hbm>>
        tpu.enqueue_dma source(%dma_start3A_2043 : memref<8x32xf32, #tpu.memory_space<hbm>>) target(%dma_start3A_2041 : memref<8x32xf32, #tpu.memory_space<vmem>>) target_semaphore(%arg12 : memref<!tpu.dma_semaphore, #tpu.memory_space<semaphore_mem>>)
        %dma_start3A_2044 = arith.constant 88 : i32
        %dma_start3A_2045 = arith.constant 0 : i32
        %dma_start3A_2046 = tpu.memref_slice %arg10[%rem3A_1059, %dma_start3A_2044, %dma_start3A_2045] : memref<2x128x32xf32, #tpu.memory_space<vmem>> -> memref<1x8x32xf32, #tpu.memory_space<vmem>>
        %dma_start3A_2047 = tpu.memref_squeeze %dma_start3A_2046 : memref<1x8x32xf32, #tpu.memory_space<vmem>> -> memref<8x32xf32, #tpu.memory_space<vmem>>
        %dma_start3A_2048 = arith.constant 0 : i32
        %dma_start3A_2049 = tpu.memref_slice %arg5[%multiple_of3A_2031, %dma_start3A_2048] : memref<1000000x32xf32, #tpu.memory_space<hbm>> -> memref<8x32xf32, #tpu.memory_space<hbm>>
        %dma_start3A_2050 = arith.constant 88 : i32
        %dma_start3A_2051 = arith.constant 0 : i32
        %dma_start3A_2052 = tpu.memref_slice %arg10[%rem3A_1059, %dma_start3A_2050, %dma_start3A_2051] : memref<2x128x32xf32, #tpu.memory_space<vmem>> -> memref<1x8x32xf32, #tpu.memory_space<vmem>>
        %dma_start3A_2053 = tpu.memref_squeeze %dma_start3A_2052 : memref<1x8x32xf32, #tpu.memory_space<vmem>> -> memref<8x32xf32, #tpu.memory_space<vmem>>
        %dma_start3A_2054 = arith.constant 0 : i32
        %dma_start3A_2055 = tpu.memref_slice %arg5[%multiple_of3A_2031, %dma_start3A_2054] : memref<1000000x32xf32, #tpu.memory_space<hbm>> -> memref<8x32xf32, #tpu.memory_space<hbm>>
        tpu.enqueue_dma source(%dma_start3A_2055 : memref<8x32xf32, #tpu.memory_space<hbm>>) target(%dma_start3A_2053 : memref<8x32xf32, #tpu.memory_space<vmem>>) target_semaphore(%arg12 : memref<!tpu.dma_semaphore, #tpu.memory_space<semaphore_mem>>)
        %slice3A_2056 = vector.extract_strided_slice %and3A_1692 {offsets = [12], sizes = [1], strides = [1]} : vector<16xi32> to vector<1xi32>
        %squeeze3A_2057 = vector.extract %slice3A_2056[0] : i32 from vector<1xi32>
        %multiple_of3A_2058 = tpu.assume_multiple %squeeze3A_2057, 8 : i32
        %slice3A_2059 = vector.extract_strided_slice %and3A_1695 {offsets = [12], sizes = [1], strides = [1]} : vector<16xi32> to vector<1xi32>
        %squeeze3A_2060 = vector.extract %slice3A_2059[0] : i32 from vector<1xi32>
        %multiple_of3A_2061 = tpu.assume_multiple %squeeze3A_2060, 8 : i32
        %dma_start3A_2062 = arith.constant 96 : i32
        %dma_start3A_2063 = arith.constant 0 : i32
        %dma_start3A_2064 = tpu.memref_slice %arg9[%rem3A_1059, %dma_start3A_2062, %dma_start3A_2063] : memref<2x128x32xf32, #tpu.memory_space<vmem>> -> memref<1x8x32xf32, #tpu.memory_space<vmem>>
        %dma_start3A_2065 = tpu.memref_squeeze %dma_start3A_2064 : memref<1x8x32xf32, #tpu.memory_space<vmem>> -> memref<8x32xf32, #tpu.memory_space<vmem>>
        %dma_start3A_2066 = arith.constant 0 : i32
        %dma_start3A_2067 = tpu.memref_slice %arg4[%multiple_of3A_2058, %dma_start3A_2066] : memref<1000000x32xf32, #tpu.memory_space<hbm>> -> memref<8x32xf32, #tpu.memory_space<hbm>>
        %dma_start3A_2068 = arith.constant 96 : i32
        %dma_start3A_2069 = arith.constant 0 : i32
        %dma_start3A_2070 = tpu.memref_slice %arg9[%rem3A_1059, %dma_start3A_2068, %dma_start3A_2069] : memref<2x128x32xf32, #tpu.memory_space<vmem>> -> memref<1x8x32xf32, #tpu.memory_space<vmem>>
        %dma_start3A_2071 = tpu.memref_squeeze %dma_start3A_2070 : memref<1x8x32xf32, #tpu.memory_space<vmem>> -> memref<8x32xf32, #tpu.memory_space<vmem>>
        %dma_start3A_2072 = arith.constant 0 : i32
        %dma_start3A_2073 = tpu.memref_slice %arg4[%multiple_of3A_2058, %dma_start3A_2072] : memref<1000000x32xf32, #tpu.memory_space<hbm>> -> memref<8x32xf32, #tpu.memory_space<hbm>>
        tpu.enqueue_dma source(%dma_start3A_2073 : memref<8x32xf32, #tpu.memory_space<hbm>>) target(%dma_start3A_2071 : memref<8x32xf32, #tpu.memory_space<vmem>>) target_semaphore(%arg12 : memref<!tpu.dma_semaphore, #tpu.memory_space<semaphore_mem>>)
        %dma_start3A_2074 = arith.constant 96 : i32
        %dma_start3A_2075 = arith.constant 0 : i32
        %dma_start3A_2076 = tpu.memref_slice %arg10[%rem3A_1059, %dma_start3A_2074, %dma_start3A_2075] : memref<2x128x32xf32, #tpu.memory_space<vmem>> -> memref<1x8x32xf32, #tpu.memory_space<vmem>>
        %dma_start3A_2077 = tpu.memref_squeeze %dma_start3A_2076 : memref<1x8x32xf32, #tpu.memory_space<vmem>> -> memref<8x32xf32, #tpu.memory_space<vmem>>
        %dma_start3A_2078 = arith.constant 0 : i32
        %dma_start3A_2079 = tpu.memref_slice %arg5[%multiple_of3A_2061, %dma_start3A_2078] : memref<1000000x32xf32, #tpu.memory_space<hbm>> -> memref<8x32xf32, #tpu.memory_space<hbm>>
        %dma_start3A_2080 = arith.constant 96 : i32
        %dma_start3A_2081 = arith.constant 0 : i32
        %dma_start3A_2082 = tpu.memref_slice %arg10[%rem3A_1059, %dma_start3A_2080, %dma_start3A_2081] : memref<2x128x32xf32, #tpu.memory_space<vmem>> -> memref<1x8x32xf32, #tpu.memory_space<vmem>>
        %dma_start3A_2083 = tpu.memref_squeeze %dma_start3A_2082 : memref<1x8x32xf32, #tpu.memory_space<vmem>> -> memref<8x32xf32, #tpu.memory_space<vmem>>
        %dma_start3A_2084 = arith.constant 0 : i32
        %dma_start3A_2085 = tpu.memref_slice %arg5[%multiple_of3A_2061, %dma_start3A_2084] : memref<1000000x32xf32, #tpu.memory_space<hbm>> -> memref<8x32xf32, #tpu.memory_space<hbm>>
        tpu.enqueue_dma source(%dma_start3A_2085 : memref<8x32xf32, #tpu.memory_space<hbm>>) target(%dma_start3A_2083 : memref<8x32xf32, #tpu.memory_space<vmem>>) target_semaphore(%arg12 : memref<!tpu.dma_semaphore, #tpu.memory_space<semaphore_mem>>)
        %slice3A_2086 = vector.extract_strided_slice %and3A_1692 {offsets = [13], sizes = [1], strides = [1]} : vector<16xi32> to vector<1xi32>
        %squeeze3A_2087 = vector.extract %slice3A_2086[0] : i32 from vector<1xi32>
        %multiple_of3A_2088 = tpu.assume_multiple %squeeze3A_2087, 8 : i32
        %slice3A_2089 = vector.extract_strided_slice %and3A_1695 {offsets = [13], sizes = [1], strides = [1]} : vector<16xi32> to vector<1xi32>
        %squeeze3A_2090 = vector.extract %slice3A_2089[0] : i32 from vector<1xi32>
        %multiple_of3A_2091 = tpu.assume_multiple %squeeze3A_2090, 8 : i32
        %dma_start3A_2092 = arith.constant 104 : i32
        %dma_start3A_2093 = arith.constant 0 : i32
        %dma_start3A_2094 = tpu.memref_slice %arg9[%rem3A_1059, %dma_start3A_2092, %dma_start3A_2093] : memref<2x128x32xf32, #tpu.memory_space<vmem>> -> memref<1x8x32xf32, #tpu.memory_space<vmem>>
        %dma_start3A_2095 = tpu.memref_squeeze %dma_start3A_2094 : memref<1x8x32xf32, #tpu.memory_space<vmem>> -> memref<8x32xf32, #tpu.memory_space<vmem>>
        %dma_start3A_2096 = arith.constant 0 : i32
        %dma_start3A_2097 = tpu.memref_slice %arg4[%multiple_of3A_2088, %dma_start3A_2096] : memref<1000000x32xf32, #tpu.memory_space<hbm>> -> memref<8x32xf32, #tpu.memory_space<hbm>>
        %dma_start3A_2098 = arith.constant 104 : i32
        %dma_start3A_2099 = arith.constant 0 : i32
        %dma_start3A_2100 = tpu.memref_slice %arg9[%rem3A_1059, %dma_start3A_2098, %dma_start3A_2099] : memref<2x128x32xf32, #tpu.memory_space<vmem>> -> memref<1x8x32xf32, #tpu.memory_space<vmem>>
        %dma_start3A_2101 = tpu.memref_squeeze %dma_start3A_2100 : memref<1x8x32xf32, #tpu.memory_space<vmem>> -> memref<8x32xf32, #tpu.memory_space<vmem>>
        %dma_start3A_2102 = arith.constant 0 : i32
        %dma_start3A_2103 = tpu.memref_slice %arg4[%multiple_of3A_2088, %dma_start3A_2102] : memref<1000000x32xf32, #tpu.memory_space<hbm>> -> memref<8x32xf32, #tpu.memory_space<hbm>>
        tpu.enqueue_dma source(%dma_start3A_2103 : memref<8x32xf32, #tpu.memory_space<hbm>>) target(%dma_start3A_2101 : memref<8x32xf32, #tpu.memory_space<vmem>>) target_semaphore(%arg12 : memref<!tpu.dma_semaphore, #tpu.memory_space<semaphore_mem>>)
        %dma_start3A_2104 = arith.constant 104 : i32
        %dma_start3A_2105 = arith.constant 0 : i32
        %dma_start3A_2106 = tpu.memref_slice %arg10[%rem3A_1059, %dma_start3A_2104, %dma_start3A_2105] : memref<2x128x32xf32, #tpu.memory_space<vmem>> -> memref<1x8x32xf32, #tpu.memory_space<vmem>>
        %dma_start3A_2107 = tpu.memref_squeeze %dma_start3A_2106 : memref<1x8x32xf32, #tpu.memory_space<vmem>> -> memref<8x32xf32, #tpu.memory_space<vmem>>
        %dma_start3A_2108 = arith.constant 0 : i32
        %dma_start3A_2109 = tpu.memref_slice %arg5[%multiple_of3A_2091, %dma_start3A_2108] : memref<1000000x32xf32, #tpu.memory_space<hbm>> -> memref<8x32xf32, #tpu.memory_space<hbm>>
        %dma_start3A_2110 = arith.constant 104 : i32
        %dma_start3A_2111 = arith.constant 0 : i32
        %dma_start3A_2112 = tpu.memref_slice %arg10[%rem3A_1059, %dma_start3A_2110, %dma_start3A_2111] : memref<2x128x32xf32, #tpu.memory_space<vmem>> -> memref<1x8x32xf32, #tpu.memory_space<vmem>>
        %dma_start3A_2113 = tpu.memref_squeeze %dma_start3A_2112 : memref<1x8x32xf32, #tpu.memory_space<vmem>> -> memref<8x32xf32, #tpu.memory_space<vmem>>
        %dma_start3A_2114 = arith.constant 0 : i32
        %dma_start3A_2115 = tpu.memref_slice %arg5[%multiple_of3A_2091, %dma_start3A_2114] : memref<1000000x32xf32, #tpu.memory_space<hbm>> -> memref<8x32xf32, #tpu.memory_space<hbm>>
        tpu.enqueue_dma source(%dma_start3A_2115 : memref<8x32xf32, #tpu.memory_space<hbm>>) target(%dma_start3A_2113 : memref<8x32xf32, #tpu.memory_space<vmem>>) target_semaphore(%arg12 : memref<!tpu.dma_semaphore, #tpu.memory_space<semaphore_mem>>)
        %slice3A_2116 = vector.extract_strided_slice %and3A_1692 {offsets = [14], sizes = [1], strides = [1]} : vector<16xi32> to vector<1xi32>
        %squeeze3A_2117 = vector.extract %slice3A_2116[0] : i32 from vector<1xi32>
        %multiple_of3A_2118 = tpu.assume_multiple %squeeze3A_2117, 8 : i32
        %slice3A_2119 = vector.extract_strided_slice %and3A_1695 {offsets = [14], sizes = [1], strides = [1]} : vector<16xi32> to vector<1xi32>
        %squeeze3A_2120 = vector.extract %slice3A_2119[0] : i32 from vector<1xi32>
        %multiple_of3A_2121 = tpu.assume_multiple %squeeze3A_2120, 8 : i32
        %dma_start3A_2122 = arith.constant 112 : i32
        %dma_start3A_2123 = arith.constant 0 : i32
        %dma_start3A_2124 = tpu.memref_slice %arg9[%rem3A_1059, %dma_start3A_2122, %dma_start3A_2123] : memref<2x128x32xf32, #tpu.memory_space<vmem>> -> memref<1x8x32xf32, #tpu.memory_space<vmem>>
        %dma_start3A_2125 = tpu.memref_squeeze %dma_start3A_2124 : memref<1x8x32xf32, #tpu.memory_space<vmem>> -> memref<8x32xf32, #tpu.memory_space<vmem>>
        %dma_start3A_2126 = arith.constant 0 : i32
        %dma_start3A_2127 = tpu.memref_slice %arg4[%multiple_of3A_2118, %dma_start3A_2126] : memref<1000000x32xf32, #tpu.memory_space<hbm>> -> memref<8x32xf32, #tpu.memory_space<hbm>>
        %dma_start3A_2128 = arith.constant 112 : i32
        %dma_start3A_2129 = arith.constant 0 : i32
        %dma_start3A_2130 = tpu.memref_slice %arg9[%rem3A_1059, %dma_start3A_2128, %dma_start3A_2129] : memref<2x128x32xf32, #tpu.memory_space<vmem>> -> memref<1x8x32xf32, #tpu.memory_space<vmem>>
        %dma_start3A_2131 = tpu.memref_squeeze %dma_start3A_2130 : memref<1x8x32xf32, #tpu.memory_space<vmem>> -> memref<8x32xf32, #tpu.memory_space<vmem>>
        %dma_start3A_2132 = arith.constant 0 : i32
        %dma_start3A_2133 = tpu.memref_slice %arg4[%multiple_of3A_2118, %dma_start3A_2132] : memref<1000000x32xf32, #tpu.memory_space<hbm>> -> memref<8x32xf32, #tpu.memory_space<hbm>>
        tpu.enqueue_dma source(%dma_start3A_2133 : memref<8x32xf32, #tpu.memory_space<hbm>>) target(%dma_start3A_2131 : memref<8x32xf32, #tpu.memory_space<vmem>>) target_semaphore(%arg12 : memref<!tpu.dma_semaphore, #tpu.memory_space<semaphore_mem>>)
        %dma_start3A_2134 = arith.constant 112 : i32
        %dma_start3A_2135 = arith.constant 0 : i32
        %dma_start3A_2136 = tpu.memref_slice %arg10[%rem3A_1059, %dma_start3A_2134, %dma_start3A_2135] : memref<2x128x32xf32, #tpu.memory_space<vmem>> -> memref<1x8x32xf32, #tpu.memory_space<vmem>>
        %dma_start3A_2137 = tpu.memref_squeeze %dma_start3A_2136 : memref<1x8x32xf32, #tpu.memory_space<vmem>> -> memref<8x32xf32, #tpu.memory_space<vmem>>
        %dma_start3A_2138 = arith.constant 0 : i32
        %dma_start3A_2139 = tpu.memref_slice %arg5[%multiple_of3A_2121, %dma_start3A_2138] : memref<1000000x32xf32, #tpu.memory_space<hbm>> -> memref<8x32xf32, #tpu.memory_space<hbm>>
        %dma_start3A_2140 = arith.constant 112 : i32
        %dma_start3A_2141 = arith.constant 0 : i32
        %dma_start3A_2142 = tpu.memref_slice %arg10[%rem3A_1059, %dma_start3A_2140, %dma_start3A_2141] : memref<2x128x32xf32, #tpu.memory_space<vmem>> -> memref<1x8x32xf32, #tpu.memory_space<vmem>>
        %dma_start3A_2143 = tpu.memref_squeeze %dma_start3A_2142 : memref<1x8x32xf32, #tpu.memory_space<vmem>> -> memref<8x32xf32, #tpu.memory_space<vmem>>
        %dma_start3A_2144 = arith.constant 0 : i32
        %dma_start3A_2145 = tpu.memref_slice %arg5[%multiple_of3A_2121, %dma_start3A_2144] : memref<1000000x32xf32, #tpu.memory_space<hbm>> -> memref<8x32xf32, #tpu.memory_space<hbm>>
        tpu.enqueue_dma source(%dma_start3A_2145 : memref<8x32xf32, #tpu.memory_space<hbm>>) target(%dma_start3A_2143 : memref<8x32xf32, #tpu.memory_space<vmem>>) target_semaphore(%arg12 : memref<!tpu.dma_semaphore, #tpu.memory_space<semaphore_mem>>)
        %slice3A_2146 = vector.extract_strided_slice %and3A_1692 {offsets = [15], sizes = [1], strides = [1]} : vector<16xi32> to vector<1xi32>
        %squeeze3A_2147 = vector.extract %slice3A_2146[0] : i32 from vector<1xi32>
        %multiple_of3A_2148 = tpu.assume_multiple %squeeze3A_2147, 8 : i32
        %slice3A_2149 = vector.extract_strided_slice %and3A_1695 {offsets = [15], sizes = [1], strides = [1]} : vector<16xi32> to vector<1xi32>
        %squeeze3A_2150 = vector.extract %slice3A_2149[0] : i32 from vector<1xi32>
        %multiple_of3A_2151 = tpu.assume_multiple %squeeze3A_2150, 8 : i32
        %dma_start3A_2152 = arith.constant 120 : i32
        %dma_start3A_2153 = arith.constant 0 : i32
        %dma_start3A_2154 = tpu.memref_slice %arg9[%rem3A_1059, %dma_start3A_2152, %dma_start3A_2153] : memref<2x128x32xf32, #tpu.memory_space<vmem>> -> memref<1x8x32xf32, #tpu.memory_space<vmem>>
        %dma_start3A_2155 = tpu.memref_squeeze %dma_start3A_2154 : memref<1x8x32xf32, #tpu.memory_space<vmem>> -> memref<8x32xf32, #tpu.memory_space<vmem>>
        %dma_start3A_2156 = arith.constant 0 : i32
        %dma_start3A_2157 = tpu.memref_slice %arg4[%multiple_of3A_2148, %dma_start3A_2156] : memref<1000000x32xf32, #tpu.memory_space<hbm>> -> memref<8x32xf32, #tpu.memory_space<hbm>>
        %dma_start3A_2158 = arith.constant 120 : i32
        %dma_start3A_2159 = arith.constant 0 : i32
        %dma_start3A_2160 = tpu.memref_slice %arg9[%rem3A_1059, %dma_start3A_2158, %dma_start3A_2159] : memref<2x128x32xf32, #tpu.memory_space<vmem>> -> memref<1x8x32xf32, #tpu.memory_space<vmem>>
        %dma_start3A_2161 = tpu.memref_squeeze %dma_start3A_2160 : memref<1x8x32xf32, #tpu.memory_space<vmem>> -> memref<8x32xf32, #tpu.memory_space<vmem>>
        %dma_start3A_2162 = arith.constant 0 : i32
        %dma_start3A_2163 = tpu.memref_slice %arg4[%multiple_of3A_2148, %dma_start3A_2162] : memref<1000000x32xf32, #tpu.memory_space<hbm>> -> memref<8x32xf32, #tpu.memory_space<hbm>>
        tpu.enqueue_dma source(%dma_start3A_2163 : memref<8x32xf32, #tpu.memory_space<hbm>>) target(%dma_start3A_2161 : memref<8x32xf32, #tpu.memory_space<vmem>>) target_semaphore(%arg12 : memref<!tpu.dma_semaphore, #tpu.memory_space<semaphore_mem>>)
        %dma_start3A_2164 = arith.constant 120 : i32
        %dma_start3A_2165 = arith.constant 0 : i32
        %dma_start3A_2166 = tpu.memref_slice %arg10[%rem3A_1059, %dma_start3A_2164, %dma_start3A_2165] : memref<2x128x32xf32, #tpu.memory_space<vmem>> -> memref<1x8x32xf32, #tpu.memory_space<vmem>>
        %dma_start3A_2167 = tpu.memref_squeeze %dma_start3A_2166 : memref<1x8x32xf32, #tpu.memory_space<vmem>> -> memref<8x32xf32, #tpu.memory_space<vmem>>
        %dma_start3A_2168 = arith.constant 0 : i32
        %dma_start3A_2169 = tpu.memref_slice %arg5[%multiple_of3A_2151, %dma_start3A_2168] : memref<1000000x32xf32, #tpu.memory_space<hbm>> -> memref<8x32xf32, #tpu.memory_space<hbm>>
        %dma_start3A_2170 = arith.constant 120 : i32
        %dma_start3A_2171 = arith.constant 0 : i32
        %dma_start3A_2172 = tpu.memref_slice %arg10[%rem3A_1059, %dma_start3A_2170, %dma_start3A_2171] : memref<2x128x32xf32, #tpu.memory_space<vmem>> -> memref<1x8x32xf32, #tpu.memory_space<vmem>>
        %dma_start3A_2173 = tpu.memref_squeeze %dma_start3A_2172 : memref<1x8x32xf32, #tpu.memory_space<vmem>> -> memref<8x32xf32, #tpu.memory_space<vmem>>
        %dma_start3A_2174 = arith.constant 0 : i32
        %dma_start3A_2175 = tpu.memref_slice %arg5[%multiple_of3A_2151, %dma_start3A_2174] : memref<1000000x32xf32, #tpu.memory_space<hbm>> -> memref<8x32xf32, #tpu.memory_space<hbm>>
        tpu.enqueue_dma source(%dma_start3A_2175 : memref<8x32xf32, #tpu.memory_space<hbm>>) target(%dma_start3A_2173 : memref<8x32xf32, #tpu.memory_space<vmem>>) target_semaphore(%arg12 : memref<!tpu.dma_semaphore, #tpu.memory_space<semaphore_mem>>)
      } else {
      }
    }
    %scan3A_1057 = arith.constant 32 : i32
    "tpu.region"() ({
      %run_scoped3A = tpu.sem_alloc : memref<!tpu.dma_semaphore, #tpu.memory_space<semaphore_mem>>
      %dma_start3A_1058 = tpu.memref_slice %arg6[%mul3A_2] : memref<16384xf32, #tpu.memory_space<hbm>> -> memref<512xf32, #tpu.memory_space<hbm>>
      %dma_start3A_1059 = tpu.memref_slice %arg6[%mul3A_2] : memref<16384xf32, #tpu.memory_space<hbm>> -> memref<512xf32, #tpu.memory_space<hbm>>
      tpu.enqueue_dma source(%arg11 : memref<512xf32, #tpu.memory_space<vmem>>) target(%dma_start3A_1059 : memref<512xf32, #tpu.memory_space<hbm>>) target_semaphore(%run_scoped3A : memref<!tpu.dma_semaphore, #tpu.memory_space<semaphore_mem>>)
      %dma_wait3A = tpu.memref_slice %arg6[%mul3A_2] : memref<16384xf32, #tpu.memory_space<hbm>> -> memref<512xf32, #tpu.memory_space<hbm>>
      %dma_wait3A_1060 = tpu.memref_slice %arg6[%mul3A_2] : memref<16384xf32, #tpu.memory_space<hbm>> -> memref<512xf32, #tpu.memory_space<hbm>>
      tpu.wait_dma2 semaphore(%run_scoped3A : memref<!tpu.dma_semaphore, #tpu.memory_space<semaphore_mem>>) src(%arg11 : memref<512xf32, #tpu.memory_space<vmem>>) dst(%dma_wait3A_1060 : memref<512xf32, #tpu.memory_space<hbm>>)
      tpu.yield
    }) : () -> ()
    return
  }
}

</mosaic_0001>

<sc_bundles>
// kernel: kernel.3.cloned.1.call-start
scs
__scs_entry_jumppad:
0x0: {  	(pc) =	sbr.rel $0x88, $3  }
0x1: {  	(tag) =	ssettag $0x0;
	lr =	simm.s32 $0x1  }
0x2: {  	[smem:$0x3F9D] =	sst lr;
	_ =	strace $0xD0000000  }
0x3: {  	_ = 	snop  }
0x4: {  	_ = 	snop  }
0x5: {  	_ = 	snop  }
0x6: {  	_ = 	snop  }
0x7: {  	_ = 	snop  }
__scs_overlays_trampoline_lowered:
0x8: {  	[smem:$0x3FAC] =	sst s0  }
0x9: {  	[smem:$0x3FAD] =	sst s1  }
0xa: {  	[smem:$0x3FAE] =	sst s2  }
0xb: {  	[smem:$0x3FAF] =	sst s3  }
0xc: {  	[smem:$0x3FB0] =	sst s4  }
0xd: {  	[smem:$0x3FB1] =	sst s5  }
0xe: {  	[smem:$0x3FB2] =	sst s6  }
0xf: {  	[smem:$0x3FB3] =	sst s7  }
0x10: {  	[smem:$0x3FB4] =	sst s8  }
0x11: {  	[smem:$0x3FB5] =	sst s9;
	s0 =	simm.s32 @!p0 $0x0  }
0x12: {  	s1 =	sld [smem:$0x3F9B];
	s0 =	simm.s32 @p0 $0x1  }
0x13: {  	[smem:$0x3FB6] =	sst s0;
	s0 =	simm.s32 @!p1 $0x0  }
0x14: {  	s2 =	sld [smem:$0x3F9A];
	s0 =	simm.s32 @p1 $0x1  }
0x15: {  	[smem:$0x3FB7] =	sst s0;
	s0 =	simm.s32 @!p2 $0x0  }
0x16: {  	s3 =	sld [smem:$0x3FDB];
	s0 =	simm.s32 @p2 $0x1  }
0x17: {  	s4 =	simm.s32 $0x1BF5;
	[smem:$0x3FB9] =	sst s0  }
0x18: {  	s0 =	sld [smem:$0x3F9C];
	_ =	swait.ge [sflag:s4], $0x0  }
0x19: {  	s7 =	sld [smem:$0x3F9D]  }
0x1a: {  	s8 =	sadd.s32 $0xFFFFE003, lr  }
0x1b: {  	s9 =	sadd.s32 $0xFFFFFEF7, lr;
	s5 =	simm.s32 $0xFFFFFFFF;
	p2 =	slt.u32 s8, $0xFFFFF086  }
0x1c: {  	p1 =	slt.u32 s9, $0xF7A;
	s5 =	simm.s32 @!p2 $0x0  }
0x1d: {  	s5 =	simm.s32 @p1 $0x1;
	p0 =	seq.s32 s7, s2  }
0x1e: {  	s7 =	smul.u32 @!p0 $0xF7A, s2;
	p2 =	seq.s32 @!p0 s5, $0x0  }
0x1f: {  	s9 =	smul.u32 $0xF7A, s1;
	s8 =	simm.s32 @!p0 $0x1BF5;
	p2 =	por !p2, p0  }
0x20: {  	[sflag:s8] =	ssyncset.s32 @!p0 $0xFFFFF086;
	s6 =	sadd.s32 @!p0 s3, s7;
	s7 =	simm.s32 @!p0 $0x108  }
0x21: {  	s3 =	sadd.s32 s3, s9;
	s6 =	sadd.s32 @!p0 $0x88, s6;
	s7 =	simm.s32 @p2 $0x1082  }
0x22: {  	[simem:s7], [sflag:s8] =	dma.local @!p0 [hbm:s6], $0xF7A  }
0x23: {  	s9 =	sor.u32 $0xD0000000, s2;
	s6 =	simm.s32 $0x108;
	_ =	swait.ge @!p0 [sflag:s8], $0x0  }
0x24: {  	s3 =	sadd.s32 $0x88, s3;
	s6 =	simm.s32 @!p1 $0x1082;
	[sflag:s4] =	ssyncset.s32 $0xFFFFF086  }
0x25: {  	[simem:s6], [sflag:s4] =	dma.local [hbm:s3], $0xF7A  }
0x26: {  	[smem:$0x3F9D] =	sst s1;
	(tag) =	ssettag s2;
	_ =	strace s9  }
0x27: {  	s1 =	sld [smem:$0x3FAD]  }
0x28: {  	s2 =	sld [smem:$0x3FAE]  }
0x29: {  	s4 =	sld [smem:$0x3FB0]  }
0x2a: {  	p0 =	seq.s32 s5, $0x0;
	s5 =	sld [smem:$0x3FB1]  }
0x2b: {  	s6 =	sld [smem:$0x3FB2]  }
0x2c: {  	s7 =	sld [smem:$0x3FB3]  }
0x2d: {  	s3 =	simm.s32 $0x108;
	s8 =	sld [smem:$0x3FB4]  }
0x2e: {  	s3 =	simm.s32 @!p0 $0x1082;
	s9 =	sld [smem:$0x3FB5]  }
0x2f: {  	lr =	sadd.s32 s0, s3;
	s0 =	sld [smem:$0x3FAC]  }
0x30: {  	s3 =	sld [smem:$0x3FAF]  }
0x31: {  	[smem:$0x3FB8] =	sst s10  }
0x32: {  	s10 =	sld [smem:$0x3FB6];
	_ =	sdelay $0x3  }
0x33: {  	p0 =	seq.s32 s10, $0x1;
	s10 =	sld [smem:$0x3FB8];
	_ =	sdelay $0x3  }
0x34: {  	[smem:$0x3FB8] =	sst s10  }
0x35: {  	s10 =	sld [smem:$0x3FB7];
	_ =	sdelay $0x3  }
0x36: {  	p1 =	seq.s32 s10, $0x1;
	s10 =	sld [smem:$0x3FB8];
	_ =	sdelay $0x3  }
0x37: {  	[smem:$0x3FB8] =	sst s10  }
0x38: {  	s10 =	sld [smem:$0x3FB9]  }
0x39: {  	_ = 	snop;
	(pc) =	sbr.ind lr, $3  }
0x3a: {  	_ = 	snop  }
0x3b: {  	_ = 	snop  }
0x3c: {  	p2 =	seq.s32 s10, $0x1;
	s10 =	sld [smem:$0x3FB8]  }
0x3d: {  	_ =	shalt  }
0x3e: {  	_ =	shalt  }
0x3f: {  	_ =	shalt  }
0x40: {  	_ =	shalt  }
0x41: {  	_ =	shalt  }
0x42: {  	_ =	shalt  }
0x43: {  	_ =	shalt  }
0x44: {  	_ =	shalt  }
0x45: {  	_ =	shalt  }
0x46: {  	_ =	shalt  }
0x47: {  	_ =	shalt  }
0x48: {  	_ =	shalt  }
0x49: {  	_ =	shalt  }
0x4a: {  	_ =	shalt  }
0x4b: {  	_ =	shalt  }
0x4c: {  	_ =	shalt  }
0x4d: {  	_ =	shalt  }
0x4e: {  	_ =	shalt  }
0x4f: {  	_ =	shalt  }
0x50: {  	_ =	shalt  }
0x51: {  	_ =	shalt  }
0x52: {  	_ =	shalt  }
0x53: {  	_ =	shalt  }
0x54: {  	_ =	shalt  }
0x55: {  	_ =	shalt  }
0x56: {  	_ =	shalt  }
0x57: {  	_ =	shalt  }
0x58: {  	_ =	shalt  }
0x59: {  	_ =	shalt  }
0x5a: {  	_ =	shalt  }
0x5b: {  	_ =	shalt  }
0x5c: {  	_ =	shalt  }
0x5d: {  	_ =	shalt  }
0x5e: {  	_ =	shalt  }
0x5f: {  	_ =	shalt  }
0x60: {  	_ =	shalt  }
0x61: {  	_ =	shalt  }
0x62: {  	_ =	shalt  }
0x63: {  	_ =	shalt  }
0x64: {  	_ =	shalt  }
0x65: {  	_ =	shalt  }
0x66: {  	_ =	shalt  }
0x67: {  	_ =	shalt  }
0x68: {  	_ =	shalt  }
0x69: {  	_ =	shalt  }
0x6a: {  	_ =	shalt  }
0x6b: {  	_ =	shalt  }
0x6c: {  	_ =	shalt  }
0x6d: {  	_ =	shalt  }
0x6e: {  	_ =	shalt  }
0x6f: {  	_ =	shalt  }
0x70: {  	_ =	shalt  }
0x71: {  	_ =	shalt  }
0x72: {  	_ =	shalt  }
0x73: {  	_ =	shalt  }
0x74: {  	_ =	shalt  }
0x75: {  	_ =	shalt  }
0x76: {  	_ =	shalt  }
0x77: {  	_ =	shalt  }
0x78: {  	_ =	shalt  }
0x79: {  	_ =	shalt  }
0x7a: {  	_ =	shalt  }
0x7b: {  	_ =	shalt  }
0x7c: {  	_ =	shalt  }
0x7d: {  	_ =	shalt  }
0x7e: {  	_ =	shalt  }
0x7f: {  	_ =	shalt  }
0x80: {  	_ =	shalt  }
0x81: {  	_ =	shalt  }
0x82: {  	_ =	shalt  }
0x83: {  	_ =	shalt  }
0x84: {  	_ =	shalt  }
0x85: {  	_ =	shalt  }
0x86: {  	_ =	shalt  }
0x87: {  	_ =	shalt  }
.Lfunc_end0:
.L_simem_size_0:
called_computation_lowered:
.L_overlay_start_0:
0x88: {  	s2 =	sld [smem:$0x3FD9]  }
0x89: {  	s3 =	sld [smem:$0x3FFE];
	_ =	sdelay $0x1  }
0x8a: {  	s1 =	srdreg.scid  }
0x8b: {  	s0 =	sand.u32 $0x1, s1  }
0x8c: {  	s17 =	sshll.u32 s0, $0xA;
	s2 =	sadd.s32 s3, s2  }
0x8d: {  	s2 =	sadd.s32 s2, s17  }
0x8e: {  	[smem:$0x3FC4] =	sst s2  }
0x8f: {  	_ = 	snop  }
0x90: {  	s2 =	sld [smem:$0x3FC9]  }
0x91: {  	s18 =	sld [smem:$0x3FC8]  }
0x92: {  	s4 =	sld [smem:$0x3FD0];
	(tm) =	ssettm $0x1  }
0x93: {  	s5 =	sld [smem:$0x3FFB];
	_ =	sdelay $0x3  }
0x94: {  	_ =	strace s5  }
0x95: {  	s5 =	sld [smem:$0x3FFC];
	_ =	sdelay $0x3  }
0x96: {  	_ =	strace s5  }
0x97: {  	s5 =	sld [smem:$0x3FFD];
	_ =	sdelay $0x3  }
0x98: {  	_ =	strace s5  }
0x99: {  	_ =	strace $0x8FFFFFFF  }
0x9a: {  	s19 =	sld [smem:$0x3FDB];
	_ =	sdelay $0x1  }
0x9b: {  	s6 =	simm.s32 $_scs_section_size  }
0x9c: {  	s7 =	simm.s32 $_size__tile_overlayer_lowered;
	s8 =	simm.s32 $_tile_overlayer_lowered  }
0x9d: {  	s22 =	simm.s32 $0x1BFF;
	s21 =	sshll.u32 s8, $0x1;
	s5 =	sadd.s32 s6, s19  }
0x9e: {  	s9 =	simm.s32 $0x0;
	s20 =	sshll.u32 s7, $0x1;
	s7 =	sadd.s32 s21, s5  }
0x9f: {  	[timem:s9], [sflag:s22] =	dma.local [hbm:s7], s20  }
0xa0: {  	_ =	swait.ge [sflag:s22], s20  }
0xa1: {  	s6 =	ssub.s32 $0x0, s20;
	[sflag:s22] =	ssyncset.done $0x0  }
0xa2: {  	[sflag:s22] =	ssyncadd.s32 s6;
	_ =	sdelay $0x1  }
0xa3: {  	s23 =	simm.s32 $0x1B8B  }
0xa4: {  	_ =	swait.ge [sflag:s23], $0x1  }
0xa5: {  	[sflag:s23] =	ssyncset.done $0x0  }
0xa6: {  	s25 =	simm.s32 $0x1B8E;
	s24 =	sld [smem:$0x3FFE];
	[sflag:s23] =	ssyncadd.s32 $0xFFFFFFFF  }
0xa7: {  	s26 =	simm.s32 $execute0_lowered;
	[smem:$0x3FD2] =	sst s25  }
0xa8: {  	s7 =	sshll.u32 s26, $0x1;
	_ =	strace $0x80000046;
	[dreg:$0x1] =	wrdreg $0xFFFFFFFF  }
0xa9: {  	s28 =	simm.s32 $_size_execute0_lowered;
	s5 =	sadd.s32 s5, s7;
	[dreg:$0x0] =	wrdreg $0x0  }
0xaa: {  	s7 =	sshll.u32 s28, $0x1;
	[dreg:$0x2] =	wrdreg s5  }
0xab: {  	[dreg:$0x3] =	wrdreg s7  }
0xac: {  	[dreg:$0x4] =	wrdreg $0xC0  }
0xad: {  	_ =	task [dreg:s9], $0x5FFFF  }
0xae: {  	[dreg:$0x1] =	wrdreg $0xFFFFFFFF  }
0xaf: {  	[dreg:$0x0] =	wrdreg $0x60  }
0xb0: {  	[dreg:$0x2] =	wrdreg s2  }
0xb1: {  	[dreg:$0x3] =	wrdreg s18  }
0xb2: {  	[dreg:$0x4] =	wrdreg s24  }
0xb3: {  	[dreg:$0x5] =	wrdreg s4  }
0xb4: {  	[dreg:$0x6] =	wrdreg $0x9  }
0xb5: {  	_ =	task.clear_ibuf [dreg:s9], $0x7FFFF;
	_ =	strace $0x90000046  }
0xb6: {  	s29 =	simm.s32 $0x9;
	_ =	strace $0x80000048  }
0xb7: {  	_ =	swait.ge [sflag:s29], $0x1  }
0xb8: {  	[sflag:s29] =	ssyncadd.s32 $0xFFFFFFFF  }
0xb9: {  	_ =	strace $0x90000048  }
0xba: {  	_ =	sfence  }
0xbb: {  	s30 =	sld [smem:$0x0];
	_ =	sdelay $0x2  }
0xbc: {  	s31 =	sshll.u32 s1, $0xD;
	s1 =	sshrl.u32 s1, $0x2  }
0xbd: {  	s3 =	sand.u32 $0x4000, s31;
	s1 =	sadd.s32 s1, s30  }
0xbe: {  	s0 =	sor.u32 s3, s0;
	s1 =	sshll.u32 s1, $0x11  }
0xbf: {  	s0 =	sor.u32 s1, s0  }
0xc0: {  	s0 =	sadd.s32 $0x8F2B, s0  }
0xc1: {  	[sflag:s0] =	ssyncadd.remote.s32 $0x1  }
0xc2: {  	_ =	sfence.sel $0xFFFF  }
0xc3: {  	[dreg:$0x0] =	wrdreg $0xFFFFFFFF;
	(pc) =	sbr.abs _section_cstart, $3  }
0xc4: {  	[dreg:$0x1] =	wrdreg $0xFFFFFFFF  }
0xc5: {  	_ =	task.clear_ibuf [dreg:s9], $0x2FFFF;
	_ =	strace $0x9FFFFFFF  }
0xc6: {  	(tm) =	ssettm $0x7FFFFFFF  }
0xc7: {  	_ =	shalt  }
tec
execute0_lowered:
.L_overlay_start_1:
0x0: {  	(tag) =	ssettag $0x1  }
0x1: {  	s0 =	rddreg [dreg:$0x0]  }
0x2: {  	s1 =	rddreg [dreg:$0x1]  }
0x3: {  	s4 =	rddreg [dreg:$0x2]  }
0x4: {  	s7 =	rddreg [dreg:$0x3];
	s2 =	simm.s32 $0x0  }
0x5: {  	s3 =	srdreg.scid;
	s6 =	stileid.u32;
	s21 =	simm.s32 $0x7400  }
0x6: {  	s22 =	simm.s32 $0xF400;
	s23 =	simm.s32 $0x7800;
	s24 =	simm.s32 $0xF800  }
0x7: {  	s25 =	simm.s32 $0x7C00;
	s26 =	simm.s32 $0xFC00;
	s28 =	simm.s32 $0x8000  }
0x8: {  	s29 =	simm.s32 $0x10000;
	s30 =	simm.s32 $0x1;
	s31 =	simm.s32 $0x10400  }
0x9: {  	[smem:$0x7FF] =	sst s2;
	s3 =	sand.u32 $0x1, s3;
	s6 =	sshll.u32 s6, $0x7  }
.Ltmp0:
0xa: {  	vm0 =	vmmov $0x1;
	vm1 =	vmmov $0x3;
	vm2 =	vmmov $0x7;
	_ =	strace $0x80000047;
	s5 =	ssub.s32 $0x2, s3;
	(pc) =	sbr.rel .LBB2_1-.Ltmp0, $4  }
0xb: {  	vm3 =	vmmov $0xf;
	vm4 =	vmmov $0x1f;
	vm5 =	vmmov $0x3f;
	s8 =	sshll.u32 s3, $0x6;
	s3 =	sadd.s32 $0x400, s4;
	s9 =	sshrl.u32 s5, $0x1  }
0xc: {  	vm6 =	vmmov $0x7f;
	vm7 =	vmmov $0xff;
	vm8 =	vmmov $0x1ff;
	s4 =	sadd.s32 $0xF42800, s4;
	s8 =	sor.u32 s8, s6;
	s9 =	ssub.s32 s5, s9  }
0xd: {  	vm9 =	vmmov $0x3ff;
	vm10 =	vmmov $0x7ff;
	vm11 =	vmmov $0xfff;
	s5 =	sadd.s32 s0, s8;
	s6 =	sadd.s32 s1, s8;
	s7 =	sadd.s32 s7, s8  }
0xe: {  	vm12 =	vmmov $0x1fff;
	vm13 =	vmmov $0x3fff;
	vm14 =	vmmov $0x7fff;
	s0 =	simm.s32 $0x0;
	s8 =	smax.u32 s9, $0x1;
	s9 =	simm.s32 $0x2  }
.LBB2_5:
0xf: {  	s0 =	sadd.s32 $0x1, s0  }
0x10: {  	p0 =	sne.s32 s0, s8  }
.Ltmp1:
0x11: {  	_ = 	snop;
	(pc) =	sbr.rel @!p0 .LBB2_6-.Ltmp1, $4  }
0x12: {  	[hbm4b:s7+s2] =	stream.linear.scatter [tilespmem:s31], [sflag:$0x2], $0x200, $0x38;
	[tilespmem:$0x10600] =	vst v63  }
0x13: {  	_ =	swait.ge [sflag:s9], $0x200  }
0x14: {  	[sflag:s9] =	ssyncset.done $0x0  }
0x15: {  	[sflag:s9] =	ssyncadd.s32 $0xFFFFFE00  }
.LBB2_1:
0x16: {  	[tilespmem:s2], [sflag:$0x2] =	stream.linear.gather [hbm4b:s5+s2], $0x200, $0x38;
	[tilespmem:$0x10600] =	vst v63  }
0x17: {  	_ =	swait.ge [sflag:s9], $0x200  }
0x18: {  	[sflag:s9] =	ssyncset.done $0x0  }
0x19: {  	s1 =	simm.s32 $0x200;
	[sflag:s9] =	ssyncadd.s32 $0xFFFFFE00  }
0x1a: {  	[tilespmem:s1], [sflag:$0x2] =	stream.linear.gather [hbm4b:s6+s2], $0x200, $0x38;
	[tilespmem:$0x10600] =	vst v63  }
0x1b: {  	_ =	swait.ge [sflag:s9], $0x200  }
0x1c: {  	[sflag:s9] =	ssyncset.done $0x0  }
0x1d: {  	[sflag:s9] =	ssyncadd.s32 $0xFFFFFE00  }
0x1e: {  	v0 =	vld [tilespmem:$0x0];
	_ =	sdelay $0x1  }
0x1f: {  	v1 =	vld [tilespmem:$0x200];
	_ =	sdelay $0x2  }
0x20: {  	v0 =	vand.u32 $0xFFFFFFF8, v0  }
0x21: {  	v0 =	vshll.u32 v0, $0x4  }
0x22: {  	v1 =	vand.u32 $0xFFFFFFF8, v1;
	v0 =	vadd.s32 s3, v0  }
0x23: {  	v1 =	vshll.u32 v1, $0x4;
	(v2sf) =	vpush v0, $0x0  }
0x24: {  	v1 =	vadd.s32 s4, v1  }
0x25: {  	(v2sf) =	vpush v1, $0x0;
	_ =	sdelay $0x1  }
0x26: {  	(v2sf) =	vpush v0, $0x1;
	_ =	sdelay $0x1  }
0x27: {  	(v2sf) =	vpush v1, $0x1;
	_ =	sdelay $0x1  }
0x28: {  	(v2sf) =	vpush v0, $0x2;
	_ =	sdelay $0x1  }
0x29: {  	(v2sf) =	vpush v1, $0x2;
	_ =	sdelay $0x1  }
0x2a: {  	(v2sf) =	vpush v0, $0x3;
	_ =	sdelay $0x1  }
0x2b: {  	(v2sf) =	vpush v1, $0x3  }
0x2c: {  	s10 =	simm.s32 $0x400;
	s12 =	spop (v2sf)  }
0x2d: {  	(v2sf) =	vpush v0, $0x4;
	[tilespmem:s10], [sflag:$0x1] =	stream.linear.gather [hbm4b:s12+s2], $0x400, $0x38;
	[tilespmem:$0x10600] =	vst v63  }
0x2e: {  	s14 =	simm.s32 $0x8400;
	s13 =	spop (v2sf)  }
0x2f: {  	(v2sf) =	vpush v1, $0x4;
	[tilespmem:s14], [sflag:$0x1] =	stream.linear.gather [hbm4b:s13+s2], $0x400, $0x38;
	[tilespmem:$0x10600] =	vst v63  }
0x30: {  	s16 =	simm.s32 $0x800;
	s15 =	spop (v2sf)  }
0x31: {  	(v2sf) =	vpush v0, $0x5;
	[tilespmem:s16], [sflag:$0x1] =	stream.linear.gather [hbm4b:s15+s2], $0x400, $0x38;
	[tilespmem:$0x10600] =	vst v63  }
0x32: {  	s18 =	simm.s32 $0x8800;
	s17 =	spop (v2sf)  }
0x33: {  	(v2sf) =	vpush v1, $0x5;
	[tilespmem:s18], [sflag:$0x1] =	stream.linear.gather [hbm4b:s17+s2], $0x400, $0x38;
	[tilespmem:$0x10600] =	vst v63  }
0x34: {  	s20 =	simm.s32 $0xC00;
	s19 =	spop (v2sf)  }
0x35: {  	(v2sf) =	vpush v0, $0x6;
	[tilespmem:s20], [sflag:$0x1] =	stream.linear.gather [hbm4b:s19+s2], $0x400, $0x38;
	[tilespmem:$0x10600] =	vst v63  }
0x36: {  	s12 =	simm.s32 $0x8C00;
	s11 =	spop (v2sf)  }
0x37: {  	(v2sf) =	vpush v1, $0x6;
	[tilespmem:s12], [sflag:$0x1] =	stream.linear.gather [hbm4b:s11+s2], $0x400, $0x38;
	[tilespmem:$0x10600] =	vst v63  }
0x38: {  	s14 =	simm.s32 $0x1000;
	s13 =	spop (v2sf)  }
0x39: {  	(v2sf) =	vpush v0, $0x7;
	[tilespmem:s14], [sflag:$0x1] =	stream.linear.gather [hbm4b:s13+s2], $0x400, $0x38;
	[tilespmem:$0x10600] =	vst v63  }
0x3a: {  	s16 =	simm.s32 $0x9000;
	s15 =	spop (v2sf)  }
0x3b: {  	(v2sf) =	vpush v1, $0x7;
	[tilespmem:s16], [sflag:$0x1] =	stream.linear.gather [hbm4b:s15+s2], $0x400, $0x38;
	[tilespmem:$0x10600] =	vst v63  }
0x3c: {  	s18 =	simm.s32 $0x1400;
	s17 =	spop (v2sf)  }
0x3d: {  	(v2sf) =	vpush v0, $0x8;
	[tilespmem:s18], [sflag:$0x1] =	stream.linear.gather [hbm4b:s17+s2], $0x400, $0x38;
	[tilespmem:$0x10600] =	vst v63  }
0x3e: {  	s20 =	simm.s32 $0x9400;
	s19 =	spop (v2sf)  }
0x3f: {  	(v2sf) =	vpush v1, $0x8;
	[tilespmem:s20], [sflag:$0x1] =	stream.linear.gather [hbm4b:s19+s2], $0x400, $0x38;
	[tilespmem:$0x10600] =	vst v63  }
0x40: {  	s12 =	simm.s32 $0x1800;
	s11 =	spop (v2sf)  }
0x41: {  	(v2sf) =	vpush v0, $0x9;
	[tilespmem:s12], [sflag:$0x1] =	stream.linear.gather [hbm4b:s11+s2], $0x400, $0x38;
	[tilespmem:$0x10600] =	vst v63  }
0x42: {  	s14 =	simm.s32 $0x9800;
	s13 =	spop (v2sf)  }
0x43: {  	(v2sf) =	vpush v1, $0x9;
	[tilespmem:s14], [sflag:$0x1] =	stream.linear.gather [hbm4b:s13+s2], $0x400, $0x38;
	[tilespmem:$0x10600] =	vst v63  }
0x44: {  	s16 =	simm.s32 $0x1C00;
	s15 =	spop (v2sf)  }
0x45: {  	(v2sf) =	vpush v0, $0xA;
	[tilespmem:s16], [sflag:$0x1] =	stream.linear.gather [hbm4b:s15+s2], $0x400, $0x38;
	[tilespmem:$0x10600] =	vst v63  }
0x46: {  	s18 =	simm.s32 $0x9C00;
	s17 =	spop (v2sf)  }
0x47: {  	(v2sf) =	vpush v1, $0xA;
	[tilespmem:s18], [sflag:$0x1] =	stream.linear.gather [hbm4b:s17+s2], $0x400, $0x38;
	[tilespmem:$0x10600] =	vst v63  }
0x48: {  	s20 =	simm.s32 $0x2000;
	s19 =	spop (v2sf)  }
0x49: {  	(v2sf) =	vpush v0, $0xB;
	[tilespmem:s20], [sflag:$0x1] =	stream.linear.gather [hbm4b:s19+s2], $0x400, $0x38;
	[tilespmem:$0x10600] =	vst v63  }
0x4a: {  	s12 =	simm.s32 $0xA000;
	s11 =	spop (v2sf)  }
0x4b: {  	(v2sf) =	vpush v1, $0xB;
	[tilespmem:s12], [sflag:$0x1] =	stream.linear.gather [hbm4b:s11+s2], $0x400, $0x38;
	[tilespmem:$0x10600] =	vst v63  }
0x4c: {  	s14 =	simm.s32 $0x2400;
	s13 =	spop (v2sf)  }
0x4d: {  	(v2sf) =	vpush v0, $0xC;
	[tilespmem:s14], [sflag:$0x1] =	stream.linear.gather [hbm4b:s13+s2], $0x400, $0x38;
	[tilespmem:$0x10600] =	vst v63  }
0x4e: {  	s16 =	simm.s32 $0xA400;
	s15 =	spop (v2sf)  }
0x4f: {  	(v2sf) =	vpush v1, $0xC;
	[tilespmem:s16], [sflag:$0x1] =	stream.linear.gather [hbm4b:s15+s2], $0x400, $0x38;
	[tilespmem:$0x10600] =	vst v63  }
0x50: {  	s18 =	simm.s32 $0x2800;
	s17 =	spop (v2sf)  }
0x51: {  	(v2sf) =	vpush v0, $0xD;
	[tilespmem:s18], [sflag:$0x1] =	stream.linear.gather [hbm4b:s17+s2], $0x400, $0x38;
	[tilespmem:$0x10600] =	vst v63  }
0x52: {  	s20 =	simm.s32 $0xA800;
	s19 =	spop (v2sf)  }
0x53: {  	(v2sf) =	vpush v1, $0xD;
	[tilespmem:s20], [sflag:$0x1] =	stream.linear.gather [hbm4b:s19+s2], $0x400, $0x38;
	[tilespmem:$0x10600] =	vst v63  }
0x54: {  	s12 =	simm.s32 $0x2C00;
	s11 =	spop (v2sf)  }
0x55: {  	(v2sf) =	vpush v0, $0xE;
	[tilespmem:s12], [sflag:$0x1] =	stream.linear.gather [hbm4b:s11+s2], $0x400, $0x38;
	[tilespmem:$0x10600] =	vst v63  }
0x56: {  	s14 =	simm.s32 $0xAC00;
	s13 =	spop (v2sf)  }
0x57: {  	(v2sf) =	vpush v1, $0xE;
	[tilespmem:s14], [sflag:$0x1] =	stream.linear.gather [hbm4b:s13+s2], $0x400, $0x38;
	[tilespmem:$0x10600] =	vst v63  }
0x58: {  	s16 =	simm.s32 $0x3000;
	s15 =	spop (v2sf)  }
0x59: {  	(v2sf) =	vpush v0, $0xF;
	[tilespmem:s16], [sflag:$0x1] =	stream.linear.gather [hbm4b:s15+s2], $0x400, $0x38;
	[tilespmem:$0x10600] =	vst v63  }
0x5a: {  	s17 =	spop (v2sf);
	s18 =	simm.s32 $0xB000  }
0x5b: {  	(v2sf) =	vpush v1, $0xF;
	[tilespmem:s18], [sflag:$0x1] =	stream.linear.gather [hbm4b:s17+s2], $0x400, $0x38;
	[tilespmem:$0x10600] =	vst v63  }
0x5c: {  	s20 =	simm.s32 $0x3400;
	s19 =	spop (v2sf)  }
0x5d: {  	[tilespmem:s20], [sflag:$0x1] =	stream.linear.gather [hbm4b:s19+s2], $0x400, $0x38;
	[tilespmem:$0x10600] =	vst v63  }
0x5e: {  	s12 =	simm.s32 $0xB400;
	s11 =	spop (v2sf)  }
0x5f: {  	[tilespmem:s12], [sflag:$0x1] =	stream.linear.gather [hbm4b:s11+s2], $0x400, $0x38;
	[tilespmem:$0x10600] =	vst v63  }
0x60: {  	s14 =	simm.s32 $0x3800;
	s13 =	spop (v2sf)  }
0x61: {  	[tilespmem:s14], [sflag:$0x1] =	stream.linear.gather [hbm4b:s13+s2], $0x400, $0x38;
	[tilespmem:$0x10600] =	vst v63  }
0x62: {  	s16 =	simm.s32 $0xB800;
	s15 =	spop (v2sf)  }
0x63: {  	[tilespmem:s16], [sflag:$0x1] =	stream.linear.gather [hbm4b:s15+s2], $0x400, $0x38;
	[tilespmem:$0x10600] =	vst v63  }
0x64: {  	s18 =	simm.s32 $0x3C00;
	s17 =	spop (v2sf)  }
0x65: {  	[tilespmem:s18], [sflag:$0x1] =	stream.linear.gather [hbm4b:s17+s2], $0x400, $0x38;
	[tilespmem:$0x10600] =	vst v63  }
0x66: {  	s20 =	simm.s32 $0xBC00;
	s19 =	spop (v2sf)  }
0x67: {  	[tilespmem:s20], [sflag:$0x1] =	stream.linear.gather [hbm4b:s19+s2], $0x400, $0x38;
	[tilespmem:$0x10600] =	vst v63  }
0x68: {  	s11 =	spop (v2sf);
	s12 =	simm.s32 $0x4000  }
0x69: {  	[tilespmem:s12], [sflag:$0x1] =	stream.linear.gather [hbm4b:s11+s2], $0x400, $0x38;
	[tilespmem:$0x10600] =	vst v63  }
0x6a: {  	s13 =	spop (v2sf);
	s14 =	simm.s32 $0xC000  }
0x6b: {  	[tilespmem:s14], [sflag:$0x1] =	stream.linear.gather [hbm4b:s13+s2], $0x400, $0x38;
	[tilespmem:$0x10600] =	vst v63  }
0x6c: {  	v62 =	vld [tilespmem:$0x10];
	_ =	sdelay $0x1  }
0x6d: {  	v63 =	vld [tilespmem:$0x210];
	_ =	sdelay $0x2  }
0x6e: {  	v0 =	vand.u32 $0xFFFFFFF8, v62  }
0x6f: {  	v0 =	vshll.u32 v0, $0x4  }
0x70: {  	v1 =	vand.u32 $0xFFFFFFF8, v63;
	v0 =	vadd.s32 s3, v0  }
0x71: {  	v1 =	vshll.u32 v1, $0x4;
	(v2sf) =	vpush v0, $0x0  }
0x72: {  	v1 =	vadd.s32 s4, v1  }
0x73: {  	(v2sf) =	vpush v1, $0x0;
	_ =	sdelay $0x1  }
0x74: {  	(v2sf) =	vpush v0, $0x1;
	_ =	sdelay $0x1  }
0x75: {  	(v2sf) =	vpush v1, $0x1;
	_ =	sdelay $0x1  }
0x76: {  	(v2sf) =	vpush v0, $0x2;
	_ =	sdelay $0x1  }
0x77: {  	(v2sf) =	vpush v1, $0x2;
	_ =	sdelay $0x1  }
0x78: {  	(v2sf) =	vpush v0, $0x3;
	_ =	sdelay $0x1  }
0x79: {  	(v2sf) =	vpush v1, $0x3  }
0x7a: {  	s16 =	simm.s32 $0x4400;
	s15 =	spop (v2sf)  }
0x7b: {  	(v2sf) =	vpush v0, $0x4;
	[tilespmem:s16], [sflag:$0x1] =	stream.linear.gather [hbm4b:s15+s2], $0x400, $0x38;
	[tilespmem:$0x10600] =	vst v63  }
0x7c: {  	s18 =	simm.s32 $0xC400;
	s17 =	spop (v2sf)  }
0x7d: {  	(v2sf) =	vpush v1, $0x4;
	[tilespmem:s18], [sflag:$0x1] =	stream.linear.gather [hbm4b:s17+s2], $0x400, $0x38;
	[tilespmem:$0x10600] =	vst v63  }
0x7e: {  	s20 =	simm.s32 $0x4800;
	s19 =	spop (v2sf)  }
0x7f: {  	(v2sf) =	vpush v0, $0x5;
	[tilespmem:s20], [sflag:$0x1] =	stream.linear.gather [hbm4b:s19+s2], $0x400, $0x38;
	[tilespmem:$0x10600] =	vst v63  }
0x80: {  	s12 =	simm.s32 $0xC800;
	s11 =	spop (v2sf)  }
0x81: {  	(v2sf) =	vpush v1, $0x5;
	[tilespmem:s12], [sflag:$0x1] =	stream.linear.gather [hbm4b:s11+s2], $0x400, $0x38;
	[tilespmem:$0x10600] =	vst v63  }
0x82: {  	s14 =	simm.s32 $0x4C00;
	s13 =	spop (v2sf)  }
0x83: {  	(v2sf) =	vpush v0, $0x6;
	[tilespmem:s14], [sflag:$0x1] =	stream.linear.gather [hbm4b:s13+s2], $0x400, $0x38;
	[tilespmem:$0x10600] =	vst v63  }
0x84: {  	s16 =	simm.s32 $0xCC00;
	s15 =	spop (v2sf)  }
0x85: {  	(v2sf) =	vpush v1, $0x6;
	[tilespmem:s16], [sflag:$0x1] =	stream.linear.gather [hbm4b:s15+s2], $0x400, $0x38;
	[tilespmem:$0x10600] =	vst v63  }
0x86: {  	s18 =	simm.s32 $0x5000;
	s17 =	spop (v2sf)  }
0x87: {  	(v2sf) =	vpush v0, $0x7;
	[tilespmem:s18], [sflag:$0x1] =	stream.linear.gather [hbm4b:s17+s2], $0x400, $0x38;
	[tilespmem:$0x10600] =	vst v63  }
0x88: {  	s20 =	simm.s32 $0xD000;
	s19 =	spop (v2sf)  }
0x89: {  	(v2sf) =	vpush v1, $0x7;
	[tilespmem:s20], [sflag:$0x1] =	stream.linear.gather [hbm4b:s19+s2], $0x400, $0x38;
	[tilespmem:$0x10600] =	vst v63  }
0x8a: {  	s12 =	simm.s32 $0x5400;
	s11 =	spop (v2sf)  }
0x8b: {  	(v2sf) =	vpush v0, $0x8;
	[tilespmem:s12], [sflag:$0x1] =	stream.linear.gather [hbm4b:s11+s2], $0x400, $0x38;
	[tilespmem:$0x10600] =	vst v63  }
0x8c: {  	s14 =	simm.s32 $0xD400;
	s13 =	spop (v2sf)  }
0x8d: {  	(v2sf) =	vpush v1, $0x8;
	[tilespmem:s14], [sflag:$0x1] =	stream.linear.gather [hbm4b:s13+s2], $0x400, $0x38;
	[tilespmem:$0x10600] =	vst v63  }
0x8e: {  	s16 =	simm.s32 $0x5800;
	s15 =	spop (v2sf)  }
0x8f: {  	(v2sf) =	vpush v0, $0x9;
	[tilespmem:s16], [sflag:$0x1] =	stream.linear.gather [hbm4b:s15+s2], $0x400, $0x38;
	[tilespmem:$0x10600] =	vst v63  }
0x90: {  	s18 =	simm.s32 $0xD800;
	s17 =	spop (v2sf)  }
0x91: {  	(v2sf) =	vpush v1, $0x9;
	[tilespmem:s18], [sflag:$0x1] =	stream.linear.gather [hbm4b:s17+s2], $0x400, $0x38;
	[tilespmem:$0x10600] =	vst v63  }
0x92: {  	s20 =	simm.s32 $0x5C00;
	s19 =	spop (v2sf)  }
0x93: {  	(v2sf) =	vpush v0, $0xA;
	[tilespmem:s20], [sflag:$0x1] =	stream.linear.gather [hbm4b:s19+s2], $0x400, $0x38;
	[tilespmem:$0x10600] =	vst v63  }
0x94: {  	s12 =	simm.s32 $0xDC00;
	s11 =	spop (v2sf)  }
0x95: {  	(v2sf) =	vpush v1, $0xA;
	[tilespmem:s12], [sflag:$0x1] =	stream.linear.gather [hbm4b:s11+s2], $0x400, $0x38;
	[tilespmem:$0x10600] =	vst v63  }
0x96: {  	s14 =	simm.s32 $0x6000;
	s13 =	spop (v2sf)  }
0x97: {  	(v2sf) =	vpush v0, $0xB;
	[tilespmem:s14], [sflag:$0x1] =	stream.linear.gather [hbm4b:s13+s2], $0x400, $0x38;
	[tilespmem:$0x10600] =	vst v63  }
0x98: {  	s16 =	simm.s32 $0xE000;
	s15 =	spop (v2sf)  }
0x99: {  	(v2sf) =	vpush v1, $0xB;
	[tilespmem:s16], [sflag:$0x1] =	stream.linear.gather [hbm4b:s15+s2], $0x400, $0x38;
	[tilespmem:$0x10600] =	vst v63  }
0x9a: {  	s18 =	simm.s32 $0x6400;
	s17 =	spop (v2sf)  }
0x9b: {  	(v2sf) =	vpush v0, $0xC;
	[tilespmem:s18], [sflag:$0x1] =	stream.linear.gather [hbm4b:s17+s2], $0x400, $0x38;
	[tilespmem:$0x10600] =	vst v63  }
0x9c: {  	s20 =	simm.s32 $0xE400;
	s19 =	spop (v2sf)  }
0x9d: {  	(v2sf) =	vpush v1, $0xC;
	[tilespmem:s20], [sflag:$0x1] =	stream.linear.gather [hbm4b:s19+s2], $0x400, $0x38;
	[tilespmem:$0x10600] =	vst v63  }
0x9e: {  	s12 =	simm.s32 $0x6800;
	s11 =	spop (v2sf)  }
0x9f: {  	(v2sf) =	vpush v0, $0xD;
	[tilespmem:s12], [sflag:$0x1] =	stream.linear.gather [hbm4b:s11+s2], $0x400, $0x38;
	[tilespmem:$0x10600] =	vst v63  }
0xa0: {  	s14 =	simm.s32 $0xE800;
	s13 =	spop (v2sf)  }
0xa1: {  	(v2sf) =	vpush v1, $0xD;
	[tilespmem:s14], [sflag:$0x1] =	stream.linear.gather [hbm4b:s13+s2], $0x400, $0x38;
	[tilespmem:$0x10600] =	vst v63  }
0xa2: {  	s16 =	simm.s32 $0x6C00;
	s15 =	spop (v2sf)  }
0xa3: {  	(v2sf) =	vpush v0, $0xE;
	[tilespmem:s16], [sflag:$0x1] =	stream.linear.gather [hbm4b:s15+s2], $0x400, $0x38;
	[tilespmem:$0x10600] =	vst v63  }
0xa4: {  	s18 =	simm.s32 $0xEC00;
	s17 =	spop (v2sf)  }
0xa5: {  	(v2sf) =	vpush v1, $0xE;
	[tilespmem:s18], [sflag:$0x1] =	stream.linear.gather [hbm4b:s17+s2], $0x400, $0x38;
	[tilespmem:$0x10600] =	vst v63  }
0xa6: {  	s20 =	simm.s32 $0x7000;
	s19 =	spop (v2sf)  }
0xa7: {  	[tilespmem:s20], [sflag:$0x1] =	stream.linear.gather [hbm4b:s19+s2], $0x400, $0x38;
	[tilespmem:$0x10600] =	vst v63  }
0xa8: {  	(v2sf) =	vpush v0, $0xF;
	s11 =	spop (v2sf);
	s12 =	simm.s32 $0xF000  }
0xa9: {  	[tilespmem:s12], [sflag:$0x1] =	stream.linear.gather [hbm4b:s11+s2], $0x400, $0x38;
	[tilespmem:$0x10600] =	vst v63  }
0xaa: {  	(v2sf) =	vpush v1, $0xF;
	s13 =	spop (v2sf)  }
0xab: {  	[tilespmem:s21], [sflag:$0x1] =	stream.linear.gather [hbm4b:s13+s2], $0x400, $0x38;
	[tilespmem:$0x10600] =	vst v63  }
0xac: {  	s14 =	spop (v2sf)  }
0xad: {  	[tilespmem:s22], [sflag:$0x1] =	stream.linear.gather [hbm4b:s14+s2], $0x400, $0x38;
	[tilespmem:$0x10600] =	vst v63  }
0xae: {  	s15 =	spop (v2sf)  }
0xaf: {  	[tilespmem:s23], [sflag:$0x1] =	stream.linear.gather [hbm4b:s15+s2], $0x400, $0x38;
	[tilespmem:$0x10600] =	vst v63  }
0xb0: {  	s16 =	spop (v2sf)  }
0xb1: {  	[tilespmem:s24], [sflag:$0x1] =	stream.linear.gather [hbm4b:s16+s2], $0x400, $0x38;
	[tilespmem:$0x10600] =	vst v63  }
0xb2: {  	s17 =	spop (v2sf)  }
0xb3: {  	[tilespmem:s25], [sflag:$0x1] =	stream.linear.gather [hbm4b:s17+s2], $0x400, $0x38;
	[tilespmem:$0x10600] =	vst v63  }
0xb4: {  	s18 =	spop (v2sf)  }
0xb5: {  	[tilespmem:s26], [sflag:$0x1] =	stream.linear.gather [hbm4b:s18+s2], $0x400, $0x38;
	[tilespmem:$0x10600] =	vst v63  }
.Ltmp2:
0xb6: {  	s1 =	simm.s32 $0x20;
	(pc) =	sbr.rel .LBB2_2-.Ltmp2, $4  }
0xb7: {  	s10 =	simm.s32 $0x220;
	s11 =	simm.s32 $0x10400;
	s19 =	spop (v2sf)  }
0xb8: {  	[tilespmem:s28], [sflag:$0x1] =	stream.linear.gather [hbm4b:s19+s2], $0x400, $0x38;
	[tilespmem:$0x10600] =	vst v63  }
0xb9: {  	s12 =	simm.s32 $0x0;
	s13 =	simm.s32 $0x0;
	s20 =	spop (v2sf)  }
0xba: {  	[tilespmem:s29], [sflag:$0x1] =	stream.linear.gather [hbm4b:s20+s2], $0x400, $0x38;
	[tilespmem:$0x10600] =	vst v63  }
.LBB2_4:
0xbb: {  	s13 =	sadd.s32 $0x1, s13  }
0xbc: {  	p0 =	sne.s32 s13, $0x20  }
.Ltmp3:
0xbd: {  	_ = 	snop;
	(pc) =	sbr.rel @!p0 .LBB2_5-.Ltmp3, $3  }
0xbe: {  	_ =	sdelay $0x1  }
0xbf: {  	s12 =	sadd.s32 $0x4000, s12  }
0xc0: {  	s1 =	sadd.s32 $0x10, s1;
	s10 =	sadd.s32 $0x10, s10;
	s11 =	sadd.s32 $0x10, s11  }
.LBB2_2:
0xc1: {  	_ =	swait.ge [sflag:s30], $0x4000  }
0xc2: {  	[sflag:s30] =	ssyncset.done $0x0  }
0xc3: {  	[sflag:s30] =	ssyncadd.s32 $0xFFFFC000  }
0xc4: {  	_ =	swait.ge [sflag:s30], $0x4000  }
0xc5: {  	[sflag:s30] =	ssyncset.done $0x0  }
0xc6: {  	[sflag:s30] =	ssyncadd.s32 $0xFFFFC000  }
0xc7: {  	v0 =	vld [tilespmem:s1+$0xFFFFFFE0];
	_ =	sdelay $0x3  }
0xc8: {  	v1 =	vld [tilespmem:s10+$0xFFFFFFE0]  }
0xc9: {  	v0 =	vand.u32 $0x7, v0  }
0xca: {  	v0 =	vshll.u32 v0, $0x7  }
0xcb: {  	(v2sf) =	vpush v0, $0x1;
	_ =	sdelay $0x1  }
0xcc: {  	v1 =	vand.u32 $0x7, v1;
	(v2sf) =	vpush v0, $0x0  }
0xcd: {  	v1 =	vshll.u32 v1, $0x7  }
0xce: {  	(v2sf) =	vpush v1, $0x1;
	_ =	sdelay $0x1  }
0xcf: {  	(v2sf) =	vpush v1, $0x0;
	_ =	sdelay $0x1  }
0xd0: {  	(v2sf) =	vpush v0, $0x3;
	_ =	sdelay $0x1  }
0xd1: {  	(v2sf) =	vpush v0, $0x2;
	_ =	sdelay $0x1  }
0xd2: {  	(v2sf) =	vpush v1, $0x3;
	_ =	sdelay $0x1  }
0xd3: {  	s14 =	sand.u32 $0x4000, s12;
	(v2sf) =	vpush v1, $0x2  }
0xd4: {  	s15 =	sor.u32 $0x400, s14;
	s17 =	spop (v2sf)  }
0xd5: {  	(v2sf) =	vpush v0, $0x5;
	s17 =	sor.u32 s17, s15  }
0xd6: {  	s16 =	spop (v2sf);
	v6 =	vld [tilespmem:s17+$0x400]  }
0xd7: {  	(v2sf) =	vpush v0, $0x4;
	s18 =	sor.u32 s16, s15;
	v7 =	vld [tilespmem:s17+$0x410]  }
0xd8: {  	s19 =	spop (v2sf);
	s16 =	sor.u32 $0x8400, s14;
	v2 =	vld [tilespmem:s18+$0x0]  }
0xd9: {  	(v2sf) =	vpush v1, $0x5;
	v3 =	vld [tilespmem:s18+$0x10];
	s19 =	sor.u32 s19, s16  }
0xda: {  	s20 =	spop (v2sf);
	(v2sf) =	vpush v1, $0x4;
	v8 =	vld [tilespmem:s19+$0x400]  }
0xdb: {  	s20 =	sor.u32 s20, s16;
	v9 =	vld [tilespmem:s19+$0x410]  }
0xdc: {  	s18 =	spop (v2sf);
	v4 =	vld [tilespmem:s20+$0x0]  }
0xdd: {  	(v2sf) =	vpush v0, $0x7;
	v5 =	vld [tilespmem:s20+$0x10];
	s18 =	sor.u32 s18, s15  }
0xde: {  	s20 =	spop (v2sf);
	(v2sf) =	vpush v0, $0x6;
	v14 =	vld [tilespmem:s18+$0xC00]  }
0xdf: {  	s17 =	sor.u32 s20, s15;
	v15 =	vld [tilespmem:s18+$0xC10]  }
0xe0: {  	s19 =	spop (v2sf);
	(v2sf) =	vpush v1, $0x7;
	v10 =	vld [tilespmem:s17+$0x800]  }
0xe1: {  	v11 =	vld [tilespmem:s17+$0x810];
	s19 =	sor.u32 s19, s16  }
0xe2: {  	s20 =	spop (v2sf);
	(v2sf) =	vpush v1, $0x6;
	v16 =	vld [tilespmem:s19+$0xC00]  }
0xe3: {  	s20 =	sor.u32 s20, s16;
	v17 =	vld [tilespmem:s19+$0xC10]  }
0xe4: {  	v12 =	vld [tilespmem:s20+$0x800];
	s18 =	spop (v2sf)  }
0xe5: {  	v13 =	vld [tilespmem:s20+$0x810];
	(v2sf) =	vpush v0, $0x9;
	s18 =	sor.u32 s18, s15  }
0xe6: {  	s20 =	spop (v2sf);
	(v2sf) =	vpush v0, $0x8;
	v22 =	vld [tilespmem:s18+$0x1400]  }
0xe7: {  	s17 =	sor.u32 s20, s15;
	v23 =	vld [tilespmem:s18+$0x1410]  }
0xe8: {  	s19 =	spop (v2sf);
	(v2sf) =	vpush v1, $0x9;
	v18 =	vld [tilespmem:s17+$0x1000]  }
0xe9: {  	s20 =	spop (v2sf);
	v19 =	vld [tilespmem:s17+$0x1010];
	(v2sf) =	vpush v1, $0x8;
	s19 =	sor.u32 s19, s16  }
0xea: {  	v24 =	vld [tilespmem:s19+$0x1400]  }
0xeb: {  	s20 =	sor.u32 s20, s16;
	v25 =	vld [tilespmem:s19+$0x1410]  }
0xec: {  	s18 =	spop (v2sf);
	(v2sf) =	vpush v0, $0xB;
	v20 =	vld [tilespmem:s20+$0x1000]  }
0xed: {  	v21 =	vld [tilespmem:s20+$0x1010];
	s20 =	spop (v2sf);
	(v2sf) =	vpush v0, $0xA;
	s18 =	sor.u32 s18, s15  }
0xee: {  	v30 =	vld [tilespmem:s18+$0x1C00]  }
0xef: {  	s17 =	sor.u32 s20, s15;
	s19 =	spop (v2sf);
	(v2sf) =	vpush v1, $0xB;
	v31 =	vld [tilespmem:s18+$0x1C10]  }
0xf0: {  	v26 =	vld [tilespmem:s17+$0x1800]  }
0xf1: {  	s20 =	spop (v2sf);
	v27 =	vld [tilespmem:s17+$0x1810];
	(v2sf) =	vpush v1, $0xA;
	s19 =	sor.u32 s19, s16  }
0xf2: {  	v32 =	vld [tilespmem:s19+$0x1C00]  }
0xf3: {  	s20 =	sor.u32 s20, s16;
	v33 =	vld [tilespmem:s19+$0x1C10]  }
0xf4: {  	v28 =	vld [tilespmem:s20+$0x1800];
	s18 =	spop (v2sf);
	(v2sf) =	vpush v0, $0xD  }
0xf5: {  	v29 =	vld [tilespmem:s20+$0x1810];
	s20 =	spop (v2sf);
	(v2sf) =	vpush v0, $0xC;
	s18 =	sor.u32 s18, s15  }
0xf6: {  	v38 =	vld [tilespmem:s18+$0x2400]  }
0xf7: {  	s17 =	sor.u32 s20, s15;
	s19 =	spop (v2sf);
	(v2sf) =	vpush v1, $0xD;
	v39 =	vld [tilespmem:s18+$0x2410]  }
0xf8: {  	v34 =	vld [tilespmem:s17+$0x2000];
	s20 =	spop (v2sf);
	(v2sf) =	vpush v1, $0xC  }
0xf9: {  	v35 =	vld [tilespmem:s17+$0x2010];
	s19 =	sor.u32 s19, s16  }
0xfa: {  	s20 =	sor.u32 s20, s16;
	v40 =	vld [tilespmem:s19+$0x2400]  }
0xfb: {  	s18 =	spop (v2sf);
	v36 =	vld [tilespmem:s20+$0x2000]  }
0xfc: {  	(v2sf) =	vpush v0, $0xF;
	v37 =	vld [tilespmem:s20+$0x2010];
	s20 =	spop (v2sf)  }
0xfd: {  	v41 =	vld [tilespmem:s19+$0x2410];
	(v2sf) =	vpush v0, $0xE;
	s17 =	sor.u32 s20, s15  }
0xfe: {  	s19 =	spop (v2sf);
	v0 =	vld [tilespmem:s17+$0x2800]  }
0xff: {  	(v2sf) =	vpush v1, $0xF;
	v42 =	vld [tilespmem:s17+$0x2810];
	s17 =	sor.u32 s19, s16  }
0x100: {  	s20 =	spop (v2sf);
	(v2sf) =	vpush v1, $0xE;
	v46 =	vld [tilespmem:s17+$0x2C00]  }
0x101: {  	s20 =	sor.u32 s20, s16;
	v47 =	vld [tilespmem:s17+$0x2C10]  }
0x102: {  	v1 =	vld [tilespmem:s20+$0x2800]  }
0x103: {  	v43 =	vld [tilespmem:s20+$0x2810];
	s20 =	sor.u32 s18, s15;
	s18 =	spop (v2sf)  }
0x104: {  	v44 =	vld [tilespmem:s20+$0x2C00];
	s19 =	spop (v2sf)  }
0x105: {  	v45 =	vld [tilespmem:s20+$0x2C10];
	s17 =	sor.u32 s19, s15  }
0x106: {  	s20 =	spop (v2sf);
	v48 =	vld [tilespmem:s17+$0x3000]  }
0x107: {  	v2 =	vmul.f32 v4, v2;
	s19 =	spop (v2sf);
	v49 =	vld [tilespmem:s17+$0x3010];
	s17 =	sor.u32 s20, s16  }
0x108: {  	v3 =	vmul.f32 v5, v3;
	v62 =	vmul.f32 v13, v11;
	s19 =	sor.u32 s19, s16;
	v11 =	vld [tilespmem:s17+$0x3400]  }
0x109: {  	v59 =	vmul.f32 v8, v6;
	v60 =	vmul.f32 v9, v7;
	v50 =	vld [tilespmem:s19+$0x3000]  }
0x10a: {  	v2 =	vadd.f32 v3, v2;
	v61 =	vmul.f32 v12, v10;
	v4 =	vld [tilespmem:s19+$0x3010];
	s19 =	sor.u32 s18, s15  }
0x10b: {  	v5 =	vadd.f32 v60, v59;
	s18 =	spop (v2sf);
	v7 =	vld [tilespmem:s19+$0x3400]  }
0x10c: {  	v63 =	vmul.f32 v16, v14;
	v16 =	vmul.f32 v17, v15;
	(xrf2) =	vadd.scan.msk.f32 $0xffff, v2;
	v17 =	vadd.f32 v62, v61;
	v9 =	vld [tilespmem:s19+$0x3410];
	s19 =	spop (v2sf)  }
0x10d: {  	(xrf2) =	vadd.scan.msk.f32 $0xffff, v5;
	v18 =	vmul.f32 v20, v18;
	v20 =	vmul.f32 v21, v19;
	v12 =	vld [tilespmem:s17+$0x3410];
	s17 =	sor.u32 s19, s15  }
0x10e: {  	(xrf2) =	vadd.scan.msk.f32 $0xffff, v17;
	v22 =	vmul.f32 v24, v22;
	v24 =	vmul.f32 v25, v23;
	v21 =	vadd.f32 v16, v63;
	s20 =	spop (v2sf);
	v13 =	vld [tilespmem:s17+$0x3800]  }
0x10f: {  	v25 =	vadd.f32 v20, v18;
	v28 =	vmul.f32 v28, v26;
	v51 =	vmul.f32 v29, v27;
	s19 =	spop (v2sf);
	v14 =	vld [tilespmem:s17+$0x3810];
	s20 =	sor.u32 s20, s16  }
0x110: {  	v52 =	vadd.f32 v24, v22;
	(xrf2) =	vadd.scan.msk.f32 $0xffff, v21;
	v53 =	vmul.f32 v32, v30;
	v54 =	vmul.f32 v33, v31;
	s19 =	sor.u32 s19, s16;
	v24 =	vld [tilespmem:s20+$0x3C00]  }
0x111: {  	(xrf2) =	vadd.scan.msk.f32 $0xffff, v25;
	v56 =	vadd.f32 v51, v28;
	v57 =	vmul.f32 v36, v34;
	v58 =	vmul.f32 v37, v35;
	v55 =	vld [tilespmem:s19+$0x3800]  }
0x112: {  	(xrf2) =	vadd.scan.msk.f32 $0xffff, v52;
	v60 =	vadd.f32 v54, v53;
	v61 =	vmul.f32 v40, v38;
	v62 =	vmul.f32 v41, v39;
	v59 =	vld [tilespmem:s19+$0x3810]  }
0x113: {  	(xrf2) =	vadd.scan.msk.f32 $0xffff, v56;
	v18 =	vadd.f32 v58, v57;
	v0 =	vmul.f32 v1, v0;
	v19 =	vmul.f32 v43, v42;
	v27 =	vld [tilespmem:s20+$0x3C10];
	s19 =	sor.u32 s18, s15  }
0x114: {  	(xrf2) =	vadd.scan.msk.f32 $0xffff, v60;
	v21 =	vadd.f32 v62, v61;
	v22 =	vmul.f32 v46, v44;
	v23 =	vmul.f32 v47, v45;
	v63 =	vld [tilespmem:s19+$0x3C00]  }
0x115: {  	(xrf2) =	vadd.scan.msk.f32 $0xffff, v18;
	v0 =	vadd.f32 v19, v0;
	v25 =	vmul.f32 v50, v48;
	v26 =	vmul.f32 v4, v49;
	v20 =	vld [tilespmem:s19+$0x3C10]  }
0x116: {  	v31, _, _ =	vpop (xrf2);
	(xrf2) =	vadd.scan.msk.f32 $0xffff, v21;
	v28 =	vadd.f32 v23, v22;
	v29 =	vmul.f32 v11, v7;
	v30 =	vmul.f32 v12, v9  }
0x117: {  	v35, _, _ =	vpop (xrf2);
	(xrf2) =	vadd.scan.msk.f32 $0xffff, v0;
	v32 =	vadd.f32 v26, v25;
	v33 =	vmul.f32 v55, v13;
	v34 =	vmul.f32 v59, v14  }
0x118: {  	v36 =	vbroadcast v31, $0xF;
	v37, _, _ =	vpop (xrf2);
	(xrf2) =	vadd.scan.msk.f32 $0xffff, v28;
	v6 =	vadd.f32 v30, v29  }
0x119: {  	v39 =	vbroadcast v35, $0xF;
	v42 =	vbroadcast v37, $0xF;
	(xrf2) =	vadd.scan.msk.f32 $0xffff, v32;
	v38 =	vadd.f32 v34, v33  }
0x11a: {  	v41, _, _ =	vpop (xrf2);
	(xrf2) =	vadd.scan.msk.f32 $0xffff, v6;
	v40 =	vmul.f32 v24, v63;
	v3 =	vmul.f32 v27, v20  }
0x11b: {  	v1 =	vsel vm0, v36, v39;
	v43 =	vbroadcast v41, $0xF;
	v44, _, _ =	vpop (xrf2);
	(xrf2) =	vadd.scan.msk.f32 $0xffff, v38  }
0x11c: {  	v45, _, _ =	vpop (xrf2);
	v1 =	vsel vm1, v1, v42;
	v46 =	vbroadcast v44, $0xF;
	v2 =	vadd.f32 v3, v40  }
0x11d: {  	v47, _, _ =	vpop (xrf2);
	v1 =	vsel vm2, v1, v43;
	v0 =	vbroadcast v45, $0xF  }
0x11e: {  	v1 =	vsel vm3, v1, v46;
	v48, _, _ =	vpop (xrf2);
	v3 =	vbroadcast v47, $0xF;
	(xrf2) =	vadd.scan.msk.f32 $0xffff, v2  }
0x11f: {  	v0 =	vsel vm4, v1, v0;
	v49, _, _ =	vpop (xrf2);
	v50 =	vbroadcast v48, $0xF  }
0x120: {  	v51, _, _ =	vpop (xrf2);
	v0 =	vsel vm5, v0, v3;
	v2 =	vbroadcast v49, $0xF  }
0x121: {  	v52, _, _ =	vpop (xrf2);
	v53 =	vbroadcast v51, $0xF;
	v0 =	vsel vm6, v0, v50  }
0x122: {  	v54, _, _ =	vpop (xrf2);
	v55 =	vbroadcast v52, $0xF;
	v0 =	vsel vm7, v0, v2  }
0x123: {  	v57 =	vbroadcast v54, $0xF;
	v0 =	vsel vm8, v0, v53;
	v56, _, _ =	vpop (xrf2)  }
0x124: {  	v0 =	vsel vm9, v0, v55;
	v58, _, _ =	vpop (xrf2);
	v59 =	vbroadcast v56, $0xF  }
0x125: {  	p0 =	sgt.u32 s13, $0x1D;
	v0 =	vsel vm10, v0, v57;
	v61 =	vbroadcast v58, $0xF;
	v60, _, _ =	vpop (xrf2)  }
.Ltmp4:
0x126: {  	v0 =	vsel vm11, v0, v59;
	v62 =	vbroadcast v60, $0xF;
	(pc) =	sbr.rel @p0 .LBB2_4-.Ltmp4, $4  }
0x127: {  	v0 =	vsel vm12, v0, v61  }
0x128: {  	v63, _, _ =	vpop (xrf2);
	v0 =	vsel vm13, v0, v62  }
0x129: {  	v0 =	vsel vm14, v0, v63  }
0x12a: {  	[tilespmem:s11+$0x0] =	vst v0  }
0x12b: {  	v0 =	vld [tilespmem:s1+$0x0];
	_ =	sdelay $0x1  }
0x12c: {  	v1 =	vld [tilespmem:s10+$0x0];
	_ =	sdelay $0x2  }
0x12d: {  	v0 =	vand.u32 $0xFFFFFFF8, v0  }
0x12e: {  	v0 =	vshll.u32 v0, $0x4  }
0x12f: {  	v1 =	vand.u32 $0xFFFFFFF8, v1;
	v0 =	vadd.s32 s3, v0  }
0x130: {  	v1 =	vshll.u32 v1, $0x4;
	(v2sf) =	vpush v0, $0x0  }
0x131: {  	v1 =	vadd.s32 s4, v1  }
0x132: {  	(v2sf) =	vpush v1, $0x0;
	_ =	sdelay $0x1  }
0x133: {  	(v2sf) =	vpush v0, $0x1;
	_ =	sdelay $0x1  }
0x134: {  	(v2sf) =	vpush v1, $0x1;
	_ =	sdelay $0x1  }
0x135: {  	(v2sf) =	vpush v0, $0x2;
	_ =	sdelay $0x1  }
0x136: {  	(v2sf) =	vpush v1, $0x2;
	_ =	sdelay $0x1  }
0x137: {  	(v2sf) =	vpush v0, $0x3;
	_ =	sdelay $0x1  }
0x138: {  	(v2sf) =	vpush v1, $0x3  }
0x139: {  	s17 =	spop (v2sf)  }
0x13a: {  	(v2sf) =	vpush v0, $0x4;
	[tilespmem:s15], [sflag:$0x1] =	stream.linear.gather [hbm4b:s17+s2], $0x400, $0x38;
	[tilespmem:$0x10600] =	vst v63  }
0x13b: {  	s20 =	spop (v2sf)  }
0x13c: {  	(v2sf) =	vpush v1, $0x4;
	[tilespmem:s16], [sflag:$0x1] =	stream.linear.gather [hbm4b:s20+s2], $0x400, $0x38;
	[tilespmem:$0x10600] =	vst v63  }
0x13d: {  	s17 =	sadd.s32 $0x800, s14;
	s18 =	spop (v2sf)  }
0x13e: {  	(v2sf) =	vpush v0, $0x5;
	[tilespmem:s17], [sflag:$0x1] =	stream.linear.gather [hbm4b:s18+s2], $0x400, $0x38;
	[tilespmem:$0x10600] =	vst v63  }
0x13f: {  	s19 =	sadd.s32 $0x8800, s14;
	s20 =	spop (v2sf)  }
0x140: {  	(v2sf) =	vpush v1, $0x5;
	[tilespmem:s19], [sflag:$0x1] =	stream.linear.gather [hbm4b:s20+s2], $0x400, $0x38;
	[tilespmem:$0x10600] =	vst v63  }
0x141: {  	s17 =	sadd.s32 $0xC00, s14;
	s18 =	spop (v2sf)  }
0x142: {  	(v2sf) =	vpush v0, $0x6;
	[tilespmem:s17], [sflag:$0x1] =	stream.linear.gather [hbm4b:s18+s2], $0x400, $0x38;
	[tilespmem:$0x10600] =	vst v63  }
0x143: {  	s19 =	sadd.s32 $0x8C00, s14;
	s20 =	spop (v2sf)  }
0x144: {  	(v2sf) =	vpush v1, $0x6;
	[tilespmem:s19], [sflag:$0x1] =	stream.linear.gather [hbm4b:s20+s2], $0x400, $0x38;
	[tilespmem:$0x10600] =	vst v63  }
0x145: {  	s17 =	sadd.s32 $0x1000, s14;
	s18 =	spop (v2sf)  }
0x146: {  	(v2sf) =	vpush v0, $0x7;
	[tilespmem:s17], [sflag:$0x1] =	stream.linear.gather [hbm4b:s18+s2], $0x400, $0x38;
	[tilespmem:$0x10600] =	vst v63  }
0x147: {  	s19 =	sadd.s32 $0x9000, s14;
	s20 =	spop (v2sf)  }
0x148: {  	(v2sf) =	vpush v1, $0x7;
	[tilespmem:s19], [sflag:$0x1] =	stream.linear.gather [hbm4b:s20+s2], $0x400, $0x38;
	[tilespmem:$0x10600] =	vst v63  }
0x149: {  	s17 =	sadd.s32 $0x1400, s14;
	s18 =	spop (v2sf)  }
0x14a: {  	(v2sf) =	vpush v0, $0x8;
	[tilespmem:s17], [sflag:$0x1] =	stream.linear.gather [hbm4b:s18+s2], $0x400, $0x38;
	[tilespmem:$0x10600] =	vst v63  }
0x14b: {  	s19 =	sadd.s32 $0x9400, s14;
	s20 =	spop (v2sf)  }
0x14c: {  	(v2sf) =	vpush v1, $0x8;
	[tilespmem:s19], [sflag:$0x1] =	stream.linear.gather [hbm4b:s20+s2], $0x400, $0x38;
	[tilespmem:$0x10600] =	vst v63  }
0x14d: {  	s17 =	sadd.s32 $0x1800, s14;
	s18 =	spop (v2sf)  }
0x14e: {  	(v2sf) =	vpush v0, $0x9;
	[tilespmem:s17], [sflag:$0x1] =	stream.linear.gather [hbm4b:s18+s2], $0x400, $0x38;
	[tilespmem:$0x10600] =	vst v63  }
0x14f: {  	s19 =	sadd.s32 $0x9800, s14;
	s20 =	spop (v2sf)  }
0x150: {  	(v2sf) =	vpush v1, $0x9;
	[tilespmem:s19], [sflag:$0x1] =	stream.linear.gather [hbm4b:s20+s2], $0x400, $0x38;
	[tilespmem:$0x10600] =	vst v63  }
0x151: {  	s17 =	sadd.s32 $0x1C00, s14;
	s18 =	spop (v2sf)  }
0x152: {  	(v2sf) =	vpush v0, $0xA;
	[tilespmem:s17], [sflag:$0x1] =	stream.linear.gather [hbm4b:s18+s2], $0x400, $0x38;
	[tilespmem:$0x10600] =	vst v63  }
0x153: {  	s19 =	sadd.s32 $0x9C00, s14;
	s20 =	spop (v2sf)  }
0x154: {  	(v2sf) =	vpush v1, $0xA;
	[tilespmem:s19], [sflag:$0x1] =	stream.linear.gather [hbm4b:s20+s2], $0x400, $0x38;
	[tilespmem:$0x10600] =	vst v63  }
0x155: {  	s17 =	sadd.s32 $0x2000, s14;
	s18 =	spop (v2sf)  }
0x156: {  	(v2sf) =	vpush v0, $0xB;
	[tilespmem:s17], [sflag:$0x1] =	stream.linear.gather [hbm4b:s18+s2], $0x400, $0x38;
	[tilespmem:$0x10600] =	vst v63  }
0x157: {  	s19 =	sadd.s32 $0xA000, s14;
	s20 =	spop (v2sf)  }
0x158: {  	(v2sf) =	vpush v1, $0xB;
	[tilespmem:s19], [sflag:$0x1] =	stream.linear.gather [hbm4b:s20+s2], $0x400, $0x38;
	[tilespmem:$0x10600] =	vst v63  }
0x159: {  	s17 =	sadd.s32 $0x2400, s14;
	s18 =	spop (v2sf)  }
0x15a: {  	(v2sf) =	vpush v0, $0xC;
	[tilespmem:s17], [sflag:$0x1] =	stream.linear.gather [hbm4b:s18+s2], $0x400, $0x38;
	[tilespmem:$0x10600] =	vst v63  }
0x15b: {  	s19 =	sadd.s32 $0xA400, s14;
	s20 =	spop (v2sf)  }
0x15c: {  	(v2sf) =	vpush v1, $0xC;
	[tilespmem:s19], [sflag:$0x1] =	stream.linear.gather [hbm4b:s20+s2], $0x400, $0x38;
	[tilespmem:$0x10600] =	vst v63  }
0x15d: {  	s17 =	sadd.s32 $0x2800, s14;
	s18 =	spop (v2sf)  }
0x15e: {  	(v2sf) =	vpush v0, $0xD;
	[tilespmem:s17], [sflag:$0x1] =	stream.linear.gather [hbm4b:s18+s2], $0x400, $0x38;
	[tilespmem:$0x10600] =	vst v63  }
0x15f: {  	s19 =	sadd.s32 $0xA800, s14;
	s20 =	spop (v2sf)  }
0x160: {  	(v2sf) =	vpush v1, $0xD;
	[tilespmem:s19], [sflag:$0x1] =	stream.linear.gather [hbm4b:s20+s2], $0x400, $0x38;
	[tilespmem:$0x10600] =	vst v63  }
0x161: {  	s17 =	sadd.s32 $0x2C00, s14;
	s18 =	spop (v2sf)  }
0x162: {  	(v2sf) =	vpush v0, $0xE;
	[tilespmem:s17], [sflag:$0x1] =	stream.linear.gather [hbm4b:s18+s2], $0x400, $0x38;
	[tilespmem:$0x10600] =	vst v63  }
0x163: {  	s19 =	sadd.s32 $0xAC00, s14;
	s20 =	spop (v2sf)  }
0x164: {  	(v2sf) =	vpush v1, $0xE;
	[tilespmem:s19], [sflag:$0x1] =	stream.linear.gather [hbm4b:s20+s2], $0x400, $0x38;
	[tilespmem:$0x10600] =	vst v63  }
0x165: {  	s17 =	sadd.s32 $0x3000, s14;
	s18 =	spop (v2sf)  }
0x166: {  	[tilespmem:s17], [sflag:$0x1] =	stream.linear.gather [hbm4b:s18+s2], $0x400, $0x38;
	[tilespmem:$0x10600] =	vst v63  }
0x167: {  	(v2sf) =	vpush v0, $0xF;
	s19 =	sadd.s32 $0xB000, s14;
	s20 =	spop (v2sf)  }
0x168: {  	[tilespmem:s19], [sflag:$0x1] =	stream.linear.gather [hbm4b:s20+s2], $0x400, $0x38;
	[tilespmem:$0x10600] =	vst v63  }
0x169: {  	(v2sf) =	vpush v1, $0xF;
	s17 =	spop (v2sf);
	s18 =	sadd.s32 $0x3400, s14  }
0x16a: {  	[tilespmem:s18], [sflag:$0x1] =	stream.linear.gather [hbm4b:s17+s2], $0x400, $0x38;
	[tilespmem:$0x10600] =	vst v63  }
0x16b: {  	s19 =	spop (v2sf);
	s20 =	sadd.s32 $0xB400, s14  }
0x16c: {  	[tilespmem:s20], [sflag:$0x1] =	stream.linear.gather [hbm4b:s19+s2], $0x400, $0x38;
	[tilespmem:$0x10600] =	vst v63  }
0x16d: {  	s17 =	spop (v2sf);
	s18 =	sadd.s32 $0x3800, s14  }
0x16e: {  	[tilespmem:s18], [sflag:$0x1] =	stream.linear.gather [hbm4b:s17+s2], $0x400, $0x38;
	[tilespmem:$0x10600] =	vst v63  }
0x16f: {  	s19 =	spop (v2sf);
	s20 =	sadd.s32 $0xB800, s14  }
0x170: {  	[tilespmem:s20], [sflag:$0x1] =	stream.linear.gather [hbm4b:s19+s2], $0x400, $0x38;
	[tilespmem:$0x10600] =	vst v63  }
0x171: {  	s17 =	spop (v2sf);
	s18 =	sadd.s32 $0x3C00, s14  }
0x172: {  	[tilespmem:s18], [sflag:$0x1] =	stream.linear.gather [hbm4b:s17+s2], $0x400, $0x38;
	[tilespmem:$0x10600] =	vst v63  }
0x173: {  	s19 =	spop (v2sf);
	s20 =	sadd.s32 $0xBC00, s14  }
0x174: {  	[tilespmem:s20], [sflag:$0x1] =	stream.linear.gather [hbm4b:s19+s2], $0x400, $0x38;
	[tilespmem:$0x10600] =	vst v63  }
.Ltmp5:
0x175: {  	_ = 	snop;
	(pc) =	sbr.rel .LBB2_4-.Ltmp5, $4  }
0x176: {  	s17 =	spop (v2sf);
	s18 =	sadd.s32 $0x4000, s14  }
0x177: {  	[tilespmem:s18], [sflag:$0x1] =	stream.linear.gather [hbm4b:s17+s2], $0x400, $0x38;
	[tilespmem:$0x10600] =	vst v63  }
0x178: {  	s19 =	sadd.s32 $0xC000, s14;
	s20 =	spop (v2sf)  }
0x179: {  	[tilespmem:s19], [sflag:$0x1] =	stream.linear.gather [hbm4b:s20+s2], $0x400, $0x38;
	[tilespmem:$0x10600] =	vst v63  }
.LBB2_6:
0x17a: {  	_ =	sfence.sel $0x180000  }
0x17b: {  	[bflag:$0x0] =	sbarrier.arrive $0xFFFF  }
0x17c: {  	_ =	strace $0x90000047  }
0x17d: {  	s0 =	stileid.u32;
	[bflag:$0x2] =	sbarrier.arrive $0xFFFF  }
0x17e: {  	p0 =	sne.s32 s0, $0x0;
	s0 =	rddreg [dreg:$0x4]  }
0x17f: {  	s0 =	sadd.s32 @!p0 $0x100000, s0  }
0x180: {  	[sflag:s0] =	ssyncadd.tile.s32 @!p0 $0x1;
	_ =	shalt  }
.Lfunc_end2:
_tile_overlayer_lowered:
.L_overlay_start_2:
0x181: {  	(tag) =	ssettag $0x2  }
0x182: {  	s0 =	rddreg [dreg:$0x0];
	s2 =	stileid.u32  }
0x183: {  	s1 =	rddreg [dreg:$0x1];
	p0 =	sne.s32 s2, $0x0  }
0x184: {  	s3 =	rddreg [dreg:$0x2];
	[bflag:$0x3] =	sbarrier.arrive $0xFFFF;
	s2 =	simm.s32 @!p0 $0x1C02  }
0x185: {  	[timem:s3], [sflag:s2] =	dma.local @!p0 [hbm:s0], s1  }
0x186: {  	s0 =	simm.s32 @!p0 $0x2  }
0x187: {  	_ =	swait.ge @!p0 [sflag:s0], s1  }
0x188: {  	s1 =	ssub.s32 @!p0 $0x0, s1;
	[sflag:s0] =	ssyncset.done @!p0 $0x0  }
0x189: {  	[sflag:s0] =	ssyncadd.s32 @!p0 s1  }
0x18a: {  	[bflag:$0x3] =	sbarrier.arrive $0xFFFF  }
0x18b: {  	_ =	shalt  }

</sc_bundles>
